<compile_context>
chip_gen: v7x
topology: tpu7x:2x2x1
jax: 0.10.2.dev20260603
libtpu: 0.0.44.dev20260713+nightly
codegen_flags: <defaults>
</compile_context>

<pallas_src>
import functools

import jax
import jax.numpy as jnp
from jax import lax
from jax.experimental import pallas as pl
from jax.experimental.pallas import tpu as pltpu
from jax.experimental.pallas import tpu_sc as plsc

NC = 2
NS = 16
NW = NC * NS
LANES = 16
CHUNK = 128


def _sc_aggregate(feat, src3, dst3, w3, n_acc, nch):
    d = feat.shape[1]
    rows_per_tile = n_acc // NS
    mesh = plsc.VectorSubcoreMesh(core_axis_name="c", subcore_axis_name="s")

    @functools.partial(
        pl.kernel,
        out_type=(
            jax.ShapeDtypeStruct((NC, n_acc, d), jnp.float32),
            jax.ShapeDtypeStruct((NC * n_acc,), jnp.float32),
        ),
        mesh=mesh,
        scratch_types=[
            pltpu.VMEM((nch, CHUNK), jnp.int32),
            pltpu.VMEM((nch, CHUNK), jnp.int32),
            pltpu.VMEM((nch, CHUNK), jnp.float32),
            pltpu.VMEM((CHUNK, d), jnp.float32),
            pltpu.VMEM((CHUNK,), jnp.float32),
            pltpu.VMEM((n_acc // NS,), jnp.float32),
            pltpu.VMEM_SHARED((n_acc, d), jnp.float32),
            pltpu.VMEM_SHARED((n_acc,), jnp.float32),
        ],
    )
    def agg_kernel(feat_hbm, src_hbm, dst_hbm, w_hbm, agg_hbm, deg_hbm,
                   srcv, dstv, wv, rbuf, ones, degv, acc_sh, deg_sh):
        c = lax.axis_index("c")
        s = lax.axis_index("s")
        wid = c * NS + s

        zeros16 = jnp.zeros((LANES,), jnp.float32)
        ones16 = jnp.ones((LANES,), jnp.float32)

        @pl.loop(0, CHUNK)
        def _(r):
            for j in range(d // LANES):
                rbuf[r, pl.ds(j * LANES, LANES)] = zeros16

        @pl.loop(0, CHUNK // LANES)
        def _(i):
            ones[pl.ds(i * LANES, LANES)] = ones16

        base = s * rows_per_tile
        off = 0
        while off < rows_per_tile:
            nr = min(CHUNK, rows_per_tile - off)
            pltpu.sync_copy(rbuf.at[pl.ds(0, nr)],
                            acc_sh.at[pl.ds(base + off, nr)])
            pltpu.sync_copy(rbuf.at[0, pl.ds(0, nr)],
                            deg_sh.at[pl.ds(base + off, nr)])
            off += nr
        plsc.subcore_barrier()

        pltpu.sync_copy(src_hbm.at[wid], srcv)
        pltpu.sync_copy(dst_hbm.at[wid], dstv)
        pltpu.sync_copy(w_hbm.at[wid], wv)

        @pl.loop(0, nch)
        def _(g):
            pltpu.sync_copy(feat_hbm.at[srcv.at[g]], rbuf)

            @pl.loop(0, CHUNK // LANES)
            def _(e16):
                w16 = wv[g, pl.ds(e16 * LANES, LANES)]
                for k in range(LANES):
                    wvec = jnp.full((LANES,), w16[k], jnp.float32)
                    row = e16 * LANES + k
                    for j in range(d // LANES):
                        sl = pl.ds(j * LANES, LANES)
                        rbuf[row, sl] = rbuf[row, sl] * wvec

            pltpu.sync_copy(rbuf, acc_sh.at[dstv.at[g]], add=True)
            pltpu.sync_copy(ones, deg_sh.at[dstv.at[g]], add=True)

        plsc.subcore_barrier()

        pltpu.sync_copy(acc_sh.at[pl.ds(base, rows_per_tile)],
                        agg_hbm.at[c, pl.ds(base, rows_per_tile)])
        pltpu.sync_copy(deg_sh.at[pl.ds(base, rows_per_tile)], degv)
        pltpu.sync_copy(degv,
                        deg_hbm.at[pl.ds(c * n_acc + base, rows_per_tile)])

    return agg_kernel(feat, src3, dst3, w3)


def _combine(feat, agg0, agg1, deg0, deg1, wn_t, ws_t):
    n, d = feat.shape
    blk = 2000
    assert n % blk == 0

    def body(feat_ref, a0_ref, a1_ref, d0_ref, d1_ref, wn_ref, ws_ref,
             out_ref):
        acc = a0_ref[...] + a1_ref[...]
        deg = jnp.maximum(d0_ref[...] + d1_ref[...], 1.0)
        neigh = jnp.dot(acc, wn_ref[...], preferred_element_type=jnp.float32)
        self_t = jnp.dot(feat_ref[...], ws_ref[...],
                         preferred_element_type=jnp.float32)
        out_ref[...] = self_t + neigh / deg

    return pl.pallas_call(
        body,
        grid=(n // blk,),
        in_specs=[
            pl.BlockSpec((blk, d), lambda i: (i, 0)),
            pl.BlockSpec((blk, d), lambda i: (i, 0)),
            pl.BlockSpec((blk, d), lambda i: (i, 0)),
            pl.BlockSpec((blk, 1), lambda i: (i, 0)),
            pl.BlockSpec((blk, 1), lambda i: (i, 0)),
            pl.BlockSpec((d, d), lambda i: (0, 0)),
            pl.BlockSpec((d, d), lambda i: (0, 0)),
        ],
        out_specs=pl.BlockSpec((blk, d), lambda i: (i, 0)),
        out_shape=jax.ShapeDtypeStruct((n, d), jnp.float32),
    )(feat, agg0, agg1, deg0[:, None], deg1[:, None], wn_t, ws_t)


def kernel(feat, edge_index, edge_weight, W_neigh, W_self):
    n = feat.shape[0]
    e = edge_index.shape[1]
    src = edge_index[0]
    dst = edge_index[1]

    per_round = NW * CHUNK
    nch = -(-e // per_round)
    e_pad = per_round * nch
    pad = e_pad - e
    n_acc = -(-(n + 1) // (NS * 8)) * (NS * 8)

    src_p = jnp.concatenate([src, jnp.zeros((pad,), jnp.int32)])
    dst_p = jnp.concatenate([dst, jnp.full((pad,), n, jnp.int32)])
    w_p = jnp.concatenate([edge_weight, jnp.zeros((pad,), jnp.float32)])
    src3 = src_p.reshape(NW, nch, CHUNK)
    dst3 = dst_p.reshape(NW, nch, CHUNK)
    w3 = w_p.reshape(NW, nch, CHUNK)

    agg, deg = _sc_aggregate(feat, src3, dst3, w3, n_acc, nch)
    return _combine(feat, agg[0, :n], agg[1, :n], deg[:n],
                    deg[n_acc:n_acc + n], W_neigh.T, W_self.T)

# --- scband reference (transcript-rebuilt; emitter-appended) ---
"""Pipeline reference for scband-filconv-10264971837830 (READ-ONLY COPY).

The authoritative reference and input builder live on the scoring server;
editing this copy changes nothing except your own understanding.
"""

import jax, jax.numpy as jnp
import numpy as np

N = 10000
E = 320000
D_IN = 128
D_OUT = 128


def setup_inputs(seed: int = 0) -> dict:
    key = jax.random.key(seed)
    k1, k2, k3, k4, k5 = jax.random.split(key, 5)
    feat = jax.random.normal(k1, (N, D_IN), dtype=jnp.float32)
    edge_index = jax.random.randint(k2, (2, E), 0, N, dtype=jnp.int32)
    edge_weight = jax.random.uniform(k3, (E,), dtype=jnp.float32)
    # Learned parameters (xavier-like scale): fc_neigh and fc_self weights
    W_neigh = jax.random.normal(k4, (D_OUT, D_IN), dtype=jnp.float32) * (1.0 / np.sqrt(D_IN))
    W_self = jax.random.normal(k5, (D_OUT, D_IN), dtype=jnp.float32) * (1.0 / np.sqrt(D_IN))
    return {"feat": feat, "edge_index": edge_index, "edge_weight": edge_weight,
            "W_neigh": W_neigh, "W_self": W_self}


def reference(feat, edge_index, edge_weight, W_neigh, W_self):
    # FILConv forward:
    #   h = fc_neigh(feat_src)                (linear, no bias)
    #   m = h[src] * edge_weight              (u_mul_e message)
    #   neigh = mean over incoming edges per dst node (fn.mean)
    #   out = fc_self(feat_dst) + neigh       (no activation, no norm)
    src = edge_index[0]
    dst = edge_index[1]
    h = feat @ W_neigh.T
    m = h[src] * edge_weight[:, None]
    neigh_sum = jax.ops.segment_sum(m, dst, num_segments=N)
    deg = jax.ops.segment_sum(jnp.ones((E,), dtype=feat.dtype), dst, num_segments=N)
    neigh = neigh_sum / jnp.maximum(deg, 1.0)[:, None]
    out = feat @ W_self.T + neigh
    return out

if __name__ == "__main__":
    import jax
    _d = setup_inputs()
    print(jax.jit(kernel)(*tuple(_d.values())))

</pallas_src>

<mosaic_0001>
#map = affine_map<(d0, d1) -> (0, 0)>
#map1 = affine_map<(d0, d1) -> (0, 0, 0)>
#map2 = affine_map<(d0, d1) -> (0)>
module attributes {stable_mosaic.version = 14 : i64} {
  func.func @agg_kernel(%arg0: i32, %arg1: i32, %arg2: memref<10000x128xf32, #tpu.memory_space<hbm>>, %arg3: memref<32x79x128xi32, #tpu.memory_space<hbm>>, %arg4: memref<32x79x128xi32, #tpu.memory_space<hbm>>, %arg5: memref<32x79x128xf32, #tpu.memory_space<hbm>>, %arg6: memref<2x10112x128xf32, #tpu.memory_space<hbm>>, %arg7: memref<20224xf32, #tpu.memory_space<hbm>>, %arg8: memref<79x128xi32, #tpu.memory_space<vmem>>, %arg9: memref<79x128xi32, #tpu.memory_space<vmem>>, %arg10: memref<79x128xf32, #tpu.memory_space<vmem>>, %arg11: memref<128x128xf32, #tpu.memory_space<vmem>>, %arg12: memref<128xf32, #tpu.memory_space<vmem>>, %arg13: memref<632xf32, #tpu.memory_space<vmem>>, %arg14: memref<10112x128xf32, #tpu.memory_space<vmem_shared>>, %arg15: memref<10112xf32, #tpu.memory_space<vmem_shared>>) attributes {dimension_semantics = [#tpu.dimension_semantics<core_parallel>, #tpu.dimension_semantics<subcore_parallel>], iteration_bounds = array<i64: 2, 16>, scalar_prefetch = 0 : i64, scratch_operands = 8 : i64, tpu.core_type = #tpu.core_type<sc_vector_subcore>, window_params = [{transform_indices = #map}, {transform_indices = #map1}, {transform_indices = #map1}, {transform_indices = #map1}, {transform_indices = #map1}, {transform_indices = #map2}]} {
    %mul3A = arith.constant 16 : i32
    %mul3A_0 = arith.muli %arg0, %mul3A : i32
    %add3A = arith.addi %mul3A_0, %arg1 : i32
    %broadcast_in_dim3A = arith.constant 0.000000e+00 : f32
    %broadcast_in_dim3A_1 = vector.broadcast %broadcast_in_dim3A : f32 to vector<16xf32>
    %broadcast_in_dim3A_2 = arith.constant 1.000000e+00 : f32
    %broadcast_in_dim3A_3 = vector.broadcast %broadcast_in_dim3A_2 : f32 to vector<16xf32>
    %scan3A = arith.constant 0 : i32
    %scan3A_4 = arith.constant 128 : i32
    %scan3A_5 = arith.addi %scan3A, %scan3A_4 : i32
    %scan3A_6 = arith.constant 1 : i32
    scf.for %scan3A_48 = %scan3A to %scan3A_5 step %scan3A_6  : i32 {
      %mul3A_49 = arith.constant 1 : i32
      %mul3A_50 = arith.muli %scan3A_48, %mul3A_49 : i32
      %add3A_51 = arith.constant 0 : i32
      %add3A_52 = arith.addi %add3A_51, %mul3A_50 : i32
      %swap3A = arith.index_cast %add3A_52 : i32 to index
      %swap3A_53 = arith.constant 0 : index
      %swap3A_54 = tpu.vector_load %arg11[%swap3A, %swap3A_53] {strides = array<i32>} : memref<128x128xf32, #tpu.memory_space<vmem>>, vector<1x16xf32>,
      %swap3A_55 = vector.shape_cast %swap3A_54 : vector<1x16xf32> to vector<16xf32>
      %swap3A_56 = vector.shape_cast %broadcast_in_dim3A_1 : vector<16xf32> to vector<1x16xf32>
      tpu.vector_store %arg11[%swap3A, %swap3A_53], %swap3A_56 {strides = array<i32>} : memref<128x128xf32, #tpu.memory_space<vmem>>, vector<1x16xf32>,
      %swap3A_57 = arith.index_cast %add3A_52 : i32 to index
      %swap3A_58 = arith.constant 16 : index
      %swap3A_59 = tpu.vector_load %arg11[%swap3A_57, %swap3A_58] {strides = array<i32>} : memref<128x128xf32, #tpu.memory_space<vmem>>, vector<1x16xf32>,
      %swap3A_60 = vector.shape_cast %swap3A_59 : vector<1x16xf32> to vector<16xf32>
      %swap3A_61 = vector.shape_cast %broadcast_in_dim3A_1 : vector<16xf32> to vector<1x16xf32>
      tpu.vector_store %arg11[%swap3A_57, %swap3A_58], %swap3A_61 {strides = array<i32>} : memref<128x128xf32, #tpu.memory_space<vmem>>, vector<1x16xf32>,
      %swap3A_62 = arith.index_cast %add3A_52 : i32 to index
      %swap3A_63 = arith.constant 32 : index
      %swap3A_64 = tpu.vector_load %arg11[%swap3A_62, %swap3A_63] {strides = array<i32>} : memref<128x128xf32, #tpu.memory_space<vmem>>, vector<1x16xf32>,
      %swap3A_65 = vector.shape_cast %swap3A_64 : vector<1x16xf32> to vector<16xf32>
      %swap3A_66 = vector.shape_cast %broadcast_in_dim3A_1 : vector<16xf32> to vector<1x16xf32>
      tpu.vector_store %arg11[%swap3A_62, %swap3A_63], %swap3A_66 {strides = array<i32>} : memref<128x128xf32, #tpu.memory_space<vmem>>, vector<1x16xf32>,
      %swap3A_67 = arith.index_cast %add3A_52 : i32 to index
      %swap3A_68 = arith.constant 48 : index
      %swap3A_69 = tpu.vector_load %arg11[%swap3A_67, %swap3A_68] {strides = array<i32>} : memref<128x128xf32, #tpu.memory_space<vmem>>, vector<1x16xf32>,
      %swap3A_70 = vector.shape_cast %swap3A_69 : vector<1x16xf32> to vector<16xf32>
      %swap3A_71 = vector.shape_cast %broadcast_in_dim3A_1 : vector<16xf32> to vector<1x16xf32>
      tpu.vector_store %arg11[%swap3A_67, %swap3A_68], %swap3A_71 {strides = array<i32>} : memref<128x128xf32, #tpu.memory_space<vmem>>, vector<1x16xf32>,
      %swap3A_72 = arith.index_cast %add3A_52 : i32 to index
      %swap3A_73 = arith.constant 64 : index
      %swap3A_74 = tpu.vector_load %arg11[%swap3A_72, %swap3A_73] {strides = array<i32>} : memref<128x128xf32, #tpu.memory_space<vmem>>, vector<1x16xf32>,
      %swap3A_75 = vector.shape_cast %swap3A_74 : vector<1x16xf32> to vector<16xf32>
      %swap3A_76 = vector.shape_cast %broadcast_in_dim3A_1 : vector<16xf32> to vector<1x16xf32>
      tpu.vector_store %arg11[%swap3A_72, %swap3A_73], %swap3A_76 {strides = array<i32>} : memref<128x128xf32, #tpu.memory_space<vmem>>, vector<1x16xf32>,
      %swap3A_77 = arith.index_cast %add3A_52 : i32 to index
      %swap3A_78 = arith.constant 80 : index
      %swap3A_79 = tpu.vector_load %arg11[%swap3A_77, %swap3A_78] {strides = array<i32>} : memref<128x128xf32, #tpu.memory_space<vmem>>, vector<1x16xf32>,
      %swap3A_80 = vector.shape_cast %swap3A_79 : vector<1x16xf32> to vector<16xf32>
      %swap3A_81 = vector.shape_cast %broadcast_in_dim3A_1 : vector<16xf32> to vector<1x16xf32>
      tpu.vector_store %arg11[%swap3A_77, %swap3A_78], %swap3A_81 {strides = array<i32>} : memref<128x128xf32, #tpu.memory_space<vmem>>, vector<1x16xf32>,
      %swap3A_82 = arith.index_cast %add3A_52 : i32 to index
      %swap3A_83 = arith.constant 96 : index
      %swap3A_84 = tpu.vector_load %arg11[%swap3A_82, %swap3A_83] {strides = array<i32>} : memref<128x128xf32, #tpu.memory_space<vmem>>, vector<1x16xf32>,
      %swap3A_85 = vector.shape_cast %swap3A_84 : vector<1x16xf32> to vector<16xf32>
      %swap3A_86 = vector.shape_cast %broadcast_in_dim3A_1 : vector<16xf32> to vector<1x16xf32>
      tpu.vector_store %arg11[%swap3A_82, %swap3A_83], %swap3A_86 {strides = array<i32>} : memref<128x128xf32, #tpu.memory_space<vmem>>, vector<1x16xf32>,
      %swap3A_87 = arith.index_cast %add3A_52 : i32 to index
      %swap3A_88 = arith.constant 112 : index
      %swap3A_89 = tpu.vector_load %arg11[%swap3A_87, %swap3A_88] {strides = array<i32>} : memref<128x128xf32, #tpu.memory_space<vmem>>, vector<1x16xf32>,
      %swap3A_90 = vector.shape_cast %swap3A_89 : vector<1x16xf32> to vector<16xf32>
      %swap3A_91 = vector.shape_cast %broadcast_in_dim3A_1 : vector<16xf32> to vector<1x16xf32>
      tpu.vector_store %arg11[%swap3A_87, %swap3A_88], %swap3A_91 {strides = array<i32>} : memref<128x128xf32, #tpu.memory_space<vmem>>, vector<1x16xf32>,
    }
    %scan3A_7 = arith.constant 128 : i32
    %scan3A_8 = arith.constant 0 : i32
    %scan3A_9 = arith.constant 8 : i32
    %scan3A_10 = arith.addi %scan3A_8, %scan3A_9 : i32
    %scan3A_11 = arith.constant 1 : i32
    scf.for %scan3A_48 = %scan3A_8 to %scan3A_10 step %scan3A_11  : i32 {
      %mul3A_49 = arith.constant 1 : i32
      %mul3A_50 = arith.muli %scan3A_48, %mul3A_49 : i32
      %add3A_51 = arith.constant 0 : i32
      %add3A_52 = arith.addi %add3A_51, %mul3A_50 : i32
      %mul3A_53 = arith.constant 16 : i32
      %mul3A_54 = arith.muli %add3A_52, %mul3A_53 : i32
      %swap3A = arith.index_cast %mul3A_54 : i32 to index
      %swap3A_55 = tpu.vector_load %arg12[%swap3A] {strides = array<i32>} : memref<128xf32, #tpu.memory_space<vmem>>, vector<16xf32>,
      %swap3A_56 = vector.shape_cast %swap3A_55 : vector<16xf32> to vector<16xf32>
      %swap3A_57 = vector.shape_cast %broadcast_in_dim3A_3 : vector<16xf32> to vector<16xf32>
      tpu.vector_store %arg12[%swap3A], %swap3A_57 {strides = array<i32>} : memref<128xf32, #tpu.memory_space<vmem>>, vector<16xf32>,
    }
    %scan3A_12 = arith.constant 8 : i32
    %mul3A_13 = arith.constant 632 : i32
    %mul3A_14 = arith.muli %arg1, %mul3A_13 : i32
    %add3A_15 = arith.constant 0 : i32
    %add3A_16 = arith.addi %mul3A_14, %add3A_15 : i32
    "tpu.region"() ({
      %run_scoped3A_48 = tpu.sem_alloc : memref<!tpu.dma_semaphore, #tpu.memory_space<semaphore_mem>>
      %dma_start3A = arith.constant 0 : i32
      %dma_start3A_49 = arith.constant 0 : i32
      %dma_start3A_50 = tpu.memref_slice %arg11[%dma_start3A, %dma_start3A_49] : memref<128x128xf32, #tpu.memory_space<vmem>> -> memref<128x128xf32, #tpu.memory_space<vmem>>
      %dma_start3A_51 = arith.constant 0 : i32
      %dma_start3A_52 = tpu.memref_slice %arg14[%add3A_16, %dma_start3A_51] : memref<10112x128xf32, #tpu.memory_space<vmem_shared>> -> memref<128x128xf32, #tpu.memory_space<vmem_shared>>
      %dma_start3A_53 = arith.constant 0 : i32
      %dma_start3A_54 = tpu.memref_slice %arg14[%add3A_16, %dma_start3A_53] : memref<10112x128xf32, #tpu.memory_space<vmem_shared>> -> memref<128x128xf32, #tpu.memory_space<vmem_shared>>
      %dma_start3A_55 = arith.constant 0 : i32
      %dma_start3A_56 = arith.constant 0 : i32
      %dma_start3A_57 = tpu.memref_slice %arg11[%dma_start3A_55, %dma_start3A_56] : memref<128x128xf32, #tpu.memory_space<vmem>> -> memref<128x128xf32, #tpu.memory_space<vmem>>
      tpu.enqueue_dma source(%dma_start3A_57 : memref<128x128xf32, #tpu.memory_space<vmem>>) target(%dma_start3A_54 : memref<128x128xf32, #tpu.memory_space<vmem_shared>>) target_semaphore(%run_scoped3A_48 : memref<!tpu.dma_semaphore, #tpu.memory_space<semaphore_mem>>)
      %dma_wait3A = arith.constant 0 : i32
      %dma_wait3A_58 = arith.constant 0 : i32
      %dma_wait3A_59 = tpu.memref_slice %arg11[%dma_wait3A, %dma_wait3A_58] : memref<128x128xf32, #tpu.memory_space<vmem>> -> memref<128x128xf32, #tpu.memory_space<vmem>>
      %dma_wait3A_60 = arith.constant 0 : i32
      %dma_wait3A_61 = tpu.memref_slice %arg14[%add3A_16, %dma_wait3A_60] : memref<10112x128xf32, #tpu.memory_space<vmem_shared>> -> memref<128x128xf32, #tpu.memory_space<vmem_shared>>
      %dma_wait3A_62 = arith.constant 0 : i32
      %dma_wait3A_63 = tpu.memref_slice %arg14[%add3A_16, %dma_wait3A_62] : memref<10112x128xf32, #tpu.memory_space<vmem_shared>> -> memref<128x128xf32, #tpu.memory_space<vmem_shared>>
      %dma_wait3A_64 = arith.constant 0 : i32
      %dma_wait3A_65 = arith.constant 0 : i32
      %dma_wait3A_66 = tpu.memref_slice %arg11[%dma_wait3A_64, %dma_wait3A_65] : memref<128x128xf32, #tpu.memory_space<vmem>> -> memref<128x128xf32, #tpu.memory_space<vmem>>
      tpu.wait_dma2 semaphore(%run_scoped3A_48 : memref<!tpu.dma_semaphore, #tpu.memory_space<semaphore_mem>>) src(%dma_wait3A_66 : memref<128x128xf32, #tpu.memory_space<vmem>>) dst(%dma_wait3A_63 : memref<128x128xf32, #tpu.memory_space<vmem_shared>>)
      tpu.yield
    }) : () -> ()
    %add3A_17 = arith.constant 0 : i32
    %add3A_18 = arith.addi %mul3A_14, %add3A_17 : i32
    %run_scoped3A = arith.constant 0 : i32
    "tpu.region"() ({
      %run_scoped3A_48 = tpu.sem_alloc : memref<!tpu.dma_semaphore, #tpu.memory_space<semaphore_mem>>
      %dma_start3A = arith.constant 0 : i32
      %dma_start3A_49 = tpu.memref_slice %arg11[%run_scoped3A, %dma_start3A] : memref<128x128xf32, #tpu.memory_space<vmem>> -> memref<1x128xf32, #tpu.memory_space<vmem>>
      %dma_start3A_50 = tpu.memref_squeeze %dma_start3A_49 : memref<1x128xf32, #tpu.memory_space<vmem>> -> memref<128xf32, #tpu.memory_space<vmem>>
      %dma_start3A_51 = tpu.memref_slice %arg15[%add3A_18] : memref<10112xf32, #tpu.memory_space<vmem_shared>> -> memref<128xf32, #tpu.memory_space<vmem_shared>>
      %dma_start3A_52 = tpu.memref_slice %arg15[%add3A_18] : memref<10112xf32, #tpu.memory_space<vmem_shared>> -> memref<128xf32, #tpu.memory_space<vmem_shared>>
      %dma_start3A_53 = arith.constant 0 : i32
      %dma_start3A_54 = tpu.memref_slice %arg11[%run_scoped3A, %dma_start3A_53] : memref<128x128xf32, #tpu.memory_space<vmem>> -> memref<1x128xf32, #tpu.memory_space<vmem>>
      %dma_start3A_55 = tpu.memref_squeeze %dma_start3A_54 : memref<1x128xf32, #tpu.memory_space<vmem>> -> memref<128xf32, #tpu.memory_space<vmem>>
      tpu.enqueue_dma source(%dma_start3A_55 : memref<128xf32, #tpu.memory_space<vmem>>) target(%dma_start3A_52 : memref<128xf32, #tpu.memory_space<vmem_shared>>) target_semaphore(%run_scoped3A_48 : memref<!tpu.dma_semaphore, #tpu.memory_space<semaphore_mem>>)
      %dma_wait3A = arith.constant 0 : i32
      %dma_wait3A_56 = tpu.memref_slice %arg11[%run_scoped3A, %dma_wait3A] : memref<128x128xf32, #tpu.memory_space<vmem>> -> memref<1x128xf32, #tpu.memory_space<vmem>>
      %dma_wait3A_57 = tpu.memref_squeeze %dma_wait3A_56 : memref<1x128xf32, #tpu.memory_space<vmem>> -> memref<128xf32, #tpu.memory_space<vmem>>
      %dma_wait3A_58 = tpu.memref_slice %arg15[%add3A_18] : memref<10112xf32, #tpu.memory_space<vmem_shared>> -> memref<128xf32, #tpu.memory_space<vmem_shared>>
      %dma_wait3A_59 = tpu.memref_slice %arg15[%add3A_18] : memref<10112xf32, #tpu.memory_space<vmem_shared>> -> memref<128xf32, #tpu.memory_space<vmem_shared>>
      %dma_wait3A_60 = arith.constant 0 : i32
      %dma_wait3A_61 = tpu.memref_slice %arg11[%run_scoped3A, %dma_wait3A_60] : memref<128x128xf32, #tpu.memory_space<vmem>> -> memref<1x128xf32, #tpu.memory_space<vmem>>
      %dma_wait3A_62 = tpu.memref_squeeze %dma_wait3A_61 : memref<1x128xf32, #tpu.memory_space<vmem>> -> memref<128xf32, #tpu.memory_space<vmem>>
      tpu.wait_dma2 semaphore(%run_scoped3A_48 : memref<!tpu.dma_semaphore, #tpu.memory_space<semaphore_mem>>) src(%dma_wait3A_62 : memref<128xf32, #tpu.memory_space<vmem>>) dst(%dma_wait3A_59 : memref<128xf32, #tpu.memory_space<vmem_shared>>)
      tpu.yield
    }) : () -> ()
    %add3A_19 = arith.constant 128 : i32
    %add3A_20 = arith.addi %mul3A_14, %add3A_19 : i32
    "tpu.region"() ({
      %run_scoped3A_48 = tpu.sem_alloc : memref<!tpu.dma_semaphore, #tpu.memory_space<semaphore_mem>>
      %dma_start3A = arith.constant 0 : i32
      %dma_start3A_49 = arith.constant 0 : i32
      %dma_start3A_50 = tpu.memref_slice %arg11[%dma_start3A, %dma_start3A_49] : memref<128x128xf32, #tpu.memory_space<vmem>> -> memref<128x128xf32, #tpu.memory_space<vmem>>
      %dma_start3A_51 = arith.constant 0 : i32
      %dma_start3A_52 = tpu.memref_slice %arg14[%add3A_20, %dma_start3A_51] : memref<10112x128xf32, #tpu.memory_space<vmem_shared>> -> memref<128x128xf32, #tpu.memory_space<vmem_shared>>
      %dma_start3A_53 = arith.constant 0 : i32
      %dma_start3A_54 = tpu.memref_slice %arg14[%add3A_20, %dma_start3A_53] : memref<10112x128xf32, #tpu.memory_space<vmem_shared>> -> memref<128x128xf32, #tpu.memory_space<vmem_shared>>
      %dma_start3A_55 = arith.constant 0 : i32
      %dma_start3A_56 = arith.constant 0 : i32
      %dma_start3A_57 = tpu.memref_slice %arg11[%dma_start3A_55, %dma_start3A_56] : memref<128x128xf32, #tpu.memory_space<vmem>> -> memref<128x128xf32, #tpu.memory_space<vmem>>
      tpu.enqueue_dma source(%dma_start3A_57 : memref<128x128xf32, #tpu.memory_space<vmem>>) target(%dma_start3A_54 : memref<128x128xf32, #tpu.memory_space<vmem_shared>>) target_semaphore(%run_scoped3A_48 : memref<!tpu.dma_semaphore, #tpu.memory_space<semaphore_mem>>)
      %dma_wait3A = arith.constant 0 : i32
      %dma_wait3A_58 = arith.constant 0 : i32
      %dma_wait3A_59 = tpu.memref_slice %arg11[%dma_wait3A, %dma_wait3A_58] : memref<128x128xf32, #tpu.memory_space<vmem>> -> memref<128x128xf32, #tpu.memory_space<vmem>>
      %dma_wait3A_60 = arith.constant 0 : i32
      %dma_wait3A_61 = tpu.memref_slice %arg14[%add3A_20, %dma_wait3A_60] : memref<10112x128xf32, #tpu.memory_space<vmem_shared>> -> memref<128x128xf32, #tpu.memory_space<vmem_shared>>
      %dma_wait3A_62 = arith.constant 0 : i32
      %dma_wait3A_63 = tpu.memref_slice %arg14[%add3A_20, %dma_wait3A_62] : memref<10112x128xf32, #tpu.memory_space<vmem_shared>> -> memref<128x128xf32, #tpu.memory_space<vmem_shared>>
      %dma_wait3A_64 = arith.constant 0 : i32
      %dma_wait3A_65 = arith.constant 0 : i32
      %dma_wait3A_66 = tpu.memref_slice %arg11[%dma_wait3A_64, %dma_wait3A_65] : memref<128x128xf32, #tpu.memory_space<vmem>> -> memref<128x128xf32, #tpu.memory_space<vmem>>
      tpu.wait_dma2 semaphore(%run_scoped3A_48 : memref<!tpu.dma_semaphore, #tpu.memory_space<semaphore_mem>>) src(%dma_wait3A_66 : memref<128x128xf32, #tpu.memory_space<vmem>>) dst(%dma_wait3A_63 : memref<128x128xf32, #tpu.memory_space<vmem_shared>>)
      tpu.yield
    }) : () -> ()
    %add3A_21 = arith.constant 128 : i32
    %add3A_22 = arith.addi %mul3A_14, %add3A_21 : i32
    %run_scoped3A_23 = arith.constant 0 : i32
    "tpu.region"() ({
      %run_scoped3A_48 = tpu.sem_alloc : memref<!tpu.dma_semaphore, #tpu.memory_space<semaphore_mem>>
      %dma_start3A = arith.constant 0 : i32
      %dma_start3A_49 = tpu.memref_slice %arg11[%run_scoped3A_23, %dma_start3A] : memref<128x128xf32, #tpu.memory_space<vmem>> -> memref<1x128xf32, #tpu.memory_space<vmem>>
      %dma_start3A_50 = tpu.memref_squeeze %dma_start3A_49 : memref<1x128xf32, #tpu.memory_space<vmem>> -> memref<128xf32, #tpu.memory_space<vmem>>
      %dma_start3A_51 = tpu.memref_slice %arg15[%add3A_22] : memref<10112xf32, #tpu.memory_space<vmem_shared>> -> memref<128xf32, #tpu.memory_space<vmem_shared>>
      %dma_start3A_52 = tpu.memref_slice %arg15[%add3A_22] : memref<10112xf32, #tpu.memory_space<vmem_shared>> -> memref<128xf32, #tpu.memory_space<vmem_shared>>
      %dma_start3A_53 = arith.constant 0 : i32
      %dma_start3A_54 = tpu.memref_slice %arg11[%run_scoped3A_23, %dma_start3A_53] : memref<128x128xf32, #tpu.memory_space<vmem>> -> memref<1x128xf32, #tpu.memory_space<vmem>>
      %dma_start3A_55 = tpu.memref_squeeze %dma_start3A_54 : memref<1x128xf32, #tpu.memory_space<vmem>> -> memref<128xf32, #tpu.memory_space<vmem>>
      tpu.enqueue_dma source(%dma_start3A_55 : memref<128xf32, #tpu.memory_space<vmem>>) target(%dma_start3A_52 : memref<128xf32, #tpu.memory_space<vmem_shared>>) target_semaphore(%run_scoped3A_48 : memref<!tpu.dma_semaphore, #tpu.memory_space<semaphore_mem>>)
      %dma_wait3A = arith.constant 0 : i32
      %dma_wait3A_56 = tpu.memref_slice %arg11[%run_scoped3A_23, %dma_wait3A] : memref<128x128xf32, #tpu.memory_space<vmem>> -> memref<1x128xf32, #tpu.memory_space<vmem>>
      %dma_wait3A_57 = tpu.memref_squeeze %dma_wait3A_56 : memref<1x128xf32, #tpu.memory_space<vmem>> -> memref<128xf32, #tpu.memory_space<vmem>>
      %dma_wait3A_58 = tpu.memref_slice %arg15[%add3A_22] : memref<10112xf32, #tpu.memory_space<vmem_shared>> -> memref<128xf32, #tpu.memory_space<vmem_shared>>
      %dma_wait3A_59 = tpu.memref_slice %arg15[%add3A_22] : memref<10112xf32, #tpu.memory_space<vmem_shared>> -> memref<128xf32, #tpu.memory_space<vmem_shared>>
      %dma_wait3A_60 = arith.constant 0 : i32
      %dma_wait3A_61 = tpu.memref_slice %arg11[%run_scoped3A_23, %dma_wait3A_60] : memref<128x128xf32, #tpu.memory_space<vmem>> -> memref<1x128xf32, #tpu.memory_space<vmem>>
      %dma_wait3A_62 = tpu.memref_squeeze %dma_wait3A_61 : memref<1x128xf32, #tpu.memory_space<vmem>> -> memref<128xf32, #tpu.memory_space<vmem>>
      tpu.wait_dma2 semaphore(%run_scoped3A_48 : memref<!tpu.dma_semaphore, #tpu.memory_space<semaphore_mem>>) src(%dma_wait3A_62 : memref<128xf32, #tpu.memory_space<vmem>>) dst(%dma_wait3A_59 : memref<128xf32, #tpu.memory_space<vmem_shared>>)
      tpu.yield
    }) : () -> ()
    %add3A_24 = arith.constant 256 : i32
    %add3A_25 = arith.addi %mul3A_14, %add3A_24 : i32
    "tpu.region"() ({
      %run_scoped3A_48 = tpu.sem_alloc : memref<!tpu.dma_semaphore, #tpu.memory_space<semaphore_mem>>
      %dma_start3A = arith.constant 0 : i32
      %dma_start3A_49 = arith.constant 0 : i32
      %dma_start3A_50 = tpu.memref_slice %arg11[%dma_start3A, %dma_start3A_49] : memref<128x128xf32, #tpu.memory_space<vmem>> -> memref<128x128xf32, #tpu.memory_space<vmem>>
      %dma_start3A_51 = arith.constant 0 : i32
      %dma_start3A_52 = tpu.memref_slice %arg14[%add3A_25, %dma_start3A_51] : memref<10112x128xf32, #tpu.memory_space<vmem_shared>> -> memref<128x128xf32, #tpu.memory_space<vmem_shared>>
      %dma_start3A_53 = arith.constant 0 : i32
      %dma_start3A_54 = tpu.memref_slice %arg14[%add3A_25, %dma_start3A_53] : memref<10112x128xf32, #tpu.memory_space<vmem_shared>> -> memref<128x128xf32, #tpu.memory_space<vmem_shared>>
      %dma_start3A_55 = arith.constant 0 : i32
      %dma_start3A_56 = arith.constant 0 : i32
      %dma_start3A_57 = tpu.memref_slice %arg11[%dma_start3A_55, %dma_start3A_56] : memref<128x128xf32, #tpu.memory_space<vmem>> -> memref<128x128xf32, #tpu.memory_space<vmem>>
      tpu.enqueue_dma source(%dma_start3A_57 : memref<128x128xf32, #tpu.memory_space<vmem>>) target(%dma_start3A_54 : memref<128x128xf32, #tpu.memory_space<vmem_shared>>) target_semaphore(%run_scoped3A_48 : memref<!tpu.dma_semaphore, #tpu.memory_space<semaphore_mem>>)
      %dma_wait3A = arith.constant 0 : i32
      %dma_wait3A_58 = arith.constant 0 : i32
      %dma_wait3A_59 = tpu.memref_slice %arg11[%dma_wait3A, %dma_wait3A_58] : memref<128x128xf32, #tpu.memory_space<vmem>> -> memref<128x128xf32, #tpu.memory_space<vmem>>
      %dma_wait3A_60 = arith.constant 0 : i32
      %dma_wait3A_61 = tpu.memref_slice %arg14[%add3A_25, %dma_wait3A_60] : memref<10112x128xf32, #tpu.memory_space<vmem_shared>> -> memref<128x128xf32, #tpu.memory_space<vmem_shared>>
      %dma_wait3A_62 = arith.constant 0 : i32
      %dma_wait3A_63 = tpu.memref_slice %arg14[%add3A_25, %dma_wait3A_62] : memref<10112x128xf32, #tpu.memory_space<vmem_shared>> -> memref<128x128xf32, #tpu.memory_space<vmem_shared>>
      %dma_wait3A_64 = arith.constant 0 : i32
      %dma_wait3A_65 = arith.constant 0 : i32
      %dma_wait3A_66 = tpu.memref_slice %arg11[%dma_wait3A_64, %dma_wait3A_65] : memref<128x128xf32, #tpu.memory_space<vmem>> -> memref<128x128xf32, #tpu.memory_space<vmem>>
      tpu.wait_dma2 semaphore(%run_scoped3A_48 : memref<!tpu.dma_semaphore, #tpu.memory_space<semaphore_mem>>) src(%dma_wait3A_66 : memref<128x128xf32, #tpu.memory_space<vmem>>) dst(%dma_wait3A_63 : memref<128x128xf32, #tpu.memory_space<vmem_shared>>)
      tpu.yield
    }) : () -> ()
    %add3A_26 = arith.constant 256 : i32
    %add3A_27 = arith.addi %mul3A_14, %add3A_26 : i32
    %run_scoped3A_28 = arith.constant 0 : i32
    "tpu.region"() ({
      %run_scoped3A_48 = tpu.sem_alloc : memref<!tpu.dma_semaphore, #tpu.memory_space<semaphore_mem>>
      %dma_start3A = arith.constant 0 : i32
      %dma_start3A_49 = tpu.memref_slice %arg11[%run_scoped3A_28, %dma_start3A] : memref<128x128xf32, #tpu.memory_space<vmem>> -> memref<1x128xf32, #tpu.memory_space<vmem>>
      %dma_start3A_50 = tpu.memref_squeeze %dma_start3A_49 : memref<1x128xf32, #tpu.memory_space<vmem>> -> memref<128xf32, #tpu.memory_space<vmem>>
      %dma_start3A_51 = tpu.memref_slice %arg15[%add3A_27] : memref<10112xf32, #tpu.memory_space<vmem_shared>> -> memref<128xf32, #tpu.memory_space<vmem_shared>>
      %dma_start3A_52 = tpu.memref_slice %arg15[%add3A_27] : memref<10112xf32, #tpu.memory_space<vmem_shared>> -> memref<128xf32, #tpu.memory_space<vmem_shared>>
      %dma_start3A_53 = arith.constant 0 : i32
      %dma_start3A_54 = tpu.memref_slice %arg11[%run_scoped3A_28, %dma_start3A_53] : memref<128x128xf32, #tpu.memory_space<vmem>> -> memref<1x128xf32, #tpu.memory_space<vmem>>
      %dma_start3A_55 = tpu.memref_squeeze %dma_start3A_54 : memref<1x128xf32, #tpu.memory_space<vmem>> -> memref<128xf32, #tpu.memory_space<vmem>>
      tpu.enqueue_dma source(%dma_start3A_55 : memref<128xf32, #tpu.memory_space<vmem>>) target(%dma_start3A_52 : memref<128xf32, #tpu.memory_space<vmem_shared>>) target_semaphore(%run_scoped3A_48 : memref<!tpu.dma_semaphore, #tpu.memory_space<semaphore_mem>>)
      %dma_wait3A = arith.constant 0 : i32
      %dma_wait3A_56 = tpu.memref_slice %arg11[%run_scoped3A_28, %dma_wait3A] : memref<128x128xf32, #tpu.memory_space<vmem>> -> memref<1x128xf32, #tpu.memory_space<vmem>>
      %dma_wait3A_57 = tpu.memref_squeeze %dma_wait3A_56 : memref<1x128xf32, #tpu.memory_space<vmem>> -> memref<128xf32, #tpu.memory_space<vmem>>
      %dma_wait3A_58 = tpu.memref_slice %arg15[%add3A_27] : memref<10112xf32, #tpu.memory_space<vmem_shared>> -> memref<128xf32, #tpu.memory_space<vmem_shared>>
      %dma_wait3A_59 = tpu.memref_slice %arg15[%add3A_27] : memref<10112xf32, #tpu.memory_space<vmem_shared>> -> memref<128xf32, #tpu.memory_space<vmem_shared>>
      %dma_wait3A_60 = arith.constant 0 : i32
      %dma_wait3A_61 = tpu.memref_slice %arg11[%run_scoped3A_28, %dma_wait3A_60] : memref<128x128xf32, #tpu.memory_space<vmem>> -> memref<1x128xf32, #tpu.memory_space<vmem>>
      %dma_wait3A_62 = tpu.memref_squeeze %dma_wait3A_61 : memref<1x128xf32, #tpu.memory_space<vmem>> -> memref<128xf32, #tpu.memory_space<vmem>>
      tpu.wait_dma2 semaphore(%run_scoped3A_48 : memref<!tpu.dma_semaphore, #tpu.memory_space<semaphore_mem>>) src(%dma_wait3A_62 : memref<128xf32, #tpu.memory_space<vmem>>) dst(%dma_wait3A_59 : memref<128xf32, #tpu.memory_space<vmem_shared>>)
      tpu.yield
    }) : () -> ()
    %add3A_29 = arith.constant 384 : i32
    %add3A_30 = arith.addi %mul3A_14, %add3A_29 : i32
    "tpu.region"() ({
      %run_scoped3A_48 = tpu.sem_alloc : memref<!tpu.dma_semaphore, #tpu.memory_space<semaphore_mem>>
      %dma_start3A = arith.constant 0 : i32
      %dma_start3A_49 = arith.constant 0 : i32
      %dma_start3A_50 = tpu.memref_slice %arg11[%dma_start3A, %dma_start3A_49] : memref<128x128xf32, #tpu.memory_space<vmem>> -> memref<128x128xf32, #tpu.memory_space<vmem>>
      %dma_start3A_51 = arith.constant 0 : i32
      %dma_start3A_52 = tpu.memref_slice %arg14[%add3A_30, %dma_start3A_51] : memref<10112x128xf32, #tpu.memory_space<vmem_shared>> -> memref<128x128xf32, #tpu.memory_space<vmem_shared>>
      %dma_start3A_53 = arith.constant 0 : i32
      %dma_start3A_54 = tpu.memref_slice %arg14[%add3A_30, %dma_start3A_53] : memref<10112x128xf32, #tpu.memory_space<vmem_shared>> -> memref<128x128xf32, #tpu.memory_space<vmem_shared>>
      %dma_start3A_55 = arith.constant 0 : i32
      %dma_start3A_56 = arith.constant 0 : i32
      %dma_start3A_57 = tpu.memref_slice %arg11[%dma_start3A_55, %dma_start3A_56] : memref<128x128xf32, #tpu.memory_space<vmem>> -> memref<128x128xf32, #tpu.memory_space<vmem>>
      tpu.enqueue_dma source(%dma_start3A_57 : memref<128x128xf32, #tpu.memory_space<vmem>>) target(%dma_start3A_54 : memref<128x128xf32, #tpu.memory_space<vmem_shared>>) target_semaphore(%run_scoped3A_48 : memref<!tpu.dma_semaphore, #tpu.memory_space<semaphore_mem>>)
      %dma_wait3A = arith.constant 0 : i32
      %dma_wait3A_58 = arith.constant 0 : i32
      %dma_wait3A_59 = tpu.memref_slice %arg11[%dma_wait3A, %dma_wait3A_58] : memref<128x128xf32, #tpu.memory_space<vmem>> -> memref<128x128xf32, #tpu.memory_space<vmem>>
      %dma_wait3A_60 = arith.constant 0 : i32
      %dma_wait3A_61 = tpu.memref_slice %arg14[%add3A_30, %dma_wait3A_60] : memref<10112x128xf32, #tpu.memory_space<vmem_shared>> -> memref<128x128xf32, #tpu.memory_space<vmem_shared>>
      %dma_wait3A_62 = arith.constant 0 : i32
      %dma_wait3A_63 = tpu.memref_slice %arg14[%add3A_30, %dma_wait3A_62] : memref<10112x128xf32, #tpu.memory_space<vmem_shared>> -> memref<128x128xf32, #tpu.memory_space<vmem_shared>>
      %dma_wait3A_64 = arith.constant 0 : i32
      %dma_wait3A_65 = arith.constant 0 : i32
      %dma_wait3A_66 = tpu.memref_slice %arg11[%dma_wait3A_64, %dma_wait3A_65] : memref<128x128xf32, #tpu.memory_space<vmem>> -> memref<128x128xf32, #tpu.memory_space<vmem>>
      tpu.wait_dma2 semaphore(%run_scoped3A_48 : memref<!tpu.dma_semaphore, #tpu.memory_space<semaphore_mem>>) src(%dma_wait3A_66 : memref<128x128xf32, #tpu.memory_space<vmem>>) dst(%dma_wait3A_63 : memref<128x128xf32, #tpu.memory_space<vmem_shared>>)
      tpu.yield
    }) : () -> ()
    %add3A_31 = arith.constant 384 : i32
    %add3A_32 = arith.addi %mul3A_14, %add3A_31 : i32
    %run_scoped3A_33 = arith.constant 0 : i32
    "tpu.region"() ({
      %run_scoped3A_48 = tpu.sem_alloc : memref<!tpu.dma_semaphore, #tpu.memory_space<semaphore_mem>>
      %dma_start3A = arith.constant 0 : i32
      %dma_start3A_49 = tpu.memref_slice %arg11[%run_scoped3A_33, %dma_start3A] : memref<128x128xf32, #tpu.memory_space<vmem>> -> memref<1x128xf32, #tpu.memory_space<vmem>>
      %dma_start3A_50 = tpu.memref_squeeze %dma_start3A_49 : memref<1x128xf32, #tpu.memory_space<vmem>> -> memref<128xf32, #tpu.memory_space<vmem>>
      %dma_start3A_51 = tpu.memref_slice %arg15[%add3A_32] : memref<10112xf32, #tpu.memory_space<vmem_shared>> -> memref<128xf32, #tpu.memory_space<vmem_shared>>
      %dma_start3A_52 = tpu.memref_slice %arg15[%add3A_32] : memref<10112xf32, #tpu.memory_space<vmem_shared>> -> memref<128xf32, #tpu.memory_space<vmem_shared>>
      %dma_start3A_53 = arith.constant 0 : i32
      %dma_start3A_54 = tpu.memref_slice %arg11[%run_scoped3A_33, %dma_start3A_53] : memref<128x128xf32, #tpu.memory_space<vmem>> -> memref<1x128xf32, #tpu.memory_space<vmem>>
      %dma_start3A_55 = tpu.memref_squeeze %dma_start3A_54 : memref<1x128xf32, #tpu.memory_space<vmem>> -> memref<128xf32, #tpu.memory_space<vmem>>
      tpu.enqueue_dma source(%dma_start3A_55 : memref<128xf32, #tpu.memory_space<vmem>>) target(%dma_start3A_52 : memref<128xf32, #tpu.memory_space<vmem_shared>>) target_semaphore(%run_scoped3A_48 : memref<!tpu.dma_semaphore, #tpu.memory_space<semaphore_mem>>)
      %dma_wait3A = arith.constant 0 : i32
      %dma_wait3A_56 = tpu.memref_slice %arg11[%run_scoped3A_33, %dma_wait3A] : memref<128x128xf32, #tpu.memory_space<vmem>> -> memref<1x128xf32, #tpu.memory_space<vmem>>
      %dma_wait3A_57 = tpu.memref_squeeze %dma_wait3A_56 : memref<1x128xf32, #tpu.memory_space<vmem>> -> memref<128xf32, #tpu.memory_space<vmem>>
      %dma_wait3A_58 = tpu.memref_slice %arg15[%add3A_32] : memref<10112xf32, #tpu.memory_space<vmem_shared>> -> memref<128xf32, #tpu.memory_space<vmem_shared>>
      %dma_wait3A_59 = tpu.memref_slice %arg15[%add3A_32] : memref<10112xf32, #tpu.memory_space<vmem_shared>> -> memref<128xf32, #tpu.memory_space<vmem_shared>>
      %dma_wait3A_60 = arith.constant 0 : i32
      %dma_wait3A_61 = tpu.memref_slice %arg11[%run_scoped3A_33, %dma_wait3A_60] : memref<128x128xf32, #tpu.memory_space<vmem>> -> memref<1x128xf32, #tpu.memory_space<vmem>>
      %dma_wait3A_62 = tpu.memref_squeeze %dma_wait3A_61 : memref<1x128xf32, #tpu.memory_space<vmem>> -> memref<128xf32, #tpu.memory_space<vmem>>
      tpu.wait_dma2 semaphore(%run_scoped3A_48 : memref<!tpu.dma_semaphore, #tpu.memory_space<semaphore_mem>>) src(%dma_wait3A_62 : memref<128xf32, #tpu.memory_space<vmem>>) dst(%dma_wait3A_59 : memref<128xf32, #tpu.memory_space<vmem_shared>>)
      tpu.yield
    }) : () -> ()
    %add3A_34 = arith.constant 512 : i32
    %add3A_35 = arith.addi %mul3A_14, %add3A_34 : i32
    "tpu.region"() ({
      %run_scoped3A_48 = tpu.sem_alloc : memref<!tpu.dma_semaphore, #tpu.memory_space<semaphore_mem>>
      %dma_start3A = arith.constant 0 : i32
      %dma_start3A_49 = arith.constant 0 : i32
      %dma_start3A_50 = tpu.memref_slice %arg11[%dma_start3A, %dma_start3A_49] : memref<128x128xf32, #tpu.memory_space<vmem>> -> memref<120x128xf32, #tpu.memory_space<vmem>>
      %dma_start3A_51 = arith.constant 0 : i32
      %dma_start3A_52 = tpu.memref_slice %arg14[%add3A_35, %dma_start3A_51] : memref<10112x128xf32, #tpu.memory_space<vmem_shared>> -> memref<120x128xf32, #tpu.memory_space<vmem_shared>>
      %dma_start3A_53 = arith.constant 0 : i32
      %dma_start3A_54 = tpu.memref_slice %arg14[%add3A_35, %dma_start3A_53] : memref<10112x128xf32, #tpu.memory_space<vmem_shared>> -> memref<120x128xf32, #tpu.memory_space<vmem_shared>>
      %dma_start3A_55 = arith.constant 0 : i32
      %dma_start3A_56 = arith.constant 0 : i32
      %dma_start3A_57 = tpu.memref_slice %arg11[%dma_start3A_55, %dma_start3A_56] : memref<128x128xf32, #tpu.memory_space<vmem>> -> memref<120x128xf32, #tpu.memory_space<vmem>>
      tpu.enqueue_dma source(%dma_start3A_57 : memref<120x128xf32, #tpu.memory_space<vmem>>) target(%dma_start3A_54 : memref<120x128xf32, #tpu.memory_space<vmem_shared>>) target_semaphore(%run_scoped3A_48 : memref<!tpu.dma_semaphore, #tpu.memory_space<semaphore_mem>>)
      %dma_wait3A = arith.constant 0 : i32
      %dma_wait3A_58 = arith.constant 0 : i32
      %dma_wait3A_59 = tpu.memref_slice %arg11[%dma_wait3A, %dma_wait3A_58] : memref<128x128xf32, #tpu.memory_space<vmem>> -> memref<120x128xf32, #tpu.memory_space<vmem>>
      %dma_wait3A_60 = arith.constant 0 : i32
      %dma_wait3A_61 = tpu.memref_slice %arg14[%add3A_35, %dma_wait3A_60] : memref<10112x128xf32, #tpu.memory_space<vmem_shared>> -> memref<120x128xf32, #tpu.memory_space<vmem_shared>>
      %dma_wait3A_62 = arith.constant 0 : i32
      %dma_wait3A_63 = tpu.memref_slice %arg14[%add3A_35, %dma_wait3A_62] : memref<10112x128xf32, #tpu.memory_space<vmem_shared>> -> memref<120x128xf32, #tpu.memory_space<vmem_shared>>
      %dma_wait3A_64 = arith.constant 0 : i32
      %dma_wait3A_65 = arith.constant 0 : i32
      %dma_wait3A_66 = tpu.memref_slice %arg11[%dma_wait3A_64, %dma_wait3A_65] : memref<128x128xf32, #tpu.memory_space<vmem>> -> memref<120x128xf32, #tpu.memory_space<vmem>>
      tpu.wait_dma2 semaphore(%run_scoped3A_48 : memref<!tpu.dma_semaphore, #tpu.memory_space<semaphore_mem>>) src(%dma_wait3A_66 : memref<120x128xf32, #tpu.memory_space<vmem>>) dst(%dma_wait3A_63 : memref<120x128xf32, #tpu.memory_space<vmem_shared>>)
      tpu.yield
    }) : () -> ()
    %add3A_36 = arith.constant 512 : i32
    %add3A_37 = arith.addi %mul3A_14, %add3A_36 : i32
    %run_scoped3A_38 = arith.constant 0 : i32
    "tpu.region"() ({
      %run_scoped3A_48 = tpu.sem_alloc : memref<!tpu.dma_semaphore, #tpu.memory_space<semaphore_mem>>
      %dma_start3A = arith.constant 0 : i32
      %dma_start3A_49 = tpu.memref_slice %arg11[%run_scoped3A_38, %dma_start3A] : memref<128x128xf32, #tpu.memory_space<vmem>> -> memref<1x120xf32, #tpu.memory_space<vmem>>
      %dma_start3A_50 = tpu.memref_squeeze %dma_start3A_49 : memref<1x120xf32, #tpu.memory_space<vmem>> -> memref<120xf32, #tpu.memory_space<vmem>>
      %dma_start3A_51 = tpu.memref_slice %arg15[%add3A_37] : memref<10112xf32, #tpu.memory_space<vmem_shared>> -> memref<120xf32, #tpu.memory_space<vmem_shared>>
      %dma_start3A_52 = tpu.memref_slice %arg15[%add3A_37] : memref<10112xf32, #tpu.memory_space<vmem_shared>> -> memref<120xf32, #tpu.memory_space<vmem_shared>>
      %dma_start3A_53 = arith.constant 0 : i32
      %dma_start3A_54 = tpu.memref_slice %arg11[%run_scoped3A_38, %dma_start3A_53] : memref<128x128xf32, #tpu.memory_space<vmem>> -> memref<1x120xf32, #tpu.memory_space<vmem>>
      %dma_start3A_55 = tpu.memref_squeeze %dma_start3A_54 : memref<1x120xf32, #tpu.memory_space<vmem>> -> memref<120xf32, #tpu.memory_space<vmem>>
      tpu.enqueue_dma source(%dma_start3A_55 : memref<120xf32, #tpu.memory_space<vmem>>) target(%dma_start3A_52 : memref<120xf32, #tpu.memory_space<vmem_shared>>) target_semaphore(%run_scoped3A_48 : memref<!tpu.dma_semaphore, #tpu.memory_space<semaphore_mem>>)
      %dma_wait3A = arith.constant 0 : i32
      %dma_wait3A_56 = tpu.memref_slice %arg11[%run_scoped3A_38, %dma_wait3A] : memref<128x128xf32, #tpu.memory_space<vmem>> -> memref<1x120xf32, #tpu.memory_space<vmem>>
      %dma_wait3A_57 = tpu.memref_squeeze %dma_wait3A_56 : memref<1x120xf32, #tpu.memory_space<vmem>> -> memref<120xf32, #tpu.memory_space<vmem>>
      %dma_wait3A_58 = tpu.memref_slice %arg15[%add3A_37] : memref<10112xf32, #tpu.memory_space<vmem_shared>> -> memref<120xf32, #tpu.memory_space<vmem_shared>>
      %dma_wait3A_59 = tpu.memref_slice %arg15[%add3A_37] : memref<10112xf32, #tpu.memory_space<vmem_shared>> -> memref<120xf32, #tpu.memory_space<vmem_shared>>
      %dma_wait3A_60 = arith.constant 0 : i32
      %dma_wait3A_61 = tpu.memref_slice %arg11[%run_scoped3A_38, %dma_wait3A_60] : memref<128x128xf32, #tpu.memory_space<vmem>> -> memref<1x120xf32, #tpu.memory_space<vmem>>
      %dma_wait3A_62 = tpu.memref_squeeze %dma_wait3A_61 : memref<1x120xf32, #tpu.memory_space<vmem>> -> memref<120xf32, #tpu.memory_space<vmem>>
      tpu.wait_dma2 semaphore(%run_scoped3A_48 : memref<!tpu.dma_semaphore, #tpu.memory_space<semaphore_mem>>) src(%dma_wait3A_62 : memref<120xf32, #tpu.memory_space<vmem>>) dst(%dma_wait3A_59 : memref<120xf32, #tpu.memory_space<vmem_shared>>)
      tpu.yield
    }) : () -> ()
    %barrier3A = arith.constant 0 : index
    tpu.barrier barrier_id(%barrier3A)
    "tpu.region"() ({
      %run_scoped3A_48 = tpu.sem_alloc : memref<!tpu.dma_semaphore, #tpu.memory_space<semaphore_mem>>
      %dma_start3A = arith.constant 0 : i32
      %dma_start3A_49 = arith.constant 0 : i32
      %dma_start3A_50 = tpu.memref_slice %arg3[%add3A, %dma_start3A, %dma_start3A_49] : memref<32x79x128xi32, #tpu.memory_space<hbm>> -> memref<1x79x128xi32, #tpu.memory_space<hbm>>
      %dma_start3A_51 = tpu.memref_squeeze %dma_start3A_50 : memref<1x79x128xi32, #tpu.memory_space<hbm>> -> memref<79x128xi32, #tpu.memory_space<hbm>>
      %dma_start3A_52 = arith.constant 0 : i32
      %dma_start3A_53 = arith.constant 0 : i32
      %dma_start3A_54 = tpu.memref_slice %arg3[%add3A, %dma_start3A_52, %dma_start3A_53] : memref<32x79x128xi32, #tpu.memory_space<hbm>> -> memref<1x79x128xi32, #tpu.memory_space<hbm>>
      %dma_start3A_55 = tpu.memref_squeeze %dma_start3A_54 : memref<1x79x128xi32, #tpu.memory_space<hbm>> -> memref<79x128xi32, #tpu.memory_space<hbm>>
      tpu.enqueue_dma source(%dma_start3A_55 : memref<79x128xi32, #tpu.memory_space<hbm>>) target(%arg8 : memref<79x128xi32, #tpu.memory_space<vmem>>) target_semaphore(%run_scoped3A_48 : memref<!tpu.dma_semaphore, #tpu.memory_space<semaphore_mem>>)
      %dma_wait3A = arith.constant 0 : i32
      %dma_wait3A_56 = arith.constant 0 : i32
      %dma_wait3A_57 = tpu.memref_slice %arg3[%add3A, %dma_wait3A, %dma_wait3A_56] : memref<32x79x128xi32, #tpu.memory_space<hbm>> -> memref<1x79x128xi32, #tpu.memory_space<hbm>>
      %dma_wait3A_58 = tpu.memref_squeeze %dma_wait3A_57 : memref<1x79x128xi32, #tpu.memory_space<hbm>> -> memref<79x128xi32, #tpu.memory_space<hbm>>
      %dma_wait3A_59 = arith.constant 0 : i32
      %dma_wait3A_60 = arith.constant 0 : i32
      %dma_wait3A_61 = tpu.memref_slice %arg3[%add3A, %dma_wait3A_59, %dma_wait3A_60] : memref<32x79x128xi32, #tpu.memory_space<hbm>> -> memref<1x79x128xi32, #tpu.memory_space<hbm>>
      %dma_wait3A_62 = tpu.memref_squeeze %dma_wait3A_61 : memref<1x79x128xi32, #tpu.memory_space<hbm>> -> memref<79x128xi32, #tpu.memory_space<hbm>>
      tpu.wait_dma2 semaphore(%run_scoped3A_48 : memref<!tpu.dma_semaphore, #tpu.memory_space<semaphore_mem>>) src(%dma_wait3A_62 : memref<79x128xi32, #tpu.memory_space<hbm>>) dst(%arg8 : memref<79x128xi32, #tpu.memory_space<vmem>>)
      tpu.yield
    }) : () -> ()
    "tpu.region"() ({
      %run_scoped3A_48 = tpu.sem_alloc : memref<!tpu.dma_semaphore, #tpu.memory_space<semaphore_mem>>
      %dma_start3A = arith.constant 0 : i32
      %dma_start3A_49 = arith.constant 0 : i32
      %dma_start3A_50 = tpu.memref_slice %arg4[%add3A, %dma_start3A, %dma_start3A_49] : memref<32x79x128xi32, #tpu.memory_space<hbm>> -> memref<1x79x128xi32, #tpu.memory_space<hbm>>
      %dma_start3A_51 = tpu.memref_squeeze %dma_start3A_50 : memref<1x79x128xi32, #tpu.memory_space<hbm>> -> memref<79x128xi32, #tpu.memory_space<hbm>>
      %dma_start3A_52 = arith.constant 0 : i32
      %dma_start3A_53 = arith.constant 0 : i32
      %dma_start3A_54 = tpu.memref_slice %arg4[%add3A, %dma_start3A_52, %dma_start3A_53] : memref<32x79x128xi32, #tpu.memory_space<hbm>> -> memref<1x79x128xi32, #tpu.memory_space<hbm>>
      %dma_start3A_55 = tpu.memref_squeeze %dma_start3A_54 : memref<1x79x128xi32, #tpu.memory_space<hbm>> -> memref<79x128xi32, #tpu.memory_space<hbm>>
      tpu.enqueue_dma source(%dma_start3A_55 : memref<79x128xi32, #tpu.memory_space<hbm>>) target(%arg9 : memref<79x128xi32, #tpu.memory_space<vmem>>) target_semaphore(%run_scoped3A_48 : memref<!tpu.dma_semaphore, #tpu.memory_space<semaphore_mem>>)
      %dma_wait3A = arith.constant 0 : i32
      %dma_wait3A_56 = arith.constant 0 : i32
      %dma_wait3A_57 = tpu.memref_slice %arg4[%add3A, %dma_wait3A, %dma_wait3A_56] : memref<32x79x128xi32, #tpu.memory_space<hbm>> -> memref<1x79x128xi32, #tpu.memory_space<hbm>>
      %dma_wait3A_58 = tpu.memref_squeeze %dma_wait3A_57 : memref<1x79x128xi32, #tpu.memory_space<hbm>> -> memref<79x128xi32, #tpu.memory_space<hbm>>
      %dma_wait3A_59 = arith.constant 0 : i32
      %dma_wait3A_60 = arith.constant 0 : i32
      %dma_wait3A_61 = tpu.memref_slice %arg4[%add3A, %dma_wait3A_59, %dma_wait3A_60] : memref<32x79x128xi32, #tpu.memory_space<hbm>> -> memref<1x79x128xi32, #tpu.memory_space<hbm>>
      %dma_wait3A_62 = tpu.memref_squeeze %dma_wait3A_61 : memref<1x79x128xi32, #tpu.memory_space<hbm>> -> memref<79x128xi32, #tpu.memory_space<hbm>>
      tpu.wait_dma2 semaphore(%run_scoped3A_48 : memref<!tpu.dma_semaphore, #tpu.memory_space<semaphore_mem>>) src(%dma_wait3A_62 : memref<79x128xi32, #tpu.memory_space<hbm>>) dst(%arg9 : memref<79x128xi32, #tpu.memory_space<vmem>>)
      tpu.yield
    }) : () -> ()
    "tpu.region"() ({
      %run_scoped3A_48 = tpu.sem_alloc : memref<!tpu.dma_semaphore, #tpu.memory_space<semaphore_mem>>
      %dma_start3A = arith.constant 0 : i32
      %dma_start3A_49 = arith.constant 0 : i32
      %dma_start3A_50 = tpu.memref_slice %arg5[%add3A, %dma_start3A, %dma_start3A_49] : memref<32x79x128xf32, #tpu.memory_space<hbm>> -> memref<1x79x128xf32, #tpu.memory_space<hbm>>
      %dma_start3A_51 = tpu.memref_squeeze %dma_start3A_50 : memref<1x79x128xf32, #tpu.memory_space<hbm>> -> memref<79x128xf32, #tpu.memory_space<hbm>>
      %dma_start3A_52 = arith.constant 0 : i32
      %dma_start3A_53 = arith.constant 0 : i32
      %dma_start3A_54 = tpu.memref_slice %arg5[%add3A, %dma_start3A_52, %dma_start3A_53] : memref<32x79x128xf32, #tpu.memory_space<hbm>> -> memref<1x79x128xf32, #tpu.memory_space<hbm>>
      %dma_start3A_55 = tpu.memref_squeeze %dma_start3A_54 : memref<1x79x128xf32, #tpu.memory_space<hbm>> -> memref<79x128xf32, #tpu.memory_space<hbm>>
      tpu.enqueue_dma source(%dma_start3A_55 : memref<79x128xf32, #tpu.memory_space<hbm>>) target(%arg10 : memref<79x128xf32, #tpu.memory_space<vmem>>) target_semaphore(%run_scoped3A_48 : memref<!tpu.dma_semaphore, #tpu.memory_space<semaphore_mem>>)
      %dma_wait3A = arith.constant 0 : i32
      %dma_wait3A_56 = arith.constant 0 : i32
      %dma_wait3A_57 = tpu.memref_slice %arg5[%add3A, %dma_wait3A, %dma_wait3A_56] : memref<32x79x128xf32, #tpu.memory_space<hbm>> -> memref<1x79x128xf32, #tpu.memory_space<hbm>>
      %dma_wait3A_58 = tpu.memref_squeeze %dma_wait3A_57 : memref<1x79x128xf32, #tpu.memory_space<hbm>> -> memref<79x128xf32, #tpu.memory_space<hbm>>
      %dma_wait3A_59 = arith.constant 0 : i32
      %dma_wait3A_60 = arith.constant 0 : i32
      %dma_wait3A_61 = tpu.memref_slice %arg5[%add3A, %dma_wait3A_59, %dma_wait3A_60] : memref<32x79x128xf32, #tpu.memory_space<hbm>> -> memref<1x79x128xf32, #tpu.memory_space<hbm>>
      %dma_wait3A_62 = tpu.memref_squeeze %dma_wait3A_61 : memref<1x79x128xf32, #tpu.memory_space<hbm>> -> memref<79x128xf32, #tpu.memory_space<hbm>>
      tpu.wait_dma2 semaphore(%run_scoped3A_48 : memref<!tpu.dma_semaphore, #tpu.memory_space<semaphore_mem>>) src(%dma_wait3A_62 : memref<79x128xf32, #tpu.memory_space<hbm>>) dst(%arg10 : memref<79x128xf32, #tpu.memory_space<vmem>>)
      tpu.yield
    }) : () -> ()
    %scan3A_39 = arith.constant 0 : i32
    %scan3A_40 = arith.constant 79 : i32
    %scan3A_41 = arith.addi %scan3A_39, %scan3A_40 : i32
    %scan3A_42 = arith.constant 1 : i32
    scf.for %scan3A_48 = %scan3A_39 to %scan3A_41 step %scan3A_42  : i32 {
      %mul3A_49 = arith.constant 1 : i32
      %mul3A_50 = arith.muli %scan3A_48, %mul3A_49 : i32
      %add3A_51 = arith.constant 0 : i32
      %add3A_52 = arith.addi %add3A_51, %mul3A_50 : i32
      "tpu.region"() ({
        %run_scoped3A_58 = tpu.sem_alloc : memref<!tpu.dma_semaphore, #tpu.memory_space<semaphore_mem>>
        %dma_start3A = arith.constant 0 : i32
        %dma_start3A_59 = tpu.memref_slice %arg8[%add3A_52, %dma_start3A] : memref<79x128xi32, #tpu.memory_space<vmem>> -> memref<1x128xi32, #tpu.memory_space<vmem>>
        %dma_start3A_60 = tpu.memref_squeeze %dma_start3A_59 : memref<1x128xi32, #tpu.memory_space<vmem>> -> memref<128xi32, #tpu.memory_space<vmem>>
        %dma_start3A_61 = arith.constant 0 : i32
        %dma_start3A_62 = arith.constant 0 : i32
        %dma_start3A_63 = tpu.memref_slice %arg2[%dma_start3A_61, %dma_start3A_62] : memref<10000x128xf32, #tpu.memory_space<hbm>> -> memref<10000x128xf32, #tpu.memory_space<hbm>>
        tpu.enqueue_indirect_dma source(%dma_start3A_63 : memref<10000x128xf32, #tpu.memory_space<hbm>>) target(%arg11 : memref<128x128xf32, #tpu.memory_space<vmem>>) offsets(%dma_start3A_60 : memref<128xi32, #tpu.memory_space<vmem>>) semaphore(%run_scoped3A_58 : memref<!tpu.dma_semaphore, #tpu.memory_space<semaphore_mem>>)
        %dma_wait3A = arith.constant 0 : i32
        %dma_wait3A_64 = tpu.memref_slice %arg8[%add3A_52, %dma_wait3A] : memref<79x128xi32, #tpu.memory_space<vmem>> -> memref<1x128xi32, #tpu.memory_space<vmem>>
        %dma_wait3A_65 = tpu.memref_squeeze %dma_wait3A_64 : memref<1x128xi32, #tpu.memory_space<vmem>> -> memref<128xi32, #tpu.memory_space<vmem>>
        %dma_wait3A_66 = arith.constant 0 : i32
        %dma_wait3A_67 = arith.constant 0 : i32
        %dma_wait3A_68 = tpu.memref_slice %arg2[%dma_wait3A_66, %dma_wait3A_67] : memref<10000x128xf32, #tpu.memory_space<hbm>> -> memref<10000x128xf32, #tpu.memory_space<hbm>>
        tpu.wait_indirect_dma semaphore(%run_scoped3A_58 : memref<!tpu.dma_semaphore, #tpu.memory_space<semaphore_mem>>) src(%dma_wait3A_68 : memref<10000x128xf32, #tpu.memory_space<hbm>>) dst(%arg11 : memref<128x128xf32, #tpu.memory_space<vmem>>)
        tpu.yield
      }) : () -> ()
      %scan3A_53 = arith.constant 0 : i32
      %scan3A_54 = arith.constant 8 : i32
      %scan3A_55 = arith.addi %scan3A_53, %scan3A_54 : i32
      %scan3A_56 = arith.constant 1 : i32
      scf.for %scan3A_58 = %scan3A_53 to %scan3A_55 step %scan3A_56  : i32 {
        %mul3A_59 = arith.constant 1 : i32
        %mul3A_60 = arith.muli %scan3A_58, %mul3A_59 : i32
        %add3A_61 = arith.constant 0 : i32
        %add3A_62 = arith.addi %add3A_61, %mul3A_60 : i32
        %mul3A_63 = arith.constant 16 : i32
        %mul3A_64 = arith.muli %add3A_62, %mul3A_63 : i32
        %get3A = arith.index_cast %add3A_52 : i32 to index
        %get3A_65 = arith.index_cast %mul3A_64 : i32 to index
        %get3A_66 = tpu.vector_load %arg10[%get3A, %get3A_65] {strides = array<i32>} : memref<79x128xf32, #tpu.memory_space<vmem>>, vector<1x16xf32>,
        %get3A_67 = vector.shape_cast %get3A_66 : vector<1x16xf32> to vector<16xf32>
        %slice3A = vector.extract_strided_slice %get3A_67 {offsets = [0], sizes = [1], strides = [1]} : vector<16xf32> to vector<1xf32>
        %squeeze3A = vector.extract %slice3A[0] : f32 from vector<1xf32>
        %broadcast_in_dim3A_68 = vector.broadcast %squeeze3A : f32 to vector<16xf32>
        %mul3A_69 = arith.constant 16 : i32
        %mul3A_70 = arith.muli %add3A_62, %mul3A_69 : i32
        %add3A_71 = arith.constant 0 : i32
        %add3A_72 = arith.addi %mul3A_70, %add3A_71 : i32
        %get3A_73 = arith.index_cast %add3A_72 : i32 to index
        %get3A_74 = arith.constant 0 : index
        %get3A_75 = tpu.vector_load %arg11[%get3A_73, %get3A_74] {strides = array<i32>} : memref<128x128xf32, #tpu.memory_space<vmem>>, vector<1x16xf32>,
        %get3A_76 = vector.shape_cast %get3A_75 : vector<1x16xf32> to vector<16xf32>
        %mul3A_77 = arith.mulf %get3A_76, %broadcast_in_dim3A_68 : vector<16xf32>
        %swap3A = arith.index_cast %add3A_72 : i32 to index
        %swap3A_78 = arith.constant 0 : index
        %swap3A_79 = tpu.vector_load %arg11[%swap3A, %swap3A_78] {strides = array<i32>} : memref<128x128xf32, #tpu.memory_space<vmem>>, vector<1x16xf32>,
        %swap3A_80 = vector.shape_cast %swap3A_79 : vector<1x16xf32> to vector<16xf32>
        %swap3A_81 = vector.shape_cast %mul3A_77 : vector<16xf32> to vector<1x16xf32>
        tpu.vector_store %arg11[%swap3A, %swap3A_78], %swap3A_81 {strides = array<i32>} : memref<128x128xf32, #tpu.memory_space<vmem>>, vector<1x16xf32>,
        %get3A_82 = arith.index_cast %add3A_72 : i32 to index
        %get3A_83 = arith.constant 16 : index
        %get3A_84 = tpu.vector_load %arg11[%get3A_82, %get3A_83] {strides = array<i32>} : memref<128x128xf32, #tpu.memory_space<vmem>>, vector<1x16xf32>,
        %get3A_85 = vector.shape_cast %get3A_84 : vector<1x16xf32> to vector<16xf32>
        %mul3A_86 = arith.mulf %get3A_85, %broadcast_in_dim3A_68 : vector<16xf32>
        %swap3A_87 = arith.index_cast %add3A_72 : i32 to index
        %swap3A_88 = arith.constant 16 : index
        %swap3A_89 = tpu.vector_load %arg11[%swap3A_87, %swap3A_88] {strides = array<i32>} : memref<128x128xf32, #tpu.memory_space<vmem>>, vector<1x16xf32>,
        %swap3A_90 = vector.shape_cast %swap3A_89 : vector<1x16xf32> to vector<16xf32>
        %swap3A_91 = vector.shape_cast %mul3A_86 : vector<16xf32> to vector<1x16xf32>
        tpu.vector_store %arg11[%swap3A_87, %swap3A_88], %swap3A_91 {strides = array<i32>} : memref<128x128xf32, #tpu.memory_space<vmem>>, vector<1x16xf32>,
        %get3A_92 = arith.index_cast %add3A_72 : i32 to index
        %get3A_93 = arith.constant 32 : index
        %get3A_94 = tpu.vector_load %arg11[%get3A_92, %get3A_93] {strides = array<i32>} : memref<128x128xf32, #tpu.memory_space<vmem>>, vector<1x16xf32>,
        %get3A_95 = vector.shape_cast %get3A_94 : vector<1x16xf32> to vector<16xf32>
        %mul3A_96 = arith.mulf %get3A_95, %broadcast_in_dim3A_68 : vector<16xf32>
        %swap3A_97 = arith.index_cast %add3A_72 : i32 to index
        %swap3A_98 = arith.constant 32 : index
        %swap3A_99 = tpu.vector_load %arg11[%swap3A_97, %swap3A_98] {strides = array<i32>} : memref<128x128xf32, #tpu.memory_space<vmem>>, vector<1x16xf32>,
        %swap3A_100 = vector.shape_cast %swap3A_99 : vector<1x16xf32> to vector<16xf32>
        %swap3A_101 = vector.shape_cast %mul3A_96 : vector<16xf32> to vector<1x16xf32>
        tpu.vector_store %arg11[%swap3A_97, %swap3A_98], %swap3A_101 {strides = array<i32>} : memref<128x128xf32, #tpu.memory_space<vmem>>, vector<1x16xf32>,
        %get3A_102 = arith.index_cast %add3A_72 : i32 to index
        %get3A_103 = arith.constant 48 : index
        %get3A_104 = tpu.vector_load %arg11[%get3A_102, %get3A_103] {strides = array<i32>} : memref<128x128xf32, #tpu.memory_space<vmem>>, vector<1x16xf32>,
        %get3A_105 = vector.shape_cast %get3A_104 : vector<1x16xf32> to vector<16xf32>
        %mul3A_106 = arith.mulf %get3A_105, %broadcast_in_dim3A_68 : vector<16xf32>
        %swap3A_107 = arith.index_cast %add3A_72 : i32 to index
        %swap3A_108 = arith.constant 48 : index
        %swap3A_109 = tpu.vector_load %arg11[%swap3A_107, %swap3A_108] {strides = array<i32>} : memref<128x128xf32, #tpu.memory_space<vmem>>, vector<1x16xf32>,
        %swap3A_110 = vector.shape_cast %swap3A_109 : vector<1x16xf32> to vector<16xf32>
        %swap3A_111 = vector.shape_cast %mul3A_106 : vector<16xf32> to vector<1x16xf32>
        tpu.vector_store %arg11[%swap3A_107, %swap3A_108], %swap3A_111 {strides = array<i32>} : memref<128x128xf32, #tpu.memory_space<vmem>>, vector<1x16xf32>,
        %get3A_112 = arith.index_cast %add3A_72 : i32 to index
        %get3A_113 = arith.constant 64 : index
        %get3A_114 = tpu.vector_load %arg11[%get3A_112, %get3A_113] {strides = array<i32>} : memref<128x128xf32, #tpu.memory_space<vmem>>, vector<1x16xf32>,
        %get3A_115 = vector.shape_cast %get3A_114 : vector<1x16xf32> to vector<16xf32>
        %mul3A_116 = arith.mulf %get3A_115, %broadcast_in_dim3A_68 : vector<16xf32>
        %swap3A_117 = arith.index_cast %add3A_72 : i32 to index
        %swap3A_118 = arith.constant 64 : index
        %swap3A_119 = tpu.vector_load %arg11[%swap3A_117, %swap3A_118] {strides = array<i32>} : memref<128x128xf32, #tpu.memory_space<vmem>>, vector<1x16xf32>,
        %swap3A_120 = vector.shape_cast %swap3A_119 : vector<1x16xf32> to vector<16xf32>
        %swap3A_121 = vector.shape_cast %mul3A_116 : vector<16xf32> to vector<1x16xf32>
        tpu.vector_store %arg11[%swap3A_117, %swap3A_118], %swap3A_121 {strides = array<i32>} : memref<128x128xf32, #tpu.memory_space<vmem>>, vector<1x16xf32>,
        %get3A_122 = arith.index_cast %add3A_72 : i32 to index
        %get3A_123 = arith.constant 80 : index
        %get3A_124 = tpu.vector_load %arg11[%get3A_122, %get3A_123] {strides = array<i32>} : memref<128x128xf32, #tpu.memory_space<vmem>>, vector<1x16xf32>,
        %get3A_125 = vector.shape_cast %get3A_124 : vector<1x16xf32> to vector<16xf32>
        %mul3A_126 = arith.mulf %get3A_125, %broadcast_in_dim3A_68 : vector<16xf32>
        %swap3A_127 = arith.index_cast %add3A_72 : i32 to index
        %swap3A_128 = arith.constant 80 : index
        %swap3A_129 = tpu.vector_load %arg11[%swap3A_127, %swap3A_128] {strides = array<i32>} : memref<128x128xf32, #tpu.memory_space<vmem>>, vector<1x16xf32>,
        %swap3A_130 = vector.shape_cast %swap3A_129 : vector<1x16xf32> to vector<16xf32>
        %swap3A_131 = vector.shape_cast %mul3A_126 : vector<16xf32> to vector<1x16xf32>
        tpu.vector_store %arg11[%swap3A_127, %swap3A_128], %swap3A_131 {strides = array<i32>} : memref<128x128xf32, #tpu.memory_space<vmem>>, vector<1x16xf32>,
        %get3A_132 = arith.index_cast %add3A_72 : i32 to index
        %get3A_133 = arith.constant 96 : index
        %get3A_134 = tpu.vector_load %arg11[%get3A_132, %get3A_133] {strides = array<i32>} : memref<128x128xf32, #tpu.memory_space<vmem>>, vector<1x16xf32>,
        %get3A_135 = vector.shape_cast %get3A_134 : vector<1x16xf32> to vector<16xf32>
        %mul3A_136 = arith.mulf %get3A_135, %broadcast_in_dim3A_68 : vector<16xf32>
        %swap3A_137 = arith.index_cast %add3A_72 : i32 to index
        %swap3A_138 = arith.constant 96 : index
        %swap3A_139 = tpu.vector_load %arg11[%swap3A_137, %swap3A_138] {strides = array<i32>} : memref<128x128xf32, #tpu.memory_space<vmem>>, vector<1x16xf32>,
        %swap3A_140 = vector.shape_cast %swap3A_139 : vector<1x16xf32> to vector<16xf32>
        %swap3A_141 = vector.shape_cast %mul3A_136 : vector<16xf32> to vector<1x16xf32>
        tpu.vector_store %arg11[%swap3A_137, %swap3A_138], %swap3A_141 {strides = array<i32>} : memref<128x128xf32, #tpu.memory_space<vmem>>, vector<1x16xf32>,
        %get3A_142 = arith.index_cast %add3A_72 : i32 to index
        %get3A_143 = arith.constant 112 : index
        %get3A_144 = tpu.vector_load %arg11[%get3A_142, %get3A_143] {strides = array<i32>} : memref<128x128xf32, #tpu.memory_space<vmem>>, vector<1x16xf32>,
        %get3A_145 = vector.shape_cast %get3A_144 : vector<1x16xf32> to vector<16xf32>
        %mul3A_146 = arith.mulf %get3A_145, %broadcast_in_dim3A_68 : vector<16xf32>
        %swap3A_147 = arith.index_cast %add3A_72 : i32 to index
        %swap3A_148 = arith.constant 112 : index
        %swap3A_149 = tpu.vector_load %arg11[%swap3A_147, %swap3A_148] {strides = array<i32>} : memref<128x128xf32, #tpu.memory_space<vmem>>, vector<1x16xf32>,
        %swap3A_150 = vector.shape_cast %swap3A_149 : vector<1x16xf32> to vector<16xf32>
        %swap3A_151 = vector.shape_cast %mul3A_146 : vector<16xf32> to vector<1x16xf32>
        tpu.vector_store %arg11[%swap3A_147, %swap3A_148], %swap3A_151 {strides = array<i32>} : memref<128x128xf32, #tpu.memory_space<vmem>>, vector<1x16xf32>,
        %slice3A_152 = vector.extract_strided_slice %get3A_67 {offsets = [1], sizes = [1], strides = [1]} : vector<16xf32> to vector<1xf32>
        %squeeze3A_153 = vector.extract %slice3A_152[0] : f32 from vector<1xf32>
        %broadcast_in_dim3A_154 = vector.broadcast %squeeze3A_153 : f32 to vector<16xf32>
        %mul3A_155 = arith.constant 16 : i32
        %mul3A_156 = arith.muli %add3A_62, %mul3A_155 : i32
        %add3A_157 = arith.constant 1 : i32
        %add3A_158 = arith.addi %mul3A_156, %add3A_157 : i32
        %get3A_159 = arith.index_cast %add3A_158 : i32 to index
        %get3A_160 = arith.constant 0 : index
        %get3A_161 = tpu.vector_load %arg11[%get3A_159, %get3A_160] {strides = array<i32>} : memref<128x128xf32, #tpu.memory_space<vmem>>, vector<1x16xf32>,
        %get3A_162 = vector.shape_cast %get3A_161 : vector<1x16xf32> to vector<16xf32>
        %mul3A_163 = arith.mulf %get3A_162, %broadcast_in_dim3A_154 : vector<16xf32>
        %swap3A_164 = arith.index_cast %add3A_158 : i32 to index
        %swap3A_165 = arith.constant 0 : index
        %swap3A_166 = tpu.vector_load %arg11[%swap3A_164, %swap3A_165] {strides = array<i32>} : memref<128x128xf32, #tpu.memory_space<vmem>>, vector<1x16xf32>,
        %swap3A_167 = vector.shape_cast %swap3A_166 : vector<1x16xf32> to vector<16xf32>
        %swap3A_168 = vector.shape_cast %mul3A_163 : vector<16xf32> to vector<1x16xf32>
        tpu.vector_store %arg11[%swap3A_164, %swap3A_165], %swap3A_168 {strides = array<i32>} : memref<128x128xf32, #tpu.memory_space<vmem>>, vector<1x16xf32>,
        %get3A_169 = arith.index_cast %add3A_158 : i32 to index
        %get3A_170 = arith.constant 16 : index
        %get3A_171 = tpu.vector_load %arg11[%get3A_169, %get3A_170] {strides = array<i32>} : memref<128x128xf32, #tpu.memory_space<vmem>>, vector<1x16xf32>,
        %get3A_172 = vector.shape_cast %get3A_171 : vector<1x16xf32> to vector<16xf32>
        %mul3A_173 = arith.mulf %get3A_172, %broadcast_in_dim3A_154 : vector<16xf32>
        %swap3A_174 = arith.index_cast %add3A_158 : i32 to index
        %swap3A_175 = arith.constant 16 : index
        %swap3A_176 = tpu.vector_load %arg11[%swap3A_174, %swap3A_175] {strides = array<i32>} : memref<128x128xf32, #tpu.memory_space<vmem>>, vector<1x16xf32>,
        %swap3A_177 = vector.shape_cast %swap3A_176 : vector<1x16xf32> to vector<16xf32>
        %swap3A_178 = vector.shape_cast %mul3A_173 : vector<16xf32> to vector<1x16xf32>
        tpu.vector_store %arg11[%swap3A_174, %swap3A_175], %swap3A_178 {strides = array<i32>} : memref<128x128xf32, #tpu.memory_space<vmem>>, vector<1x16xf32>,
        %get3A_179 = arith.index_cast %add3A_158 : i32 to index
        %get3A_180 = arith.constant 32 : index
        %get3A_181 = tpu.vector_load %arg11[%get3A_179, %get3A_180] {strides = array<i32>} : memref<128x128xf32, #tpu.memory_space<vmem>>, vector<1x16xf32>,
        %get3A_182 = vector.shape_cast %get3A_181 : vector<1x16xf32> to vector<16xf32>
        %mul3A_183 = arith.mulf %get3A_182, %broadcast_in_dim3A_154 : vector<16xf32>
        %swap3A_184 = arith.index_cast %add3A_158 : i32 to index
        %swap3A_185 = arith.constant 32 : index
        %swap3A_186 = tpu.vector_load %arg11[%swap3A_184, %swap3A_185] {strides = array<i32>} : memref<128x128xf32, #tpu.memory_space<vmem>>, vector<1x16xf32>,
        %swap3A_187 = vector.shape_cast %swap3A_186 : vector<1x16xf32> to vector<16xf32>
        %swap3A_188 = vector.shape_cast %mul3A_183 : vector<16xf32> to vector<1x16xf32>
        tpu.vector_store %arg11[%swap3A_184, %swap3A_185], %swap3A_188 {strides = array<i32>} : memref<128x128xf32, #tpu.memory_space<vmem>>, vector<1x16xf32>,
        %get3A_189 = arith.index_cast %add3A_158 : i32 to index
        %get3A_190 = arith.constant 48 : index
        %get3A_191 = tpu.vector_load %arg11[%get3A_189, %get3A_190] {strides = array<i32>} : memref<128x128xf32, #tpu.memory_space<vmem>>, vector<1x16xf32>,
        %get3A_192 = vector.shape_cast %get3A_191 : vector<1x16xf32> to vector<16xf32>
        %mul3A_193 = arith.mulf %get3A_192, %broadcast_in_dim3A_154 : vector<16xf32>
        %swap3A_194 = arith.index_cast %add3A_158 : i32 to index
        %swap3A_195 = arith.constant 48 : index
        %swap3A_196 = tpu.vector_load %arg11[%swap3A_194, %swap3A_195] {strides = array<i32>} : memref<128x128xf32, #tpu.memory_space<vmem>>, vector<1x16xf32>,
        %swap3A_197 = vector.shape_cast %swap3A_196 : vector<1x16xf32> to vector<16xf32>
        %swap3A_198 = vector.shape_cast %mul3A_193 : vector<16xf32> to vector<1x16xf32>
        tpu.vector_store %arg11[%swap3A_194, %swap3A_195], %swap3A_198 {strides = array<i32>} : memref<128x128xf32, #tpu.memory_space<vmem>>, vector<1x16xf32>,
        %get3A_199 = arith.index_cast %add3A_158 : i32 to index
        %get3A_200 = arith.constant 64 : index
        %get3A_201 = tpu.vector_load %arg11[%get3A_199, %get3A_200] {strides = array<i32>} : memref<128x128xf32, #tpu.memory_space<vmem>>, vector<1x16xf32>,
        %get3A_202 = vector.shape_cast %get3A_201 : vector<1x16xf32> to vector<16xf32>
        %mul3A_203 = arith.mulf %get3A_202, %broadcast_in_dim3A_154 : vector<16xf32>
        %swap3A_204 = arith.index_cast %add3A_158 : i32 to index
        %swap3A_205 = arith.constant 64 : index
        %swap3A_206 = tpu.vector_load %arg11[%swap3A_204, %swap3A_205] {strides = array<i32>} : memref<128x128xf32, #tpu.memory_space<vmem>>, vector<1x16xf32>,
        %swap3A_207 = vector.shape_cast %swap3A_206 : vector<1x16xf32> to vector<16xf32>
        %swap3A_208 = vector.shape_cast %mul3A_203 : vector<16xf32> to vector<1x16xf32>
        tpu.vector_store %arg11[%swap3A_204, %swap3A_205], %swap3A_208 {strides = array<i32>} : memref<128x128xf32, #tpu.memory_space<vmem>>, vector<1x16xf32>,
        %get3A_209 = arith.index_cast %add3A_158 : i32 to index
        %get3A_210 = arith.constant 80 : index
        %get3A_211 = tpu.vector_load %arg11[%get3A_209, %get3A_210] {strides = array<i32>} : memref<128x128xf32, #tpu.memory_space<vmem>>, vector<1x16xf32>,
        %get3A_212 = vector.shape_cast %get3A_211 : vector<1x16xf32> to vector<16xf32>
        %mul3A_213 = arith.mulf %get3A_212, %broadcast_in_dim3A_154 : vector<16xf32>
        %swap3A_214 = arith.index_cast %add3A_158 : i32 to index
        %swap3A_215 = arith.constant 80 : index
        %swap3A_216 = tpu.vector_load %arg11[%swap3A_214, %swap3A_215] {strides = array<i32>} : memref<128x128xf32, #tpu.memory_space<vmem>>, vector<1x16xf32>,
        %swap3A_217 = vector.shape_cast %swap3A_216 : vector<1x16xf32> to vector<16xf32>
        %swap3A_218 = vector.shape_cast %mul3A_213 : vector<16xf32> to vector<1x16xf32>
        tpu.vector_store %arg11[%swap3A_214, %swap3A_215], %swap3A_218 {strides = array<i32>} : memref<128x128xf32, #tpu.memory_space<vmem>>, vector<1x16xf32>,
        %get3A_219 = arith.index_cast %add3A_158 : i32 to index
        %get3A_220 = arith.constant 96 : index
        %get3A_221 = tpu.vector_load %arg11[%get3A_219, %get3A_220] {strides = array<i32>} : memref<128x128xf32, #tpu.memory_space<vmem>>, vector<1x16xf32>,
        %get3A_222 = vector.shape_cast %get3A_221 : vector<1x16xf32> to vector<16xf32>
        %mul3A_223 = arith.mulf %get3A_222, %broadcast_in_dim3A_154 : vector<16xf32>
        %swap3A_224 = arith.index_cast %add3A_158 : i32 to index
        %swap3A_225 = arith.constant 96 : index
        %swap3A_226 = tpu.vector_load %arg11[%swap3A_224, %swap3A_225] {strides = array<i32>} : memref<128x128xf32, #tpu.memory_space<vmem>>, vector<1x16xf32>,
        %swap3A_227 = vector.shape_cast %swap3A_226 : vector<1x16xf32> to vector<16xf32>
        %swap3A_228 = vector.shape_cast %mul3A_223 : vector<16xf32> to vector<1x16xf32>
        tpu.vector_store %arg11[%swap3A_224, %swap3A_225], %swap3A_228 {strides = array<i32>} : memref<128x128xf32, #tpu.memory_space<vmem>>, vector<1x16xf32>,
        %get3A_229 = arith.index_cast %add3A_158 : i32 to index
        %get3A_230 = arith.constant 112 : index
        %get3A_231 = tpu.vector_load %arg11[%get3A_229, %get3A_230] {strides = array<i32>} : memref<128x128xf32, #tpu.memory_space<vmem>>, vector<1x16xf32>,
        %get3A_232 = vector.shape_cast %get3A_231 : vector<1x16xf32> to vector<16xf32>
        %mul3A_233 = arith.mulf %get3A_232, %broadcast_in_dim3A_154 : vector<16xf32>
        %swap3A_234 = arith.index_cast %add3A_158 : i32 to index
        %swap3A_235 = arith.constant 112 : index
        %swap3A_236 = tpu.vector_load %arg11[%swap3A_234, %swap3A_235] {strides = array<i32>} : memref<128x128xf32, #tpu.memory_space<vmem>>, vector<1x16xf32>,
        %swap3A_237 = vector.shape_cast %swap3A_236 : vector<1x16xf32> to vector<16xf32>
        %swap3A_238 = vector.shape_cast %mul3A_233 : vector<16xf32> to vector<1x16xf32>
        tpu.vector_store %arg11[%swap3A_234, %swap3A_235], %swap3A_238 {strides = array<i32>} : memref<128x128xf32, #tpu.memory_space<vmem>>, vector<1x16xf32>,
        %slice3A_239 = vector.extract_strided_slice %get3A_67 {offsets = [2], sizes = [1], strides = [1]} : vector<16xf32> to vector<1xf32>
        %squeeze3A_240 = vector.extract %slice3A_239[0] : f32 from vector<1xf32>
        %broadcast_in_dim3A_241 = vector.broadcast %squeeze3A_240 : f32 to vector<16xf32>
        %mul3A_242 = arith.constant 16 : i32
        %mul3A_243 = arith.muli %add3A_62, %mul3A_242 : i32
        %add3A_244 = arith.constant 2 : i32
        %add3A_245 = arith.addi %mul3A_243, %add3A_244 : i32
        %get3A_246 = arith.index_cast %add3A_245 : i32 to index
        %get3A_247 = arith.constant 0 : index
        %get3A_248 = tpu.vector_load %arg11[%get3A_246, %get3A_247] {strides = array<i32>} : memref<128x128xf32, #tpu.memory_space<vmem>>, vector<1x16xf32>,
        %get3A_249 = vector.shape_cast %get3A_248 : vector<1x16xf32> to vector<16xf32>
        %mul3A_250 = arith.mulf %get3A_249, %broadcast_in_dim3A_241 : vector<16xf32>
        %swap3A_251 = arith.index_cast %add3A_245 : i32 to index
        %swap3A_252 = arith.constant 0 : index
        %swap3A_253 = tpu.vector_load %arg11[%swap3A_251, %swap3A_252] {strides = array<i32>} : memref<128x128xf32, #tpu.memory_space<vmem>>, vector<1x16xf32>,
        %swap3A_254 = vector.shape_cast %swap3A_253 : vector<1x16xf32> to vector<16xf32>
        %swap3A_255 = vector.shape_cast %mul3A_250 : vector<16xf32> to vector<1x16xf32>
        tpu.vector_store %arg11[%swap3A_251, %swap3A_252], %swap3A_255 {strides = array<i32>} : memref<128x128xf32, #tpu.memory_space<vmem>>, vector<1x16xf32>,
        %get3A_256 = arith.index_cast %add3A_245 : i32 to index
        %get3A_257 = arith.constant 16 : index
        %get3A_258 = tpu.vector_load %arg11[%get3A_256, %get3A_257] {strides = array<i32>} : memref<128x128xf32, #tpu.memory_space<vmem>>, vector<1x16xf32>,
        %get3A_259 = vector.shape_cast %get3A_258 : vector<1x16xf32> to vector<16xf32>
        %mul3A_260 = arith.mulf %get3A_259, %broadcast_in_dim3A_241 : vector<16xf32>
        %swap3A_261 = arith.index_cast %add3A_245 : i32 to index
        %swap3A_262 = arith.constant 16 : index
        %swap3A_263 = tpu.vector_load %arg11[%swap3A_261, %swap3A_262] {strides = array<i32>} : memref<128x128xf32, #tpu.memory_space<vmem>>, vector<1x16xf32>,
        %swap3A_264 = vector.shape_cast %swap3A_263 : vector<1x16xf32> to vector<16xf32>
        %swap3A_265 = vector.shape_cast %mul3A_260 : vector<16xf32> to vector<1x16xf32>
        tpu.vector_store %arg11[%swap3A_261, %swap3A_262], %swap3A_265 {strides = array<i32>} : memref<128x128xf32, #tpu.memory_space<vmem>>, vector<1x16xf32>,
        %get3A_266 = arith.index_cast %add3A_245 : i32 to index
        %get3A_267 = arith.constant 32 : index
        %get3A_268 = tpu.vector_load %arg11[%get3A_266, %get3A_267] {strides = array<i32>} : memref<128x128xf32, #tpu.memory_space<vmem>>, vector<1x16xf32>,
        %get3A_269 = vector.shape_cast %get3A_268 : vector<1x16xf32> to vector<16xf32>
        %mul3A_270 = arith.mulf %get3A_269, %broadcast_in_dim3A_241 : vector<16xf32>
        %swap3A_271 = arith.index_cast %add3A_245 : i32 to index
        %swap3A_272 = arith.constant 32 : index
        %swap3A_273 = tpu.vector_load %arg11[%swap3A_271, %swap3A_272] {strides = array<i32>} : memref<128x128xf32, #tpu.memory_space<vmem>>, vector<1x16xf32>,
        %swap3A_274 = vector.shape_cast %swap3A_273 : vector<1x16xf32> to vector<16xf32>
        %swap3A_275 = vector.shape_cast %mul3A_270 : vector<16xf32> to vector<1x16xf32>
        tpu.vector_store %arg11[%swap3A_271, %swap3A_272], %swap3A_275 {strides = array<i32>} : memref<128x128xf32, #tpu.memory_space<vmem>>, vector<1x16xf32>,
        %get3A_276 = arith.index_cast %add3A_245 : i32 to index
        %get3A_277 = arith.constant 48 : index
        %get3A_278 = tpu.vector_load %arg11[%get3A_276, %get3A_277] {strides = array<i32>} : memref<128x128xf32, #tpu.memory_space<vmem>>, vector<1x16xf32>,
        %get3A_279 = vector.shape_cast %get3A_278 : vector<1x16xf32> to vector<16xf32>
        %mul3A_280 = arith.mulf %get3A_279, %broadcast_in_dim3A_241 : vector<16xf32>
        %swap3A_281 = arith.index_cast %add3A_245 : i32 to index
        %swap3A_282 = arith.constant 48 : index
        %swap3A_283 = tpu.vector_load %arg11[%swap3A_281, %swap3A_282] {strides = array<i32>} : memref<128x128xf32, #tpu.memory_space<vmem>>, vector<1x16xf32>,
        %swap3A_284 = vector.shape_cast %swap3A_283 : vector<1x16xf32> to vector<16xf32>
        %swap3A_285 = vector.shape_cast %mul3A_280 : vector<16xf32> to vector<1x16xf32>
        tpu.vector_store %arg11[%swap3A_281, %swap3A_282], %swap3A_285 {strides = array<i32>} : memref<128x128xf32, #tpu.memory_space<vmem>>, vector<1x16xf32>,
        %get3A_286 = arith.index_cast %add3A_245 : i32 to index
        %get3A_287 = arith.constant 64 : index
        %get3A_288 = tpu.vector_load %arg11[%get3A_286, %get3A_287] {strides = array<i32>} : memref<128x128xf32, #tpu.memory_space<vmem>>, vector<1x16xf32>,
        %get3A_289 = vector.shape_cast %get3A_288 : vector<1x16xf32> to vector<16xf32>
        %mul3A_290 = arith.mulf %get3A_289, %broadcast_in_dim3A_241 : vector<16xf32>
        %swap3A_291 = arith.index_cast %add3A_245 : i32 to index
        %swap3A_292 = arith.constant 64 : index
        %swap3A_293 = tpu.vector_load %arg11[%swap3A_291, %swap3A_292] {strides = array<i32>} : memref<128x128xf32, #tpu.memory_space<vmem>>, vector<1x16xf32>,
        %swap3A_294 = vector.shape_cast %swap3A_293 : vector<1x16xf32> to vector<16xf32>
        %swap3A_295 = vector.shape_cast %mul3A_290 : vector<16xf32> to vector<1x16xf32>
        tpu.vector_store %arg11[%swap3A_291, %swap3A_292], %swap3A_295 {strides = array<i32>} : memref<128x128xf32, #tpu.memory_space<vmem>>, vector<1x16xf32>,
        %get3A_296 = arith.index_cast %add3A_245 : i32 to index
        %get3A_297 = arith.constant 80 : index
        %get3A_298 = tpu.vector_load %arg11[%get3A_296, %get3A_297] {strides = array<i32>} : memref<128x128xf32, #tpu.memory_space<vmem>>, vector<1x16xf32>,
        %get3A_299 = vector.shape_cast %get3A_298 : vector<1x16xf32> to vector<16xf32>
        %mul3A_300 = arith.mulf %get3A_299, %broadcast_in_dim3A_241 : vector<16xf32>
        %swap3A_301 = arith.index_cast %add3A_245 : i32 to index
        %swap3A_302 = arith.constant 80 : index
        %swap3A_303 = tpu.vector_load %arg11[%swap3A_301, %swap3A_302] {strides = array<i32>} : memref<128x128xf32, #tpu.memory_space<vmem>>, vector<1x16xf32>,
        %swap3A_304 = vector.shape_cast %swap3A_303 : vector<1x16xf32> to vector<16xf32>
        %swap3A_305 = vector.shape_cast %mul3A_300 : vector<16xf32> to vector<1x16xf32>
        tpu.vector_store %arg11[%swap3A_301, %swap3A_302], %swap3A_305 {strides = array<i32>} : memref<128x128xf32, #tpu.memory_space<vmem>>, vector<1x16xf32>,
        %get3A_306 = arith.index_cast %add3A_245 : i32 to index
        %get3A_307 = arith.constant 96 : index
        %get3A_308 = tpu.vector_load %arg11[%get3A_306, %get3A_307] {strides = array<i32>} : memref<128x128xf32, #tpu.memory_space<vmem>>, vector<1x16xf32>,
        %get3A_309 = vector.shape_cast %get3A_308 : vector<1x16xf32> to vector<16xf32>
        %mul3A_310 = arith.mulf %get3A_309, %broadcast_in_dim3A_241 : vector<16xf32>
        %swap3A_311 = arith.index_cast %add3A_245 : i32 to index
        %swap3A_312 = arith.constant 96 : index
        %swap3A_313 = tpu.vector_load %arg11[%swap3A_311, %swap3A_312] {strides = array<i32>} : memref<128x128xf32, #tpu.memory_space<vmem>>, vector<1x16xf32>,
        %swap3A_314 = vector.shape_cast %swap3A_313 : vector<1x16xf32> to vector<16xf32>
        %swap3A_315 = vector.shape_cast %mul3A_310 : vector<16xf32> to vector<1x16xf32>
        tpu.vector_store %arg11[%swap3A_311, %swap3A_312], %swap3A_315 {strides = array<i32>} : memref<128x128xf32, #tpu.memory_space<vmem>>, vector<1x16xf32>,
        %get3A_316 = arith.index_cast %add3A_245 : i32 to index
        %get3A_317 = arith.constant 112 : index
        %get3A_318 = tpu.vector_load %arg11[%get3A_316, %get3A_317] {strides = array<i32>} : memref<128x128xf32, #tpu.memory_space<vmem>>, vector<1x16xf32>,
        %get3A_319 = vector.shape_cast %get3A_318 : vector<1x16xf32> to vector<16xf32>
        %mul3A_320 = arith.mulf %get3A_319, %broadcast_in_dim3A_241 : vector<16xf32>
        %swap3A_321 = arith.index_cast %add3A_245 : i32 to index
        %swap3A_322 = arith.constant 112 : index
        %swap3A_323 = tpu.vector_load %arg11[%swap3A_321, %swap3A_322] {strides = array<i32>} : memref<128x128xf32, #tpu.memory_space<vmem>>, vector<1x16xf32>,
        %swap3A_324 = vector.shape_cast %swap3A_323 : vector<1x16xf32> to vector<16xf32>
        %swap3A_325 = vector.shape_cast %mul3A_320 : vector<16xf32> to vector<1x16xf32>
        tpu.vector_store %arg11[%swap3A_321, %swap3A_322], %swap3A_325 {strides = array<i32>} : memref<128x128xf32, #tpu.memory_space<vmem>>, vector<1x16xf32>,
        %slice3A_326 = vector.extract_strided_slice %get3A_67 {offsets = [3], sizes = [1], strides = [1]} : vector<16xf32> to vector<1xf32>
        %squeeze3A_327 = vector.extract %slice3A_326[0] : f32 from vector<1xf32>
        %broadcast_in_dim3A_328 = vector.broadcast %squeeze3A_327 : f32 to vector<16xf32>
        %mul3A_329 = arith.constant 16 : i32
        %mul3A_330 = arith.muli %add3A_62, %mul3A_329 : i32
        %add3A_331 = arith.constant 3 : i32
        %add3A_332 = arith.addi %mul3A_330, %add3A_331 : i32
        %get3A_333 = arith.index_cast %add3A_332 : i32 to index
        %get3A_334 = arith.constant 0 : index
        %get3A_335 = tpu.vector_load %arg11[%get3A_333, %get3A_334] {strides = array<i32>} : memref<128x128xf32, #tpu.memory_space<vmem>>, vector<1x16xf32>,
        %get3A_336 = vector.shape_cast %get3A_335 : vector<1x16xf32> to vector<16xf32>
        %mul3A_337 = arith.mulf %get3A_336, %broadcast_in_dim3A_328 : vector<16xf32>
        %swap3A_338 = arith.index_cast %add3A_332 : i32 to index
        %swap3A_339 = arith.constant 0 : index
        %swap3A_340 = tpu.vector_load %arg11[%swap3A_338, %swap3A_339] {strides = array<i32>} : memref<128x128xf32, #tpu.memory_space<vmem>>, vector<1x16xf32>,
        %swap3A_341 = vector.shape_cast %swap3A_340 : vector<1x16xf32> to vector<16xf32>
        %swap3A_342 = vector.shape_cast %mul3A_337 : vector<16xf32> to vector<1x16xf32>
        tpu.vector_store %arg11[%swap3A_338, %swap3A_339], %swap3A_342 {strides = array<i32>} : memref<128x128xf32, #tpu.memory_space<vmem>>, vector<1x16xf32>,
        %get3A_343 = arith.index_cast %add3A_332 : i32 to index
        %get3A_344 = arith.constant 16 : index
        %get3A_345 = tpu.vector_load %arg11[%get3A_343, %get3A_344] {strides = array<i32>} : memref<128x128xf32, #tpu.memory_space<vmem>>, vector<1x16xf32>,
        %get3A_346 = vector.shape_cast %get3A_345 : vector<1x16xf32> to vector<16xf32>
        %mul3A_347 = arith.mulf %get3A_346, %broadcast_in_dim3A_328 : vector<16xf32>
        %swap3A_348 = arith.index_cast %add3A_332 : i32 to index
        %swap3A_349 = arith.constant 16 : index
        %swap3A_350 = tpu.vector_load %arg11[%swap3A_348, %swap3A_349] {strides = array<i32>} : memref<128x128xf32, #tpu.memory_space<vmem>>, vector<1x16xf32>,
        %swap3A_351 = vector.shape_cast %swap3A_350 : vector<1x16xf32> to vector<16xf32>
        %swap3A_352 = vector.shape_cast %mul3A_347 : vector<16xf32> to vector<1x16xf32>
        tpu.vector_store %arg11[%swap3A_348, %swap3A_349], %swap3A_352 {strides = array<i32>} : memref<128x128xf32, #tpu.memory_space<vmem>>, vector<1x16xf32>,
        %get3A_353 = arith.index_cast %add3A_332 : i32 to index
        %get3A_354 = arith.constant 32 : index
        %get3A_355 = tpu.vector_load %arg11[%get3A_353, %get3A_354] {strides = array<i32>} : memref<128x128xf32, #tpu.memory_space<vmem>>, vector<1x16xf32>,
        %get3A_356 = vector.shape_cast %get3A_355 : vector<1x16xf32> to vector<16xf32>
        %mul3A_357 = arith.mulf %get3A_356, %broadcast_in_dim3A_328 : vector<16xf32>
        %swap3A_358 = arith.index_cast %add3A_332 : i32 to index
        %swap3A_359 = arith.constant 32 : index
        %swap3A_360 = tpu.vector_load %arg11[%swap3A_358, %swap3A_359] {strides = array<i32>} : memref<128x128xf32, #tpu.memory_space<vmem>>, vector<1x16xf32>,
        %swap3A_361 = vector.shape_cast %swap3A_360 : vector<1x16xf32> to vector<16xf32>
        %swap3A_362 = vector.shape_cast %mul3A_357 : vector<16xf32> to vector<1x16xf32>
        tpu.vector_store %arg11[%swap3A_358, %swap3A_359], %swap3A_362 {strides = array<i32>} : memref<128x128xf32, #tpu.memory_space<vmem>>, vector<1x16xf32>,
        %get3A_363 = arith.index_cast %add3A_332 : i32 to index
        %get3A_364 = arith.constant 48 : index
        %get3A_365 = tpu.vector_load %arg11[%get3A_363, %get3A_364] {strides = array<i32>} : memref<128x128xf32, #tpu.memory_space<vmem>>, vector<1x16xf32>,
        %get3A_366 = vector.shape_cast %get3A_365 : vector<1x16xf32> to vector<16xf32>
        %mul3A_367 = arith.mulf %get3A_366, %broadcast_in_dim3A_328 : vector<16xf32>
        %swap3A_368 = arith.index_cast %add3A_332 : i32 to index
        %swap3A_369 = arith.constant 48 : index
        %swap3A_370 = tpu.vector_load %arg11[%swap3A_368, %swap3A_369] {strides = array<i32>} : memref<128x128xf32, #tpu.memory_space<vmem>>, vector<1x16xf32>,
        %swap3A_371 = vector.shape_cast %swap3A_370 : vector<1x16xf32> to vector<16xf32>
        %swap3A_372 = vector.shape_cast %mul3A_367 : vector<16xf32> to vector<1x16xf32>
        tpu.vector_store %arg11[%swap3A_368, %swap3A_369], %swap3A_372 {strides = array<i32>} : memref<128x128xf32, #tpu.memory_space<vmem>>, vector<1x16xf32>,
        %get3A_373 = arith.index_cast %add3A_332 : i32 to index
        %get3A_374 = arith.constant 64 : index
        %get3A_375 = tpu.vector_load %arg11[%get3A_373, %get3A_374] {strides = array<i32>} : memref<128x128xf32, #tpu.memory_space<vmem>>, vector<1x16xf32>,
        %get3A_376 = vector.shape_cast %get3A_375 : vector<1x16xf32> to vector<16xf32>
        %mul3A_377 = arith.mulf %get3A_376, %broadcast_in_dim3A_328 : vector<16xf32>
        %swap3A_378 = arith.index_cast %add3A_332 : i32 to index
        %swap3A_379 = arith.constant 64 : index
        %swap3A_380 = tpu.vector_load %arg11[%swap3A_378, %swap3A_379] {strides = array<i32>} : memref<128x128xf32, #tpu.memory_space<vmem>>, vector<1x16xf32>,
        %swap3A_381 = vector.shape_cast %swap3A_380 : vector<1x16xf32> to vector<16xf32>
        %swap3A_382 = vector.shape_cast %mul3A_377 : vector<16xf32> to vector<1x16xf32>
        tpu.vector_store %arg11[%swap3A_378, %swap3A_379], %swap3A_382 {strides = array<i32>} : memref<128x128xf32, #tpu.memory_space<vmem>>, vector<1x16xf32>,
        %get3A_383 = arith.index_cast %add3A_332 : i32 to index
        %get3A_384 = arith.constant 80 : index
        %get3A_385 = tpu.vector_load %arg11[%get3A_383, %get3A_384] {strides = array<i32>} : memref<128x128xf32, #tpu.memory_space<vmem>>, vector<1x16xf32>,
        %get3A_386 = vector.shape_cast %get3A_385 : vector<1x16xf32> to vector<16xf32>
        %mul3A_387 = arith.mulf %get3A_386, %broadcast_in_dim3A_328 : vector<16xf32>
        %swap3A_388 = arith.index_cast %add3A_332 : i32 to index
        %swap3A_389 = arith.constant 80 : index
        %swap3A_390 = tpu.vector_load %arg11[%swap3A_388, %swap3A_389] {strides = array<i32>} : memref<128x128xf32, #tpu.memory_space<vmem>>, vector<1x16xf32>,
        %swap3A_391 = vector.shape_cast %swap3A_390 : vector<1x16xf32> to vector<16xf32>
        %swap3A_392 = vector.shape_cast %mul3A_387 : vector<16xf32> to vector<1x16xf32>
        tpu.vector_store %arg11[%swap3A_388, %swap3A_389], %swap3A_392 {strides = array<i32>} : memref<128x128xf32, #tpu.memory_space<vmem>>, vector<1x16xf32>,
        %get3A_393 = arith.index_cast %add3A_332 : i32 to index
        %get3A_394 = arith.constant 96 : index
        %get3A_395 = tpu.vector_load %arg11[%get3A_393, %get3A_394] {strides = array<i32>} : memref<128x128xf32, #tpu.memory_space<vmem>>, vector<1x16xf32>,
        %get3A_396 = vector.shape_cast %get3A_395 : vector<1x16xf32> to vector<16xf32>
        %mul3A_397 = arith.mulf %get3A_396, %broadcast_in_dim3A_328 : vector<16xf32>
        %swap3A_398 = arith.index_cast %add3A_332 : i32 to index
        %swap3A_399 = arith.constant 96 : index
        %swap3A_400 = tpu.vector_load %arg11[%swap3A_398, %swap3A_399] {strides = array<i32>} : memref<128x128xf32, #tpu.memory_space<vmem>>, vector<1x16xf32>,
        %swap3A_401 = vector.shape_cast %swap3A_400 : vector<1x16xf32> to vector<16xf32>
        %swap3A_402 = vector.shape_cast %mul3A_397 : vector<16xf32> to vector<1x16xf32>
        tpu.vector_store %arg11[%swap3A_398, %swap3A_399], %swap3A_402 {strides = array<i32>} : memref<128x128xf32, #tpu.memory_space<vmem>>, vector<1x16xf32>,
        %get3A_403 = arith.index_cast %add3A_332 : i32 to index
        %get3A_404 = arith.constant 112 : index
        %get3A_405 = tpu.vector_load %arg11[%get3A_403, %get3A_404] {strides = array<i32>} : memref<128x128xf32, #tpu.memory_space<vmem>>, vector<1x16xf32>,
        %get3A_406 = vector.shape_cast %get3A_405 : vector<1x16xf32> to vector<16xf32>
        %mul3A_407 = arith.mulf %get3A_406, %broadcast_in_dim3A_328 : vector<16xf32>
        %swap3A_408 = arith.index_cast %add3A_332 : i32 to index
        %swap3A_409 = arith.constant 112 : index
        %swap3A_410 = tpu.vector_load %arg11[%swap3A_408, %swap3A_409] {strides = array<i32>} : memref<128x128xf32, #tpu.memory_space<vmem>>, vector<1x16xf32>,
        %swap3A_411 = vector.shape_cast %swap3A_410 : vector<1x16xf32> to vector<16xf32>
        %swap3A_412 = vector.shape_cast %mul3A_407 : vector<16xf32> to vector<1x16xf32>
        tpu.vector_store %arg11[%swap3A_408, %swap3A_409], %swap3A_412 {strides = array<i32>} : memref<128x128xf32, #tpu.memory_space<vmem>>, vector<1x16xf32>,
        %slice3A_413 = vector.extract_strided_slice %get3A_67 {offsets = [4], sizes = [1], strides = [1]} : vector<16xf32> to vector<1xf32>
        %squeeze3A_414 = vector.extract %slice3A_413[0] : f32 from vector<1xf32>
        %broadcast_in_dim3A_415 = vector.broadcast %squeeze3A_414 : f32 to vector<16xf32>
        %mul3A_416 = arith.constant 16 : i32
        %mul3A_417 = arith.muli %add3A_62, %mul3A_416 : i32
        %add3A_418 = arith.constant 4 : i32
        %add3A_419 = arith.addi %mul3A_417, %add3A_418 : i32
        %get3A_420 = arith.index_cast %add3A_419 : i32 to index
        %get3A_421 = arith.constant 0 : index
        %get3A_422 = tpu.vector_load %arg11[%get3A_420, %get3A_421] {strides = array<i32>} : memref<128x128xf32, #tpu.memory_space<vmem>>, vector<1x16xf32>,
        %get3A_423 = vector.shape_cast %get3A_422 : vector<1x16xf32> to vector<16xf32>
        %mul3A_424 = arith.mulf %get3A_423, %broadcast_in_dim3A_415 : vector<16xf32>
        %swap3A_425 = arith.index_cast %add3A_419 : i32 to index
        %swap3A_426 = arith.constant 0 : index
        %swap3A_427 = tpu.vector_load %arg11[%swap3A_425, %swap3A_426] {strides = array<i32>} : memref<128x128xf32, #tpu.memory_space<vmem>>, vector<1x16xf32>,
        %swap3A_428 = vector.shape_cast %swap3A_427 : vector<1x16xf32> to vector<16xf32>
        %swap3A_429 = vector.shape_cast %mul3A_424 : vector<16xf32> to vector<1x16xf32>
        tpu.vector_store %arg11[%swap3A_425, %swap3A_426], %swap3A_429 {strides = array<i32>} : memref<128x128xf32, #tpu.memory_space<vmem>>, vector<1x16xf32>,
        %get3A_430 = arith.index_cast %add3A_419 : i32 to index
        %get3A_431 = arith.constant 16 : index
        %get3A_432 = tpu.vector_load %arg11[%get3A_430, %get3A_431] {strides = array<i32>} : memref<128x128xf32, #tpu.memory_space<vmem>>, vector<1x16xf32>,
        %get3A_433 = vector.shape_cast %get3A_432 : vector<1x16xf32> to vector<16xf32>
        %mul3A_434 = arith.mulf %get3A_433, %broadcast_in_dim3A_415 : vector<16xf32>
        %swap3A_435 = arith.index_cast %add3A_419 : i32 to index
        %swap3A_436 = arith.constant 16 : index
        %swap3A_437 = tpu.vector_load %arg11[%swap3A_435, %swap3A_436] {strides = array<i32>} : memref<128x128xf32, #tpu.memory_space<vmem>>, vector<1x16xf32>,
        %swap3A_438 = vector.shape_cast %swap3A_437 : vector<1x16xf32> to vector<16xf32>
        %swap3A_439 = vector.shape_cast %mul3A_434 : vector<16xf32> to vector<1x16xf32>
        tpu.vector_store %arg11[%swap3A_435, %swap3A_436], %swap3A_439 {strides = array<i32>} : memref<128x128xf32, #tpu.memory_space<vmem>>, vector<1x16xf32>,
        %get3A_440 = arith.index_cast %add3A_419 : i32 to index
        %get3A_441 = arith.constant 32 : index
        %get3A_442 = tpu.vector_load %arg11[%get3A_440, %get3A_441] {strides = array<i32>} : memref<128x128xf32, #tpu.memory_space<vmem>>, vector<1x16xf32>,
        %get3A_443 = vector.shape_cast %get3A_442 : vector<1x16xf32> to vector<16xf32>
        %mul3A_444 = arith.mulf %get3A_443, %broadcast_in_dim3A_415 : vector<16xf32>
        %swap3A_445 = arith.index_cast %add3A_419 : i32 to index
        %swap3A_446 = arith.constant 32 : index
        %swap3A_447 = tpu.vector_load %arg11[%swap3A_445, %swap3A_446] {strides = array<i32>} : memref<128x128xf32, #tpu.memory_space<vmem>>, vector<1x16xf32>,
        %swap3A_448 = vector.shape_cast %swap3A_447 : vector<1x16xf32> to vector<16xf32>
        %swap3A_449 = vector.shape_cast %mul3A_444 : vector<16xf32> to vector<1x16xf32>
        tpu.vector_store %arg11[%swap3A_445, %swap3A_446], %swap3A_449 {strides = array<i32>} : memref<128x128xf32, #tpu.memory_space<vmem>>, vector<1x16xf32>,
        %get3A_450 = arith.index_cast %add3A_419 : i32 to index
        %get3A_451 = arith.constant 48 : index
        %get3A_452 = tpu.vector_load %arg11[%get3A_450, %get3A_451] {strides = array<i32>} : memref<128x128xf32, #tpu.memory_space<vmem>>, vector<1x16xf32>,
        %get3A_453 = vector.shape_cast %get3A_452 : vector<1x16xf32> to vector<16xf32>
        %mul3A_454 = arith.mulf %get3A_453, %broadcast_in_dim3A_415 : vector<16xf32>
        %swap3A_455 = arith.index_cast %add3A_419 : i32 to index
        %swap3A_456 = arith.constant 48 : index
        %swap3A_457 = tpu.vector_load %arg11[%swap3A_455, %swap3A_456] {strides = array<i32>} : memref<128x128xf32, #tpu.memory_space<vmem>>, vector<1x16xf32>,
        %swap3A_458 = vector.shape_cast %swap3A_457 : vector<1x16xf32> to vector<16xf32>
        %swap3A_459 = vector.shape_cast %mul3A_454 : vector<16xf32> to vector<1x16xf32>
        tpu.vector_store %arg11[%swap3A_455, %swap3A_456], %swap3A_459 {strides = array<i32>} : memref<128x128xf32, #tpu.memory_space<vmem>>, vector<1x16xf32>,
        %get3A_460 = arith.index_cast %add3A_419 : i32 to index
        %get3A_461 = arith.constant 64 : index
        %get3A_462 = tpu.vector_load %arg11[%get3A_460, %get3A_461] {strides = array<i32>} : memref<128x128xf32, #tpu.memory_space<vmem>>, vector<1x16xf32>,
        %get3A_463 = vector.shape_cast %get3A_462 : vector<1x16xf32> to vector<16xf32>
        %mul3A_464 = arith.mulf %get3A_463, %broadcast_in_dim3A_415 : vector<16xf32>
        %swap3A_465 = arith.index_cast %add3A_419 : i32 to index
        %swap3A_466 = arith.constant 64 : index
        %swap3A_467 = tpu.vector_load %arg11[%swap3A_465, %swap3A_466] {strides = array<i32>} : memref<128x128xf32, #tpu.memory_space<vmem>>, vector<1x16xf32>,
        %swap3A_468 = vector.shape_cast %swap3A_467 : vector<1x16xf32> to vector<16xf32>
        %swap3A_469 = vector.shape_cast %mul3A_464 : vector<16xf32> to vector<1x16xf32>
        tpu.vector_store %arg11[%swap3A_465, %swap3A_466], %swap3A_469 {strides = array<i32>} : memref<128x128xf32, #tpu.memory_space<vmem>>, vector<1x16xf32>,
        %get3A_470 = arith.index_cast %add3A_419 : i32 to index
        %get3A_471 = arith.constant 80 : index
        %get3A_472 = tpu.vector_load %arg11[%get3A_470, %get3A_471] {strides = array<i32>} : memref<128x128xf32, #tpu.memory_space<vmem>>, vector<1x16xf32>,
        %get3A_473 = vector.shape_cast %get3A_472 : vector<1x16xf32> to vector<16xf32>
        %mul3A_474 = arith.mulf %get3A_473, %broadcast_in_dim3A_415 : vector<16xf32>
        %swap3A_475 = arith.index_cast %add3A_419 : i32 to index
        %swap3A_476 = arith.constant 80 : index
        %swap3A_477 = tpu.vector_load %arg11[%swap3A_475, %swap3A_476] {strides = array<i32>} : memref<128x128xf32, #tpu.memory_space<vmem>>, vector<1x16xf32>,
        %swap3A_478 = vector.shape_cast %swap3A_477 : vector<1x16xf32> to vector<16xf32>
        %swap3A_479 = vector.shape_cast %mul3A_474 : vector<16xf32> to vector<1x16xf32>
        tpu.vector_store %arg11[%swap3A_475, %swap3A_476], %swap3A_479 {strides = array<i32>} : memref<128x128xf32, #tpu.memory_space<vmem>>, vector<1x16xf32>,
        %get3A_480 = arith.index_cast %add3A_419 : i32 to index
        %get3A_481 = arith.constant 96 : index
        %get3A_482 = tpu.vector_load %arg11[%get3A_480, %get3A_481] {strides = array<i32>} : memref<128x128xf32, #tpu.memory_space<vmem>>, vector<1x16xf32>,
        %get3A_483 = vector.shape_cast %get3A_482 : vector<1x16xf32> to vector<16xf32>
        %mul3A_484 = arith.mulf %get3A_483, %broadcast_in_dim3A_415 : vector<16xf32>
        %swap3A_485 = arith.index_cast %add3A_419 : i32 to index
        %swap3A_486 = arith.constant 96 : index
        %swap3A_487 = tpu.vector_load %arg11[%swap3A_485, %swap3A_486] {strides = array<i32>} : memref<128x128xf32, #tpu.memory_space<vmem>>, vector<1x16xf32>,
        %swap3A_488 = vector.shape_cast %swap3A_487 : vector<1x16xf32> to vector<16xf32>
        %swap3A_489 = vector.shape_cast %mul3A_484 : vector<16xf32> to vector<1x16xf32>
        tpu.vector_store %arg11[%swap3A_485, %swap3A_486], %swap3A_489 {strides = array<i32>} : memref<128x128xf32, #tpu.memory_space<vmem>>, vector<1x16xf32>,
        %get3A_490 = arith.index_cast %add3A_419 : i32 to index
        %get3A_491 = arith.constant 112 : index
        %get3A_492 = tpu.vector_load %arg11[%get3A_490, %get3A_491] {strides = array<i32>} : memref<128x128xf32, #tpu.memory_space<vmem>>, vector<1x16xf32>,
        %get3A_493 = vector.shape_cast %get3A_492 : vector<1x16xf32> to vector<16xf32>
        %mul3A_494 = arith.mulf %get3A_493, %broadcast_in_dim3A_415 : vector<16xf32>
        %swap3A_495 = arith.index_cast %add3A_419 : i32 to index
        %swap3A_496 = arith.constant 112 : index
        %swap3A_497 = tpu.vector_load %arg11[%swap3A_495, %swap3A_496] {strides = array<i32>} : memref<128x128xf32, #tpu.memory_space<vmem>>, vector<1x16xf32>,
        %swap3A_498 = vector.shape_cast %swap3A_497 : vector<1x16xf32> to vector<16xf32>
        %swap3A_499 = vector.shape_cast %mul3A_494 : vector<16xf32> to vector<1x16xf32>
        tpu.vector_store %arg11[%swap3A_495, %swap3A_496], %swap3A_499 {strides = array<i32>} : memref<128x128xf32, #tpu.memory_space<vmem>>, vector<1x16xf32>,
        %slice3A_500 = vector.extract_strided_slice %get3A_67 {offsets = [5], sizes = [1], strides = [1]} : vector<16xf32> to vector<1xf32>
        %squeeze3A_501 = vector.extract %slice3A_500[0] : f32 from vector<1xf32>
        %broadcast_in_dim3A_502 = vector.broadcast %squeeze3A_501 : f32 to vector<16xf32>
        %mul3A_503 = arith.constant 16 : i32
        %mul3A_504 = arith.muli %add3A_62, %mul3A_503 : i32
        %add3A_505 = arith.constant 5 : i32
        %add3A_506 = arith.addi %mul3A_504, %add3A_505 : i32
        %get3A_507 = arith.index_cast %add3A_506 : i32 to index
        %get3A_508 = arith.constant 0 : index
        %get3A_509 = tpu.vector_load %arg11[%get3A_507, %get3A_508] {strides = array<i32>} : memref<128x128xf32, #tpu.memory_space<vmem>>, vector<1x16xf32>,
        %get3A_510 = vector.shape_cast %get3A_509 : vector<1x16xf32> to vector<16xf32>
        %mul3A_511 = arith.mulf %get3A_510, %broadcast_in_dim3A_502 : vector<16xf32>
        %swap3A_512 = arith.index_cast %add3A_506 : i32 to index
        %swap3A_513 = arith.constant 0 : index
        %swap3A_514 = tpu.vector_load %arg11[%swap3A_512, %swap3A_513] {strides = array<i32>} : memref<128x128xf32, #tpu.memory_space<vmem>>, vector<1x16xf32>,
        %swap3A_515 = vector.shape_cast %swap3A_514 : vector<1x16xf32> to vector<16xf32>
        %swap3A_516 = vector.shape_cast %mul3A_511 : vector<16xf32> to vector<1x16xf32>
        tpu.vector_store %arg11[%swap3A_512, %swap3A_513], %swap3A_516 {strides = array<i32>} : memref<128x128xf32, #tpu.memory_space<vmem>>, vector<1x16xf32>,
        %get3A_517 = arith.index_cast %add3A_506 : i32 to index
        %get3A_518 = arith.constant 16 : index
        %get3A_519 = tpu.vector_load %arg11[%get3A_517, %get3A_518] {strides = array<i32>} : memref<128x128xf32, #tpu.memory_space<vmem>>, vector<1x16xf32>,
        %get3A_520 = vector.shape_cast %get3A_519 : vector<1x16xf32> to vector<16xf32>
        %mul3A_521 = arith.mulf %get3A_520, %broadcast_in_dim3A_502 : vector<16xf32>
        %swap3A_522 = arith.index_cast %add3A_506 : i32 to index
        %swap3A_523 = arith.constant 16 : index
        %swap3A_524 = tpu.vector_load %arg11[%swap3A_522, %swap3A_523] {strides = array<i32>} : memref<128x128xf32, #tpu.memory_space<vmem>>, vector<1x16xf32>,
        %swap3A_525 = vector.shape_cast %swap3A_524 : vector<1x16xf32> to vector<16xf32>
        %swap3A_526 = vector.shape_cast %mul3A_521 : vector<16xf32> to vector<1x16xf32>
        tpu.vector_store %arg11[%swap3A_522, %swap3A_523], %swap3A_526 {strides = array<i32>} : memref<128x128xf32, #tpu.memory_space<vmem>>, vector<1x16xf32>,
        %get3A_527 = arith.index_cast %add3A_506 : i32 to index
        %get3A_528 = arith.constant 32 : index
        %get3A_529 = tpu.vector_load %arg11[%get3A_527, %get3A_528] {strides = array<i32>} : memref<128x128xf32, #tpu.memory_space<vmem>>, vector<1x16xf32>,
        %get3A_530 = vector.shape_cast %get3A_529 : vector<1x16xf32> to vector<16xf32>
        %mul3A_531 = arith.mulf %get3A_530, %broadcast_in_dim3A_502 : vector<16xf32>
        %swap3A_532 = arith.index_cast %add3A_506 : i32 to index
        %swap3A_533 = arith.constant 32 : index
        %swap3A_534 = tpu.vector_load %arg11[%swap3A_532, %swap3A_533] {strides = array<i32>} : memref<128x128xf32, #tpu.memory_space<vmem>>, vector<1x16xf32>,
        %swap3A_535 = vector.shape_cast %swap3A_534 : vector<1x16xf32> to vector<16xf32>
        %swap3A_536 = vector.shape_cast %mul3A_531 : vector<16xf32> to vector<1x16xf32>
        tpu.vector_store %arg11[%swap3A_532, %swap3A_533], %swap3A_536 {strides = array<i32>} : memref<128x128xf32, #tpu.memory_space<vmem>>, vector<1x16xf32>,
        %get3A_537 = arith.index_cast %add3A_506 : i32 to index
        %get3A_538 = arith.constant 48 : index
        %get3A_539 = tpu.vector_load %arg11[%get3A_537, %get3A_538] {strides = array<i32>} : memref<128x128xf32, #tpu.memory_space<vmem>>, vector<1x16xf32>,
        %get3A_540 = vector.shape_cast %get3A_539 : vector<1x16xf32> to vector<16xf32>
        %mul3A_541 = arith.mulf %get3A_540, %broadcast_in_dim3A_502 : vector<16xf32>
        %swap3A_542 = arith.index_cast %add3A_506 : i32 to index
        %swap3A_543 = arith.constant 48 : index
        %swap3A_544 = tpu.vector_load %arg11[%swap3A_542, %swap3A_543] {strides = array<i32>} : memref<128x128xf32, #tpu.memory_space<vmem>>, vector<1x16xf32>,
        %swap3A_545 = vector.shape_cast %swap3A_544 : vector<1x16xf32> to vector<16xf32>
        %swap3A_546 = vector.shape_cast %mul3A_541 : vector<16xf32> to vector<1x16xf32>
        tpu.vector_store %arg11[%swap3A_542, %swap3A_543], %swap3A_546 {strides = array<i32>} : memref<128x128xf32, #tpu.memory_space<vmem>>, vector<1x16xf32>,
        %get3A_547 = arith.index_cast %add3A_506 : i32 to index
        %get3A_548 = arith.constant 64 : index
        %get3A_549 = tpu.vector_load %arg11[%get3A_547, %get3A_548] {strides = array<i32>} : memref<128x128xf32, #tpu.memory_space<vmem>>, vector<1x16xf32>,
        %get3A_550 = vector.shape_cast %get3A_549 : vector<1x16xf32> to vector<16xf32>
        %mul3A_551 = arith.mulf %get3A_550, %broadcast_in_dim3A_502 : vector<16xf32>
        %swap3A_552 = arith.index_cast %add3A_506 : i32 to index
        %swap3A_553 = arith.constant 64 : index
        %swap3A_554 = tpu.vector_load %arg11[%swap3A_552, %swap3A_553] {strides = array<i32>} : memref<128x128xf32, #tpu.memory_space<vmem>>, vector<1x16xf32>,
        %swap3A_555 = vector.shape_cast %swap3A_554 : vector<1x16xf32> to vector<16xf32>
        %swap3A_556 = vector.shape_cast %mul3A_551 : vector<16xf32> to vector<1x16xf32>
        tpu.vector_store %arg11[%swap3A_552, %swap3A_553], %swap3A_556 {strides = array<i32>} : memref<128x128xf32, #tpu.memory_space<vmem>>, vector<1x16xf32>,
        %get3A_557 = arith.index_cast %add3A_506 : i32 to index
        %get3A_558 = arith.constant 80 : index
        %get3A_559 = tpu.vector_load %arg11[%get3A_557, %get3A_558] {strides = array<i32>} : memref<128x128xf32, #tpu.memory_space<vmem>>, vector<1x16xf32>,
        %get3A_560 = vector.shape_cast %get3A_559 : vector<1x16xf32> to vector<16xf32>
        %mul3A_561 = arith.mulf %get3A_560, %broadcast_in_dim3A_502 : vector<16xf32>
        %swap3A_562 = arith.index_cast %add3A_506 : i32 to index
        %swap3A_563 = arith.constant 80 : index
        %swap3A_564 = tpu.vector_load %arg11[%swap3A_562, %swap3A_563] {strides = array<i32>} : memref<128x128xf32, #tpu.memory_space<vmem>>, vector<1x16xf32>,
        %swap3A_565 = vector.shape_cast %swap3A_564 : vector<1x16xf32> to vector<16xf32>
        %swap3A_566 = vector.shape_cast %mul3A_561 : vector<16xf32> to vector<1x16xf32>
        tpu.vector_store %arg11[%swap3A_562, %swap3A_563], %swap3A_566 {strides = array<i32>} : memref<128x128xf32, #tpu.memory_space<vmem>>, vector<1x16xf32>,
        %get3A_567 = arith.index_cast %add3A_506 : i32 to index
        %get3A_568 = arith.constant 96 : index
        %get3A_569 = tpu.vector_load %arg11[%get3A_567, %get3A_568] {strides = array<i32>} : memref<128x128xf32, #tpu.memory_space<vmem>>, vector<1x16xf32>,
        %get3A_570 = vector.shape_cast %get3A_569 : vector<1x16xf32> to vector<16xf32>
        %mul3A_571 = arith.mulf %get3A_570, %broadcast_in_dim3A_502 : vector<16xf32>
        %swap3A_572 = arith.index_cast %add3A_506 : i32 to index
        %swap3A_573 = arith.constant 96 : index
        %swap3A_574 = tpu.vector_load %arg11[%swap3A_572, %swap3A_573] {strides = array<i32>} : memref<128x128xf32, #tpu.memory_space<vmem>>, vector<1x16xf32>,
        %swap3A_575 = vector.shape_cast %swap3A_574 : vector<1x16xf32> to vector<16xf32>
        %swap3A_576 = vector.shape_cast %mul3A_571 : vector<16xf32> to vector<1x16xf32>
        tpu.vector_store %arg11[%swap3A_572, %swap3A_573], %swap3A_576 {strides = array<i32>} : memref<128x128xf32, #tpu.memory_space<vmem>>, vector<1x16xf32>,
        %get3A_577 = arith.index_cast %add3A_506 : i32 to index
        %get3A_578 = arith.constant 112 : index
        %get3A_579 = tpu.vector_load %arg11[%get3A_577, %get3A_578] {strides = array<i32>} : memref<128x128xf32, #tpu.memory_space<vmem>>, vector<1x16xf32>,
        %get3A_580 = vector.shape_cast %get3A_579 : vector<1x16xf32> to vector<16xf32>
        %mul3A_581 = arith.mulf %get3A_580, %broadcast_in_dim3A_502 : vector<16xf32>
        %swap3A_582 = arith.index_cast %add3A_506 : i32 to index
        %swap3A_583 = arith.constant 112 : index
        %swap3A_584 = tpu.vector_load %arg11[%swap3A_582, %swap3A_583] {strides = array<i32>} : memref<128x128xf32, #tpu.memory_space<vmem>>, vector<1x16xf32>,
        %swap3A_585 = vector.shape_cast %swap3A_584 : vector<1x16xf32> to vector<16xf32>
        %swap3A_586 = vector.shape_cast %mul3A_581 : vector<16xf32> to vector<1x16xf32>
        tpu.vector_store %arg11[%swap3A_582, %swap3A_583], %swap3A_586 {strides = array<i32>} : memref<128x128xf32, #tpu.memory_space<vmem>>, vector<1x16xf32>,
        %slice3A_587 = vector.extract_strided_slice %get3A_67 {offsets = [6], sizes = [1], strides = [1]} : vector<16xf32> to vector<1xf32>
        %squeeze3A_588 = vector.extract %slice3A_587[0] : f32 from vector<1xf32>
        %broadcast_in_dim3A_589 = vector.broadcast %squeeze3A_588 : f32 to vector<16xf32>
        %mul3A_590 = arith.constant 16 : i32
        %mul3A_591 = arith.muli %add3A_62, %mul3A_590 : i32
        %add3A_592 = arith.constant 6 : i32
        %add3A_593 = arith.addi %mul3A_591, %add3A_592 : i32
        %get3A_594 = arith.index_cast %add3A_593 : i32 to index
        %get3A_595 = arith.constant 0 : index
        %get3A_596 = tpu.vector_load %arg11[%get3A_594, %get3A_595] {strides = array<i32>} : memref<128x128xf32, #tpu.memory_space<vmem>>, vector<1x16xf32>,
        %get3A_597 = vector.shape_cast %get3A_596 : vector<1x16xf32> to vector<16xf32>
        %mul3A_598 = arith.mulf %get3A_597, %broadcast_in_dim3A_589 : vector<16xf32>
        %swap3A_599 = arith.index_cast %add3A_593 : i32 to index
        %swap3A_600 = arith.constant 0 : index
        %swap3A_601 = tpu.vector_load %arg11[%swap3A_599, %swap3A_600] {strides = array<i32>} : memref<128x128xf32, #tpu.memory_space<vmem>>, vector<1x16xf32>,
        %swap3A_602 = vector.shape_cast %swap3A_601 : vector<1x16xf32> to vector<16xf32>
        %swap3A_603 = vector.shape_cast %mul3A_598 : vector<16xf32> to vector<1x16xf32>
        tpu.vector_store %arg11[%swap3A_599, %swap3A_600], %swap3A_603 {strides = array<i32>} : memref<128x128xf32, #tpu.memory_space<vmem>>, vector<1x16xf32>,
        %get3A_604 = arith.index_cast %add3A_593 : i32 to index
        %get3A_605 = arith.constant 16 : index
        %get3A_606 = tpu.vector_load %arg11[%get3A_604, %get3A_605] {strides = array<i32>} : memref<128x128xf32, #tpu.memory_space<vmem>>, vector<1x16xf32>,
        %get3A_607 = vector.shape_cast %get3A_606 : vector<1x16xf32> to vector<16xf32>
        %mul3A_608 = arith.mulf %get3A_607, %broadcast_in_dim3A_589 : vector<16xf32>
        %swap3A_609 = arith.index_cast %add3A_593 : i32 to index
        %swap3A_610 = arith.constant 16 : index
        %swap3A_611 = tpu.vector_load %arg11[%swap3A_609, %swap3A_610] {strides = array<i32>} : memref<128x128xf32, #tpu.memory_space<vmem>>, vector<1x16xf32>,
        %swap3A_612 = vector.shape_cast %swap3A_611 : vector<1x16xf32> to vector<16xf32>
        %swap3A_613 = vector.shape_cast %mul3A_608 : vector<16xf32> to vector<1x16xf32>
        tpu.vector_store %arg11[%swap3A_609, %swap3A_610], %swap3A_613 {strides = array<i32>} : memref<128x128xf32, #tpu.memory_space<vmem>>, vector<1x16xf32>,
        %get3A_614 = arith.index_cast %add3A_593 : i32 to index
        %get3A_615 = arith.constant 32 : index
        %get3A_616 = tpu.vector_load %arg11[%get3A_614, %get3A_615] {strides = array<i32>} : memref<128x128xf32, #tpu.memory_space<vmem>>, vector<1x16xf32>,
        %get3A_617 = vector.shape_cast %get3A_616 : vector<1x16xf32> to vector<16xf32>
        %mul3A_618 = arith.mulf %get3A_617, %broadcast_in_dim3A_589 : vector<16xf32>
        %swap3A_619 = arith.index_cast %add3A_593 : i32 to index
        %swap3A_620 = arith.constant 32 : index
        %swap3A_621 = tpu.vector_load %arg11[%swap3A_619, %swap3A_620] {strides = array<i32>} : memref<128x128xf32, #tpu.memory_space<vmem>>, vector<1x16xf32>,
        %swap3A_622 = vector.shape_cast %swap3A_621 : vector<1x16xf32> to vector<16xf32>
        %swap3A_623 = vector.shape_cast %mul3A_618 : vector<16xf32> to vector<1x16xf32>
        tpu.vector_store %arg11[%swap3A_619, %swap3A_620], %swap3A_623 {strides = array<i32>} : memref<128x128xf32, #tpu.memory_space<vmem>>, vector<1x16xf32>,
        %get3A_624 = arith.index_cast %add3A_593 : i32 to index
        %get3A_625 = arith.constant 48 : index
        %get3A_626 = tpu.vector_load %arg11[%get3A_624, %get3A_625] {strides = array<i32>} : memref<128x128xf32, #tpu.memory_space<vmem>>, vector<1x16xf32>,
        %get3A_627 = vector.shape_cast %get3A_626 : vector<1x16xf32> to vector<16xf32>
        %mul3A_628 = arith.mulf %get3A_627, %broadcast_in_dim3A_589 : vector<16xf32>
        %swap3A_629 = arith.index_cast %add3A_593 : i32 to index
        %swap3A_630 = arith.constant 48 : index
        %swap3A_631 = tpu.vector_load %arg11[%swap3A_629, %swap3A_630] {strides = array<i32>} : memref<128x128xf32, #tpu.memory_space<vmem>>, vector<1x16xf32>,
        %swap3A_632 = vector.shape_cast %swap3A_631 : vector<1x16xf32> to vector<16xf32>
        %swap3A_633 = vector.shape_cast %mul3A_628 : vector<16xf32> to vector<1x16xf32>
        tpu.vector_store %arg11[%swap3A_629, %swap3A_630], %swap3A_633 {strides = array<i32>} : memref<128x128xf32, #tpu.memory_space<vmem>>, vector<1x16xf32>,
        %get3A_634 = arith.index_cast %add3A_593 : i32 to index
        %get3A_635 = arith.constant 64 : index
        %get3A_636 = tpu.vector_load %arg11[%get3A_634, %get3A_635] {strides = array<i32>} : memref<128x128xf32, #tpu.memory_space<vmem>>, vector<1x16xf32>,
        %get3A_637 = vector.shape_cast %get3A_636 : vector<1x16xf32> to vector<16xf32>
        %mul3A_638 = arith.mulf %get3A_637, %broadcast_in_dim3A_589 : vector<16xf32>
        %swap3A_639 = arith.index_cast %add3A_593 : i32 to index
        %swap3A_640 = arith.constant 64 : index
        %swap3A_641 = tpu.vector_load %arg11[%swap3A_639, %swap3A_640] {strides = array<i32>} : memref<128x128xf32, #tpu.memory_space<vmem>>, vector<1x16xf32>,
        %swap3A_642 = vector.shape_cast %swap3A_641 : vector<1x16xf32> to vector<16xf32>
        %swap3A_643 = vector.shape_cast %mul3A_638 : vector<16xf32> to vector<1x16xf32>
        tpu.vector_store %arg11[%swap3A_639, %swap3A_640], %swap3A_643 {strides = array<i32>} : memref<128x128xf32, #tpu.memory_space<vmem>>, vector<1x16xf32>,
        %get3A_644 = arith.index_cast %add3A_593 : i32 to index
        %get3A_645 = arith.constant 80 : index
        %get3A_646 = tpu.vector_load %arg11[%get3A_644, %get3A_645] {strides = array<i32>} : memref<128x128xf32, #tpu.memory_space<vmem>>, vector<1x16xf32>,
        %get3A_647 = vector.shape_cast %get3A_646 : vector<1x16xf32> to vector<16xf32>
        %mul3A_648 = arith.mulf %get3A_647, %broadcast_in_dim3A_589 : vector<16xf32>
        %swap3A_649 = arith.index_cast %add3A_593 : i32 to index
        %swap3A_650 = arith.constant 80 : index
        %swap3A_651 = tpu.vector_load %arg11[%swap3A_649, %swap3A_650] {strides = array<i32>} : memref<128x128xf32, #tpu.memory_space<vmem>>, vector<1x16xf32>,
        %swap3A_652 = vector.shape_cast %swap3A_651 : vector<1x16xf32> to vector<16xf32>
        %swap3A_653 = vector.shape_cast %mul3A_648 : vector<16xf32> to vector<1x16xf32>
        tpu.vector_store %arg11[%swap3A_649, %swap3A_650], %swap3A_653 {strides = array<i32>} : memref<128x128xf32, #tpu.memory_space<vmem>>, vector<1x16xf32>,
        %get3A_654 = arith.index_cast %add3A_593 : i32 to index
        %get3A_655 = arith.constant 96 : index
        %get3A_656 = tpu.vector_load %arg11[%get3A_654, %get3A_655] {strides = array<i32>} : memref<128x128xf32, #tpu.memory_space<vmem>>, vector<1x16xf32>,
        %get3A_657 = vector.shape_cast %get3A_656 : vector<1x16xf32> to vector<16xf32>
        %mul3A_658 = arith.mulf %get3A_657, %broadcast_in_dim3A_589 : vector<16xf32>
        %swap3A_659 = arith.index_cast %add3A_593 : i32 to index
        %swap3A_660 = arith.constant 96 : index
        %swap3A_661 = tpu.vector_load %arg11[%swap3A_659, %swap3A_660] {strides = array<i32>} : memref<128x128xf32, #tpu.memory_space<vmem>>, vector<1x16xf32>,
        %swap3A_662 = vector.shape_cast %swap3A_661 : vector<1x16xf32> to vector<16xf32>
        %swap3A_663 = vector.shape_cast %mul3A_658 : vector<16xf32> to vector<1x16xf32>
        tpu.vector_store %arg11[%swap3A_659, %swap3A_660], %swap3A_663 {strides = array<i32>} : memref<128x128xf32, #tpu.memory_space<vmem>>, vector<1x16xf32>,
        %get3A_664 = arith.index_cast %add3A_593 : i32 to index
        %get3A_665 = arith.constant 112 : index
        %get3A_666 = tpu.vector_load %arg11[%get3A_664, %get3A_665] {strides = array<i32>} : memref<128x128xf32, #tpu.memory_space<vmem>>, vector<1x16xf32>,
        %get3A_667 = vector.shape_cast %get3A_666 : vector<1x16xf32> to vector<16xf32>
        %mul3A_668 = arith.mulf %get3A_667, %broadcast_in_dim3A_589 : vector<16xf32>
        %swap3A_669 = arith.index_cast %add3A_593 : i32 to index
        %swap3A_670 = arith.constant 112 : index
        %swap3A_671 = tpu.vector_load %arg11[%swap3A_669, %swap3A_670] {strides = array<i32>} : memref<128x128xf32, #tpu.memory_space<vmem>>, vector<1x16xf32>,
        %swap3A_672 = vector.shape_cast %swap3A_671 : vector<1x16xf32> to vector<16xf32>
        %swap3A_673 = vector.shape_cast %mul3A_668 : vector<16xf32> to vector<1x16xf32>
        tpu.vector_store %arg11[%swap3A_669, %swap3A_670], %swap3A_673 {strides = array<i32>} : memref<128x128xf32, #tpu.memory_space<vmem>>, vector<1x16xf32>,
        %slice3A_674 = vector.extract_strided_slice %get3A_67 {offsets = [7], sizes = [1], strides = [1]} : vector<16xf32> to vector<1xf32>
        %squeeze3A_675 = vector.extract %slice3A_674[0] : f32 from vector<1xf32>
        %broadcast_in_dim3A_676 = vector.broadcast %squeeze3A_675 : f32 to vector<16xf32>
        %mul3A_677 = arith.constant 16 : i32
        %mul3A_678 = arith.muli %add3A_62, %mul3A_677 : i32
        %add3A_679 = arith.constant 7 : i32
        %add3A_680 = arith.addi %mul3A_678, %add3A_679 : i32
        %get3A_681 = arith.index_cast %add3A_680 : i32 to index
        %get3A_682 = arith.constant 0 : index
        %get3A_683 = tpu.vector_load %arg11[%get3A_681, %get3A_682] {strides = array<i32>} : memref<128x128xf32, #tpu.memory_space<vmem>>, vector<1x16xf32>,
        %get3A_684 = vector.shape_cast %get3A_683 : vector<1x16xf32> to vector<16xf32>
        %mul3A_685 = arith.mulf %get3A_684, %broadcast_in_dim3A_676 : vector<16xf32>
        %swap3A_686 = arith.index_cast %add3A_680 : i32 to index
        %swap3A_687 = arith.constant 0 : index
        %swap3A_688 = tpu.vector_load %arg11[%swap3A_686, %swap3A_687] {strides = array<i32>} : memref<128x128xf32, #tpu.memory_space<vmem>>, vector<1x16xf32>,
        %swap3A_689 = vector.shape_cast %swap3A_688 : vector<1x16xf32> to vector<16xf32>
        %swap3A_690 = vector.shape_cast %mul3A_685 : vector<16xf32> to vector<1x16xf32>
        tpu.vector_store %arg11[%swap3A_686, %swap3A_687], %swap3A_690 {strides = array<i32>} : memref<128x128xf32, #tpu.memory_space<vmem>>, vector<1x16xf32>,
        %get3A_691 = arith.index_cast %add3A_680 : i32 to index
        %get3A_692 = arith.constant 16 : index
        %get3A_693 = tpu.vector_load %arg11[%get3A_691, %get3A_692] {strides = array<i32>} : memref<128x128xf32, #tpu.memory_space<vmem>>, vector<1x16xf32>,
        %get3A_694 = vector.shape_cast %get3A_693 : vector<1x16xf32> to vector<16xf32>
        %mul3A_695 = arith.mulf %get3A_694, %broadcast_in_dim3A_676 : vector<16xf32>
        %swap3A_696 = arith.index_cast %add3A_680 : i32 to index
        %swap3A_697 = arith.constant 16 : index
        %swap3A_698 = tpu.vector_load %arg11[%swap3A_696, %swap3A_697] {strides = array<i32>} : memref<128x128xf32, #tpu.memory_space<vmem>>, vector<1x16xf32>,
        %swap3A_699 = vector.shape_cast %swap3A_698 : vector<1x16xf32> to vector<16xf32>
        %swap3A_700 = vector.shape_cast %mul3A_695 : vector<16xf32> to vector<1x16xf32>
        tpu.vector_store %arg11[%swap3A_696, %swap3A_697], %swap3A_700 {strides = array<i32>} : memref<128x128xf32, #tpu.memory_space<vmem>>, vector<1x16xf32>,
        %get3A_701 = arith.index_cast %add3A_680 : i32 to index
        %get3A_702 = arith.constant 32 : index
        %get3A_703 = tpu.vector_load %arg11[%get3A_701, %get3A_702] {strides = array<i32>} : memref<128x128xf32, #tpu.memory_space<vmem>>, vector<1x16xf32>,
        %get3A_704 = vector.shape_cast %get3A_703 : vector<1x16xf32> to vector<16xf32>
        %mul3A_705 = arith.mulf %get3A_704, %broadcast_in_dim3A_676 : vector<16xf32>
        %swap3A_706 = arith.index_cast %add3A_680 : i32 to index
        %swap3A_707 = arith.constant 32 : index
        %swap3A_708 = tpu.vector_load %arg11[%swap3A_706, %swap3A_707] {strides = array<i32>} : memref<128x128xf32, #tpu.memory_space<vmem>>, vector<1x16xf32>,
        %swap3A_709 = vector.shape_cast %swap3A_708 : vector<1x16xf32> to vector<16xf32>
        %swap3A_710 = vector.shape_cast %mul3A_705 : vector<16xf32> to vector<1x16xf32>
        tpu.vector_store %arg11[%swap3A_706, %swap3A_707], %swap3A_710 {strides = array<i32>} : memref<128x128xf32, #tpu.memory_space<vmem>>, vector<1x16xf32>,
        %get3A_711 = arith.index_cast %add3A_680 : i32 to index
        %get3A_712 = arith.constant 48 : index
        %get3A_713 = tpu.vector_load %arg11[%get3A_711, %get3A_712] {strides = array<i32>} : memref<128x128xf32, #tpu.memory_space<vmem>>, vector<1x16xf32>,
        %get3A_714 = vector.shape_cast %get3A_713 : vector<1x16xf32> to vector<16xf32>
        %mul3A_715 = arith.mulf %get3A_714, %broadcast_in_dim3A_676 : vector<16xf32>
        %swap3A_716 = arith.index_cast %add3A_680 : i32 to index
        %swap3A_717 = arith.constant 48 : index
        %swap3A_718 = tpu.vector_load %arg11[%swap3A_716, %swap3A_717] {strides = array<i32>} : memref<128x128xf32, #tpu.memory_space<vmem>>, vector<1x16xf32>,
        %swap3A_719 = vector.shape_cast %swap3A_718 : vector<1x16xf32> to vector<16xf32>
        %swap3A_720 = vector.shape_cast %mul3A_715 : vector<16xf32> to vector<1x16xf32>
        tpu.vector_store %arg11[%swap3A_716, %swap3A_717], %swap3A_720 {strides = array<i32>} : memref<128x128xf32, #tpu.memory_space<vmem>>, vector<1x16xf32>,
        %get3A_721 = arith.index_cast %add3A_680 : i32 to index
        %get3A_722 = arith.constant 64 : index
        %get3A_723 = tpu.vector_load %arg11[%get3A_721, %get3A_722] {strides = array<i32>} : memref<128x128xf32, #tpu.memory_space<vmem>>, vector<1x16xf32>,
        %get3A_724 = vector.shape_cast %get3A_723 : vector<1x16xf32> to vector<16xf32>
        %mul3A_725 = arith.mulf %get3A_724, %broadcast_in_dim3A_676 : vector<16xf32>
        %swap3A_726 = arith.index_cast %add3A_680 : i32 to index
        %swap3A_727 = arith.constant 64 : index
        %swap3A_728 = tpu.vector_load %arg11[%swap3A_726, %swap3A_727] {strides = array<i32>} : memref<128x128xf32, #tpu.memory_space<vmem>>, vector<1x16xf32>,
        %swap3A_729 = vector.shape_cast %swap3A_728 : vector<1x16xf32> to vector<16xf32>
        %swap3A_730 = vector.shape_cast %mul3A_725 : vector<16xf32> to vector<1x16xf32>
        tpu.vector_store %arg11[%swap3A_726, %swap3A_727], %swap3A_730 {strides = array<i32>} : memref<128x128xf32, #tpu.memory_space<vmem>>, vector<1x16xf32>,
        %get3A_731 = arith.index_cast %add3A_680 : i32 to index
        %get3A_732 = arith.constant 80 : index
        %get3A_733 = tpu.vector_load %arg11[%get3A_731, %get3A_732] {strides = array<i32>} : memref<128x128xf32, #tpu.memory_space<vmem>>, vector<1x16xf32>,
        %get3A_734 = vector.shape_cast %get3A_733 : vector<1x16xf32> to vector<16xf32>
        %mul3A_735 = arith.mulf %get3A_734, %broadcast_in_dim3A_676 : vector<16xf32>
        %swap3A_736 = arith.index_cast %add3A_680 : i32 to index
        %swap3A_737 = arith.constant 80 : index
        %swap3A_738 = tpu.vector_load %arg11[%swap3A_736, %swap3A_737] {strides = array<i32>} : memref<128x128xf32, #tpu.memory_space<vmem>>, vector<1x16xf32>,
        %swap3A_739 = vector.shape_cast %swap3A_738 : vector<1x16xf32> to vector<16xf32>
        %swap3A_740 = vector.shape_cast %mul3A_735 : vector<16xf32> to vector<1x16xf32>
        tpu.vector_store %arg11[%swap3A_736, %swap3A_737], %swap3A_740 {strides = array<i32>} : memref<128x128xf32, #tpu.memory_space<vmem>>, vector<1x16xf32>,
        %get3A_741 = arith.index_cast %add3A_680 : i32 to index
        %get3A_742 = arith.constant 96 : index
        %get3A_743 = tpu.vector_load %arg11[%get3A_741, %get3A_742] {strides = array<i32>} : memref<128x128xf32, #tpu.memory_space<vmem>>, vector<1x16xf32>,
        %get3A_744 = vector.shape_cast %get3A_743 : vector<1x16xf32> to vector<16xf32>
        %mul3A_745 = arith.mulf %get3A_744, %broadcast_in_dim3A_676 : vector<16xf32>
        %swap3A_746 = arith.index_cast %add3A_680 : i32 to index
        %swap3A_747 = arith.constant 96 : index
        %swap3A_748 = tpu.vector_load %arg11[%swap3A_746, %swap3A_747] {strides = array<i32>} : memref<128x128xf32, #tpu.memory_space<vmem>>, vector<1x16xf32>,
        %swap3A_749 = vector.shape_cast %swap3A_748 : vector<1x16xf32> to vector<16xf32>
        %swap3A_750 = vector.shape_cast %mul3A_745 : vector<16xf32> to vector<1x16xf32>
        tpu.vector_store %arg11[%swap3A_746, %swap3A_747], %swap3A_750 {strides = array<i32>} : memref<128x128xf32, #tpu.memory_space<vmem>>, vector<1x16xf32>,
        %get3A_751 = arith.index_cast %add3A_680 : i32 to index
        %get3A_752 = arith.constant 112 : index
        %get3A_753 = tpu.vector_load %arg11[%get3A_751, %get3A_752] {strides = array<i32>} : memref<128x128xf32, #tpu.memory_space<vmem>>, vector<1x16xf32>,
        %get3A_754 = vector.shape_cast %get3A_753 : vector<1x16xf32> to vector<16xf32>
        %mul3A_755 = arith.mulf %get3A_754, %broadcast_in_dim3A_676 : vector<16xf32>
        %swap3A_756 = arith.index_cast %add3A_680 : i32 to index
        %swap3A_757 = arith.constant 112 : index
        %swap3A_758 = tpu.vector_load %arg11[%swap3A_756, %swap3A_757] {strides = array<i32>} : memref<128x128xf32, #tpu.memory_space<vmem>>, vector<1x16xf32>,
        %swap3A_759 = vector.shape_cast %swap3A_758 : vector<1x16xf32> to vector<16xf32>
        %swap3A_760 = vector.shape_cast %mul3A_755 : vector<16xf32> to vector<1x16xf32>
        tpu.vector_store %arg11[%swap3A_756, %swap3A_757], %swap3A_760 {strides = array<i32>} : memref<128x128xf32, #tpu.memory_space<vmem>>, vector<1x16xf32>,
        %slice3A_761 = vector.extract_strided_slice %get3A_67 {offsets = [8], sizes = [1], strides = [1]} : vector<16xf32> to vector<1xf32>
        %squeeze3A_762 = vector.extract %slice3A_761[0] : f32 from vector<1xf32>
        %broadcast_in_dim3A_763 = vector.broadcast %squeeze3A_762 : f32 to vector<16xf32>
        %mul3A_764 = arith.constant 16 : i32
        %mul3A_765 = arith.muli %add3A_62, %mul3A_764 : i32
        %add3A_766 = arith.constant 8 : i32
        %add3A_767 = arith.addi %mul3A_765, %add3A_766 : i32
        %get3A_768 = arith.index_cast %add3A_767 : i32 to index
        %get3A_769 = arith.constant 0 : index
        %get3A_770 = tpu.vector_load %arg11[%get3A_768, %get3A_769] {strides = array<i32>} : memref<128x128xf32, #tpu.memory_space<vmem>>, vector<1x16xf32>,
        %get3A_771 = vector.shape_cast %get3A_770 : vector<1x16xf32> to vector<16xf32>
        %mul3A_772 = arith.mulf %get3A_771, %broadcast_in_dim3A_763 : vector<16xf32>
        %swap3A_773 = arith.index_cast %add3A_767 : i32 to index
        %swap3A_774 = arith.constant 0 : index
        %swap3A_775 = tpu.vector_load %arg11[%swap3A_773, %swap3A_774] {strides = array<i32>} : memref<128x128xf32, #tpu.memory_space<vmem>>, vector<1x16xf32>,
        %swap3A_776 = vector.shape_cast %swap3A_775 : vector<1x16xf32> to vector<16xf32>
        %swap3A_777 = vector.shape_cast %mul3A_772 : vector<16xf32> to vector<1x16xf32>
        tpu.vector_store %arg11[%swap3A_773, %swap3A_774], %swap3A_777 {strides = array<i32>} : memref<128x128xf32, #tpu.memory_space<vmem>>, vector<1x16xf32>,
        %get3A_778 = arith.index_cast %add3A_767 : i32 to index
        %get3A_779 = arith.constant 16 : index
        %get3A_780 = tpu.vector_load %arg11[%get3A_778, %get3A_779] {strides = array<i32>} : memref<128x128xf32, #tpu.memory_space<vmem>>, vector<1x16xf32>,
        %get3A_781 = vector.shape_cast %get3A_780 : vector<1x16xf32> to vector<16xf32>
        %mul3A_782 = arith.mulf %get3A_781, %broadcast_in_dim3A_763 : vector<16xf32>
        %swap3A_783 = arith.index_cast %add3A_767 : i32 to index
        %swap3A_784 = arith.constant 16 : index
        %swap3A_785 = tpu.vector_load %arg11[%swap3A_783, %swap3A_784] {strides = array<i32>} : memref<128x128xf32, #tpu.memory_space<vmem>>, vector<1x16xf32>,
        %swap3A_786 = vector.shape_cast %swap3A_785 : vector<1x16xf32> to vector<16xf32>
        %swap3A_787 = vector.shape_cast %mul3A_782 : vector<16xf32> to vector<1x16xf32>
        tpu.vector_store %arg11[%swap3A_783, %swap3A_784], %swap3A_787 {strides = array<i32>} : memref<128x128xf32, #tpu.memory_space<vmem>>, vector<1x16xf32>,
        %get3A_788 = arith.index_cast %add3A_767 : i32 to index
        %get3A_789 = arith.constant 32 : index
        %get3A_790 = tpu.vector_load %arg11[%get3A_788, %get3A_789] {strides = array<i32>} : memref<128x128xf32, #tpu.memory_space<vmem>>, vector<1x16xf32>,
        %get3A_791 = vector.shape_cast %get3A_790 : vector<1x16xf32> to vector<16xf32>
        %mul3A_792 = arith.mulf %get3A_791, %broadcast_in_dim3A_763 : vector<16xf32>
        %swap3A_793 = arith.index_cast %add3A_767 : i32 to index
        %swap3A_794 = arith.constant 32 : index
        %swap3A_795 = tpu.vector_load %arg11[%swap3A_793, %swap3A_794] {strides = array<i32>} : memref<128x128xf32, #tpu.memory_space<vmem>>, vector<1x16xf32>,
        %swap3A_796 = vector.shape_cast %swap3A_795 : vector<1x16xf32> to vector<16xf32>
        %swap3A_797 = vector.shape_cast %mul3A_792 : vector<16xf32> to vector<1x16xf32>
        tpu.vector_store %arg11[%swap3A_793, %swap3A_794], %swap3A_797 {strides = array<i32>} : memref<128x128xf32, #tpu.memory_space<vmem>>, vector<1x16xf32>,
        %get3A_798 = arith.index_cast %add3A_767 : i32 to index
        %get3A_799 = arith.constant 48 : index
        %get3A_800 = tpu.vector_load %arg11[%get3A_798, %get3A_799] {strides = array<i32>} : memref<128x128xf32, #tpu.memory_space<vmem>>, vector<1x16xf32>,
        %get3A_801 = vector.shape_cast %get3A_800 : vector<1x16xf32> to vector<16xf32>
        %mul3A_802 = arith.mulf %get3A_801, %broadcast_in_dim3A_763 : vector<16xf32>
        %swap3A_803 = arith.index_cast %add3A_767 : i32 to index
        %swap3A_804 = arith.constant 48 : index
        %swap3A_805 = tpu.vector_load %arg11[%swap3A_803, %swap3A_804] {strides = array<i32>} : memref<128x128xf32, #tpu.memory_space<vmem>>, vector<1x16xf32>,
        %swap3A_806 = vector.shape_cast %swap3A_805 : vector<1x16xf32> to vector<16xf32>
        %swap3A_807 = vector.shape_cast %mul3A_802 : vector<16xf32> to vector<1x16xf32>
        tpu.vector_store %arg11[%swap3A_803, %swap3A_804], %swap3A_807 {strides = array<i32>} : memref<128x128xf32, #tpu.memory_space<vmem>>, vector<1x16xf32>,
        %get3A_808 = arith.index_cast %add3A_767 : i32 to index
        %get3A_809 = arith.constant 64 : index
        %get3A_810 = tpu.vector_load %arg11[%get3A_808, %get3A_809] {strides = array<i32>} : memref<128x128xf32, #tpu.memory_space<vmem>>, vector<1x16xf32>,
        %get3A_811 = vector.shape_cast %get3A_810 : vector<1x16xf32> to vector<16xf32>
        %mul3A_812 = arith.mulf %get3A_811, %broadcast_in_dim3A_763 : vector<16xf32>
        %swap3A_813 = arith.index_cast %add3A_767 : i32 to index
        %swap3A_814 = arith.constant 64 : index
        %swap3A_815 = tpu.vector_load %arg11[%swap3A_813, %swap3A_814] {strides = array<i32>} : memref<128x128xf32, #tpu.memory_space<vmem>>, vector<1x16xf32>,
        %swap3A_816 = vector.shape_cast %swap3A_815 : vector<1x16xf32> to vector<16xf32>
        %swap3A_817 = vector.shape_cast %mul3A_812 : vector<16xf32> to vector<1x16xf32>
        tpu.vector_store %arg11[%swap3A_813, %swap3A_814], %swap3A_817 {strides = array<i32>} : memref<128x128xf32, #tpu.memory_space<vmem>>, vector<1x16xf32>,
        %get3A_818 = arith.index_cast %add3A_767 : i32 to index
        %get3A_819 = arith.constant 80 : index
        %get3A_820 = tpu.vector_load %arg11[%get3A_818, %get3A_819] {strides = array<i32>} : memref<128x128xf32, #tpu.memory_space<vmem>>, vector<1x16xf32>,
        %get3A_821 = vector.shape_cast %get3A_820 : vector<1x16xf32> to vector<16xf32>
        %mul3A_822 = arith.mulf %get3A_821, %broadcast_in_dim3A_763 : vector<16xf32>
        %swap3A_823 = arith.index_cast %add3A_767 : i32 to index
        %swap3A_824 = arith.constant 80 : index
        %swap3A_825 = tpu.vector_load %arg11[%swap3A_823, %swap3A_824] {strides = array<i32>} : memref<128x128xf32, #tpu.memory_space<vmem>>, vector<1x16xf32>,
        %swap3A_826 = vector.shape_cast %swap3A_825 : vector<1x16xf32> to vector<16xf32>
        %swap3A_827 = vector.shape_cast %mul3A_822 : vector<16xf32> to vector<1x16xf32>
        tpu.vector_store %arg11[%swap3A_823, %swap3A_824], %swap3A_827 {strides = array<i32>} : memref<128x128xf32, #tpu.memory_space<vmem>>, vector<1x16xf32>,
        %get3A_828 = arith.index_cast %add3A_767 : i32 to index
        %get3A_829 = arith.constant 96 : index
        %get3A_830 = tpu.vector_load %arg11[%get3A_828, %get3A_829] {strides = array<i32>} : memref<128x128xf32, #tpu.memory_space<vmem>>, vector<1x16xf32>,
        %get3A_831 = vector.shape_cast %get3A_830 : vector<1x16xf32> to vector<16xf32>
        %mul3A_832 = arith.mulf %get3A_831, %broadcast_in_dim3A_763 : vector<16xf32>
        %swap3A_833 = arith.index_cast %add3A_767 : i32 to index
        %swap3A_834 = arith.constant 96 : index
        %swap3A_835 = tpu.vector_load %arg11[%swap3A_833, %swap3A_834] {strides = array<i32>} : memref<128x128xf32, #tpu.memory_space<vmem>>, vector<1x16xf32>,
        %swap3A_836 = vector.shape_cast %swap3A_835 : vector<1x16xf32> to vector<16xf32>
        %swap3A_837 = vector.shape_cast %mul3A_832 : vector<16xf32> to vector<1x16xf32>
        tpu.vector_store %arg11[%swap3A_833, %swap3A_834], %swap3A_837 {strides = array<i32>} : memref<128x128xf32, #tpu.memory_space<vmem>>, vector<1x16xf32>,
        %get3A_838 = arith.index_cast %add3A_767 : i32 to index
        %get3A_839 = arith.constant 112 : index
        %get3A_840 = tpu.vector_load %arg11[%get3A_838, %get3A_839] {strides = array<i32>} : memref<128x128xf32, #tpu.memory_space<vmem>>, vector<1x16xf32>,
        %get3A_841 = vector.shape_cast %get3A_840 : vector<1x16xf32> to vector<16xf32>
        %mul3A_842 = arith.mulf %get3A_841, %broadcast_in_dim3A_763 : vector<16xf32>
        %swap3A_843 = arith.index_cast %add3A_767 : i32 to index
        %swap3A_844 = arith.constant 112 : index
        %swap3A_845 = tpu.vector_load %arg11[%swap3A_843, %swap3A_844] {strides = array<i32>} : memref<128x128xf32, #tpu.memory_space<vmem>>, vector<1x16xf32>,
        %swap3A_846 = vector.shape_cast %swap3A_845 : vector<1x16xf32> to vector<16xf32>
        %swap3A_847 = vector.shape_cast %mul3A_842 : vector<16xf32> to vector<1x16xf32>
        tpu.vector_store %arg11[%swap3A_843, %swap3A_844], %swap3A_847 {strides = array<i32>} : memref<128x128xf32, #tpu.memory_space<vmem>>, vector<1x16xf32>,
        %slice3A_848 = vector.extract_strided_slice %get3A_67 {offsets = [9], sizes = [1], strides = [1]} : vector<16xf32> to vector<1xf32>
        %squeeze3A_849 = vector.extract %slice3A_848[0] : f32 from vector<1xf32>
        %broadcast_in_dim3A_850 = vector.broadcast %squeeze3A_849 : f32 to vector<16xf32>
        %mul3A_851 = arith.constant 16 : i32
        %mul3A_852 = arith.muli %add3A_62, %mul3A_851 : i32
        %add3A_853 = arith.constant 9 : i32
        %add3A_854 = arith.addi %mul3A_852, %add3A_853 : i32
        %get3A_855 = arith.index_cast %add3A_854 : i32 to index
        %get3A_856 = arith.constant 0 : index
        %get3A_857 = tpu.vector_load %arg11[%get3A_855, %get3A_856] {strides = array<i32>} : memref<128x128xf32, #tpu.memory_space<vmem>>, vector<1x16xf32>,
        %get3A_858 = vector.shape_cast %get3A_857 : vector<1x16xf32> to vector<16xf32>
        %mul3A_859 = arith.mulf %get3A_858, %broadcast_in_dim3A_850 : vector<16xf32>
        %swap3A_860 = arith.index_cast %add3A_854 : i32 to index
        %swap3A_861 = arith.constant 0 : index
        %swap3A_862 = tpu.vector_load %arg11[%swap3A_860, %swap3A_861] {strides = array<i32>} : memref<128x128xf32, #tpu.memory_space<vmem>>, vector<1x16xf32>,
        %swap3A_863 = vector.shape_cast %swap3A_862 : vector<1x16xf32> to vector<16xf32>
        %swap3A_864 = vector.shape_cast %mul3A_859 : vector<16xf32> to vector<1x16xf32>
        tpu.vector_store %arg11[%swap3A_860, %swap3A_861], %swap3A_864 {strides = array<i32>} : memref<128x128xf32, #tpu.memory_space<vmem>>, vector<1x16xf32>,
        %get3A_865 = arith.index_cast %add3A_854 : i32 to index
        %get3A_866 = arith.constant 16 : index
        %get3A_867 = tpu.vector_load %arg11[%get3A_865, %get3A_866] {strides = array<i32>} : memref<128x128xf32, #tpu.memory_space<vmem>>, vector<1x16xf32>,
        %get3A_868 = vector.shape_cast %get3A_867 : vector<1x16xf32> to vector<16xf32>
        %mul3A_869 = arith.mulf %get3A_868, %broadcast_in_dim3A_850 : vector<16xf32>
        %swap3A_870 = arith.index_cast %add3A_854 : i32 to index
        %swap3A_871 = arith.constant 16 : index
        %swap3A_872 = tpu.vector_load %arg11[%swap3A_870, %swap3A_871] {strides = array<i32>} : memref<128x128xf32, #tpu.memory_space<vmem>>, vector<1x16xf32>,
        %swap3A_873 = vector.shape_cast %swap3A_872 : vector<1x16xf32> to vector<16xf32>
        %swap3A_874 = vector.shape_cast %mul3A_869 : vector<16xf32> to vector<1x16xf32>
        tpu.vector_store %arg11[%swap3A_870, %swap3A_871], %swap3A_874 {strides = array<i32>} : memref<128x128xf32, #tpu.memory_space<vmem>>, vector<1x16xf32>,
        %get3A_875 = arith.index_cast %add3A_854 : i32 to index
        %get3A_876 = arith.constant 32 : index
        %get3A_877 = tpu.vector_load %arg11[%get3A_875, %get3A_876] {strides = array<i32>} : memref<128x128xf32, #tpu.memory_space<vmem>>, vector<1x16xf32>,
        %get3A_878 = vector.shape_cast %get3A_877 : vector<1x16xf32> to vector<16xf32>
        %mul3A_879 = arith.mulf %get3A_878, %broadcast_in_dim3A_850 : vector<16xf32>
        %swap3A_880 = arith.index_cast %add3A_854 : i32 to index
        %swap3A_881 = arith.constant 32 : index
        %swap3A_882 = tpu.vector_load %arg11[%swap3A_880, %swap3A_881] {strides = array<i32>} : memref<128x128xf32, #tpu.memory_space<vmem>>, vector<1x16xf32>,
        %swap3A_883 = vector.shape_cast %swap3A_882 : vector<1x16xf32> to vector<16xf32>
        %swap3A_884 = vector.shape_cast %mul3A_879 : vector<16xf32> to vector<1x16xf32>
        tpu.vector_store %arg11[%swap3A_880, %swap3A_881], %swap3A_884 {strides = array<i32>} : memref<128x128xf32, #tpu.memory_space<vmem>>, vector<1x16xf32>,
        %get3A_885 = arith.index_cast %add3A_854 : i32 to index
        %get3A_886 = arith.constant 48 : index
        %get3A_887 = tpu.vector_load %arg11[%get3A_885, %get3A_886] {strides = array<i32>} : memref<128x128xf32, #tpu.memory_space<vmem>>, vector<1x16xf32>,
        %get3A_888 = vector.shape_cast %get3A_887 : vector<1x16xf32> to vector<16xf32>
        %mul3A_889 = arith.mulf %get3A_888, %broadcast_in_dim3A_850 : vector<16xf32>
        %swap3A_890 = arith.index_cast %add3A_854 : i32 to index
        %swap3A_891 = arith.constant 48 : index
        %swap3A_892 = tpu.vector_load %arg11[%swap3A_890, %swap3A_891] {strides = array<i32>} : memref<128x128xf32, #tpu.memory_space<vmem>>, vector<1x16xf32>,
        %swap3A_893 = vector.shape_cast %swap3A_892 : vector<1x16xf32> to vector<16xf32>
        %swap3A_894 = vector.shape_cast %mul3A_889 : vector<16xf32> to vector<1x16xf32>
        tpu.vector_store %arg11[%swap3A_890, %swap3A_891], %swap3A_894 {strides = array<i32>} : memref<128x128xf32, #tpu.memory_space<vmem>>, vector<1x16xf32>,
        %get3A_895 = arith.index_cast %add3A_854 : i32 to index
        %get3A_896 = arith.constant 64 : index
        %get3A_897 = tpu.vector_load %arg11[%get3A_895, %get3A_896] {strides = array<i32>} : memref<128x128xf32, #tpu.memory_space<vmem>>, vector<1x16xf32>,
        %get3A_898 = vector.shape_cast %get3A_897 : vector<1x16xf32> to vector<16xf32>
        %mul3A_899 = arith.mulf %get3A_898, %broadcast_in_dim3A_850 : vector<16xf32>
        %swap3A_900 = arith.index_cast %add3A_854 : i32 to index
        %swap3A_901 = arith.constant 64 : index
        %swap3A_902 = tpu.vector_load %arg11[%swap3A_900, %swap3A_901] {strides = array<i32>} : memref<128x128xf32, #tpu.memory_space<vmem>>, vector<1x16xf32>,
        %swap3A_903 = vector.shape_cast %swap3A_902 : vector<1x16xf32> to vector<16xf32>
        %swap3A_904 = vector.shape_cast %mul3A_899 : vector<16xf32> to vector<1x16xf32>
        tpu.vector_store %arg11[%swap3A_900, %swap3A_901], %swap3A_904 {strides = array<i32>} : memref<128x128xf32, #tpu.memory_space<vmem>>, vector<1x16xf32>,
        %get3A_905 = arith.index_cast %add3A_854 : i32 to index
        %get3A_906 = arith.constant 80 : index
        %get3A_907 = tpu.vector_load %arg11[%get3A_905, %get3A_906] {strides = array<i32>} : memref<128x128xf32, #tpu.memory_space<vmem>>, vector<1x16xf32>,
        %get3A_908 = vector.shape_cast %get3A_907 : vector<1x16xf32> to vector<16xf32>
        %mul3A_909 = arith.mulf %get3A_908, %broadcast_in_dim3A_850 : vector<16xf32>
        %swap3A_910 = arith.index_cast %add3A_854 : i32 to index
        %swap3A_911 = arith.constant 80 : index
        %swap3A_912 = tpu.vector_load %arg11[%swap3A_910, %swap3A_911] {strides = array<i32>} : memref<128x128xf32, #tpu.memory_space<vmem>>, vector<1x16xf32>,
        %swap3A_913 = vector.shape_cast %swap3A_912 : vector<1x16xf32> to vector<16xf32>
        %swap3A_914 = vector.shape_cast %mul3A_909 : vector<16xf32> to vector<1x16xf32>
        tpu.vector_store %arg11[%swap3A_910, %swap3A_911], %swap3A_914 {strides = array<i32>} : memref<128x128xf32, #tpu.memory_space<vmem>>, vector<1x16xf32>,
        %get3A_915 = arith.index_cast %add3A_854 : i32 to index
        %get3A_916 = arith.constant 96 : index
        %get3A_917 = tpu.vector_load %arg11[%get3A_915, %get3A_916] {strides = array<i32>} : memref<128x128xf32, #tpu.memory_space<vmem>>, vector<1x16xf32>,
        %get3A_918 = vector.shape_cast %get3A_917 : vector<1x16xf32> to vector<16xf32>
        %mul3A_919 = arith.mulf %get3A_918, %broadcast_in_dim3A_850 : vector<16xf32>
        %swap3A_920 = arith.index_cast %add3A_854 : i32 to index
        %swap3A_921 = arith.constant 96 : index
        %swap3A_922 = tpu.vector_load %arg11[%swap3A_920, %swap3A_921] {strides = array<i32>} : memref<128x128xf32, #tpu.memory_space<vmem>>, vector<1x16xf32>,
        %swap3A_923 = vector.shape_cast %swap3A_922 : vector<1x16xf32> to vector<16xf32>
        %swap3A_924 = vector.shape_cast %mul3A_919 : vector<16xf32> to vector<1x16xf32>
        tpu.vector_store %arg11[%swap3A_920, %swap3A_921], %swap3A_924 {strides = array<i32>} : memref<128x128xf32, #tpu.memory_space<vmem>>, vector<1x16xf32>,
        %get3A_925 = arith.index_cast %add3A_854 : i32 to index
        %get3A_926 = arith.constant 112 : index
        %get3A_927 = tpu.vector_load %arg11[%get3A_925, %get3A_926] {strides = array<i32>} : memref<128x128xf32, #tpu.memory_space<vmem>>, vector<1x16xf32>,
        %get3A_928 = vector.shape_cast %get3A_927 : vector<1x16xf32> to vector<16xf32>
        %mul3A_929 = arith.mulf %get3A_928, %broadcast_in_dim3A_850 : vector<16xf32>
        %swap3A_930 = arith.index_cast %add3A_854 : i32 to index
        %swap3A_931 = arith.constant 112 : index
        %swap3A_932 = tpu.vector_load %arg11[%swap3A_930, %swap3A_931] {strides = array<i32>} : memref<128x128xf32, #tpu.memory_space<vmem>>, vector<1x16xf32>,
        %swap3A_933 = vector.shape_cast %swap3A_932 : vector<1x16xf32> to vector<16xf32>
        %swap3A_934 = vector.shape_cast %mul3A_929 : vector<16xf32> to vector<1x16xf32>
        tpu.vector_store %arg11[%swap3A_930, %swap3A_931], %swap3A_934 {strides = array<i32>} : memref<128x128xf32, #tpu.memory_space<vmem>>, vector<1x16xf32>,
        %slice3A_935 = vector.extract_strided_slice %get3A_67 {offsets = [10], sizes = [1], strides = [1]} : vector<16xf32> to vector<1xf32>
        %squeeze3A_936 = vector.extract %slice3A_935[0] : f32 from vector<1xf32>
        %broadcast_in_dim3A_937 = vector.broadcast %squeeze3A_936 : f32 to vector<16xf32>
        %mul3A_938 = arith.constant 16 : i32
        %mul3A_939 = arith.muli %add3A_62, %mul3A_938 : i32
        %add3A_940 = arith.constant 10 : i32
        %add3A_941 = arith.addi %mul3A_939, %add3A_940 : i32
        %get3A_942 = arith.index_cast %add3A_941 : i32 to index
        %get3A_943 = arith.constant 0 : index
        %get3A_944 = tpu.vector_load %arg11[%get3A_942, %get3A_943] {strides = array<i32>} : memref<128x128xf32, #tpu.memory_space<vmem>>, vector<1x16xf32>,
        %get3A_945 = vector.shape_cast %get3A_944 : vector<1x16xf32> to vector<16xf32>
        %mul3A_946 = arith.mulf %get3A_945, %broadcast_in_dim3A_937 : vector<16xf32>
        %swap3A_947 = arith.index_cast %add3A_941 : i32 to index
        %swap3A_948 = arith.constant 0 : index
        %swap3A_949 = tpu.vector_load %arg11[%swap3A_947, %swap3A_948] {strides = array<i32>} : memref<128x128xf32, #tpu.memory_space<vmem>>, vector<1x16xf32>,
        %swap3A_950 = vector.shape_cast %swap3A_949 : vector<1x16xf32> to vector<16xf32>
        %swap3A_951 = vector.shape_cast %mul3A_946 : vector<16xf32> to vector<1x16xf32>
        tpu.vector_store %arg11[%swap3A_947, %swap3A_948], %swap3A_951 {strides = array<i32>} : memref<128x128xf32, #tpu.memory_space<vmem>>, vector<1x16xf32>,
        %get3A_952 = arith.index_cast %add3A_941 : i32 to index
        %get3A_953 = arith.constant 16 : index
        %get3A_954 = tpu.vector_load %arg11[%get3A_952, %get3A_953] {strides = array<i32>} : memref<128x128xf32, #tpu.memory_space<vmem>>, vector<1x16xf32>,
        %get3A_955 = vector.shape_cast %get3A_954 : vector<1x16xf32> to vector<16xf32>
        %mul3A_956 = arith.mulf %get3A_955, %broadcast_in_dim3A_937 : vector<16xf32>
        %swap3A_957 = arith.index_cast %add3A_941 : i32 to index
        %swap3A_958 = arith.constant 16 : index
        %swap3A_959 = tpu.vector_load %arg11[%swap3A_957, %swap3A_958] {strides = array<i32>} : memref<128x128xf32, #tpu.memory_space<vmem>>, vector<1x16xf32>,
        %swap3A_960 = vector.shape_cast %swap3A_959 : vector<1x16xf32> to vector<16xf32>
        %swap3A_961 = vector.shape_cast %mul3A_956 : vector<16xf32> to vector<1x16xf32>
        tpu.vector_store %arg11[%swap3A_957, %swap3A_958], %swap3A_961 {strides = array<i32>} : memref<128x128xf32, #tpu.memory_space<vmem>>, vector<1x16xf32>,
        %get3A_962 = arith.index_cast %add3A_941 : i32 to index
        %get3A_963 = arith.constant 32 : index
        %get3A_964 = tpu.vector_load %arg11[%get3A_962, %get3A_963] {strides = array<i32>} : memref<128x128xf32, #tpu.memory_space<vmem>>, vector<1x16xf32>,
        %get3A_965 = vector.shape_cast %get3A_964 : vector<1x16xf32> to vector<16xf32>
        %mul3A_966 = arith.mulf %get3A_965, %broadcast_in_dim3A_937 : vector<16xf32>
        %swap3A_967 = arith.index_cast %add3A_941 : i32 to index
        %swap3A_968 = arith.constant 32 : index
        %swap3A_969 = tpu.vector_load %arg11[%swap3A_967, %swap3A_968] {strides = array<i32>} : memref<128x128xf32, #tpu.memory_space<vmem>>, vector<1x16xf32>,
        %swap3A_970 = vector.shape_cast %swap3A_969 : vector<1x16xf32> to vector<16xf32>
        %swap3A_971 = vector.shape_cast %mul3A_966 : vector<16xf32> to vector<1x16xf32>
        tpu.vector_store %arg11[%swap3A_967, %swap3A_968], %swap3A_971 {strides = array<i32>} : memref<128x128xf32, #tpu.memory_space<vmem>>, vector<1x16xf32>,
        %get3A_972 = arith.index_cast %add3A_941 : i32 to index
        %get3A_973 = arith.constant 48 : index
        %get3A_974 = tpu.vector_load %arg11[%get3A_972, %get3A_973] {strides = array<i32>} : memref<128x128xf32, #tpu.memory_space<vmem>>, vector<1x16xf32>,
        %get3A_975 = vector.shape_cast %get3A_974 : vector<1x16xf32> to vector<16xf32>
        %mul3A_976 = arith.mulf %get3A_975, %broadcast_in_dim3A_937 : vector<16xf32>
        %swap3A_977 = arith.index_cast %add3A_941 : i32 to index
        %swap3A_978 = arith.constant 48 : index
        %swap3A_979 = tpu.vector_load %arg11[%swap3A_977, %swap3A_978] {strides = array<i32>} : memref<128x128xf32, #tpu.memory_space<vmem>>, vector<1x16xf32>,
        %swap3A_980 = vector.shape_cast %swap3A_979 : vector<1x16xf32> to vector<16xf32>
        %swap3A_981 = vector.shape_cast %mul3A_976 : vector<16xf32> to vector<1x16xf32>
        tpu.vector_store %arg11[%swap3A_977, %swap3A_978], %swap3A_981 {strides = array<i32>} : memref<128x128xf32, #tpu.memory_space<vmem>>, vector<1x16xf32>,
        %get3A_982 = arith.index_cast %add3A_941 : i32 to index
        %get3A_983 = arith.constant 64 : index
        %get3A_984 = tpu.vector_load %arg11[%get3A_982, %get3A_983] {strides = array<i32>} : memref<128x128xf32, #tpu.memory_space<vmem>>, vector<1x16xf32>,
        %get3A_985 = vector.shape_cast %get3A_984 : vector<1x16xf32> to vector<16xf32>
        %mul3A_986 = arith.mulf %get3A_985, %broadcast_in_dim3A_937 : vector<16xf32>
        %swap3A_987 = arith.index_cast %add3A_941 : i32 to index
        %swap3A_988 = arith.constant 64 : index
        %swap3A_989 = tpu.vector_load %arg11[%swap3A_987, %swap3A_988] {strides = array<i32>} : memref<128x128xf32, #tpu.memory_space<vmem>>, vector<1x16xf32>,
        %swap3A_990 = vector.shape_cast %swap3A_989 : vector<1x16xf32> to vector<16xf32>
        %swap3A_991 = vector.shape_cast %mul3A_986 : vector<16xf32> to vector<1x16xf32>
        tpu.vector_store %arg11[%swap3A_987, %swap3A_988], %swap3A_991 {strides = array<i32>} : memref<128x128xf32, #tpu.memory_space<vmem>>, vector<1x16xf32>,
        %get3A_992 = arith.index_cast %add3A_941 : i32 to index
        %get3A_993 = arith.constant 80 : index
        %get3A_994 = tpu.vector_load %arg11[%get3A_992, %get3A_993] {strides = array<i32>} : memref<128x128xf32, #tpu.memory_space<vmem>>, vector<1x16xf32>,
        %get3A_995 = vector.shape_cast %get3A_994 : vector<1x16xf32> to vector<16xf32>
        %mul3A_996 = arith.mulf %get3A_995, %broadcast_in_dim3A_937 : vector<16xf32>
        %swap3A_997 = arith.index_cast %add3A_941 : i32 to index
        %swap3A_998 = arith.constant 80 : index
        %swap3A_999 = tpu.vector_load %arg11[%swap3A_997, %swap3A_998] {strides = array<i32>} : memref<128x128xf32, #tpu.memory_space<vmem>>, vector<1x16xf32>,
        %swap3A_1000 = vector.shape_cast %swap3A_999 : vector<1x16xf32> to vector<16xf32>
        %swap3A_1001 = vector.shape_cast %mul3A_996 : vector<16xf32> to vector<1x16xf32>
        tpu.vector_store %arg11[%swap3A_997, %swap3A_998], %swap3A_1001 {strides = array<i32>} : memref<128x128xf32, #tpu.memory_space<vmem>>, vector<1x16xf32>,
        %get3A_1002 = arith.index_cast %add3A_941 : i32 to index
        %get3A_1003 = arith.constant 96 : index
        %get3A_1004 = tpu.vector_load %arg11[%get3A_1002, %get3A_1003] {strides = array<i32>} : memref<128x128xf32, #tpu.memory_space<vmem>>, vector<1x16xf32>,
        %get3A_1005 = vector.shape_cast %get3A_1004 : vector<1x16xf32> to vector<16xf32>
        %mul3A_1006 = arith.mulf %get3A_1005, %broadcast_in_dim3A_937 : vector<16xf32>
        %swap3A_1007 = arith.index_cast %add3A_941 : i32 to index
        %swap3A_1008 = arith.constant 96 : index
        %swap3A_1009 = tpu.vector_load %arg11[%swap3A_1007, %swap3A_1008] {strides = array<i32>} : memref<128x128xf32, #tpu.memory_space<vmem>>, vector<1x16xf32>,
        %swap3A_1010 = vector.shape_cast %swap3A_1009 : vector<1x16xf32> to vector<16xf32>
        %swap3A_1011 = vector.shape_cast %mul3A_1006 : vector<16xf32> to vector<1x16xf32>
        tpu.vector_store %arg11[%swap3A_1007, %swap3A_1008], %swap3A_1011 {strides = array<i32>} : memref<128x128xf32, #tpu.memory_space<vmem>>, vector<1x16xf32>,
        %get3A_1012 = arith.index_cast %add3A_941 : i32 to index
        %get3A_1013 = arith.constant 112 : index
        %get3A_1014 = tpu.vector_load %arg11[%get3A_1012, %get3A_1013] {strides = array<i32>} : memref<128x128xf32, #tpu.memory_space<vmem>>, vector<1x16xf32>,
        %get3A_1015 = vector.shape_cast %get3A_1014 : vector<1x16xf32> to vector<16xf32>
        %mul3A_1016 = arith.mulf %get3A_1015, %broadcast_in_dim3A_937 : vector<16xf32>
        %swap3A_1017 = arith.index_cast %add3A_941 : i32 to index
        %swap3A_1018 = arith.constant 112 : index
        %swap3A_1019 = tpu.vector_load %arg11[%swap3A_1017, %swap3A_1018] {strides = array<i32>} : memref<128x128xf32, #tpu.memory_space<vmem>>, vector<1x16xf32>,
        %swap3A_1020 = vector.shape_cast %swap3A_1019 : vector<1x16xf32> to vector<16xf32>
        %swap3A_1021 = vector.shape_cast %mul3A_1016 : vector<16xf32> to vector<1x16xf32>
        tpu.vector_store %arg11[%swap3A_1017, %swap3A_1018], %swap3A_1021 {strides = array<i32>} : memref<128x128xf32, #tpu.memory_space<vmem>>, vector<1x16xf32>,
        %slice3A_1022 = vector.extract_strided_slice %get3A_67 {offsets = [11], sizes = [1], strides = [1]} : vector<16xf32> to vector<1xf32>
        %squeeze3A_1023 = vector.extract %slice3A_1022[0] : f32 from vector<1xf32>
        %broadcast_in_dim3A_1024 = vector.broadcast %squeeze3A_1023 : f32 to vector<16xf32>
        %mul3A_1025 = arith.constant 16 : i32
        %mul3A_1026 = arith.muli %add3A_62, %mul3A_1025 : i32
        %add3A_1027 = arith.constant 11 : i32
        %add3A_1028 = arith.addi %mul3A_1026, %add3A_1027 : i32
        %get3A_1029 = arith.index_cast %add3A_1028 : i32 to index
        %get3A_1030 = arith.constant 0 : index
        %get3A_1031 = tpu.vector_load %arg11[%get3A_1029, %get3A_1030] {strides = array<i32>} : memref<128x128xf32, #tpu.memory_space<vmem>>, vector<1x16xf32>,
        %get3A_1032 = vector.shape_cast %get3A_1031 : vector<1x16xf32> to vector<16xf32>
        %mul3A_1033 = arith.mulf %get3A_1032, %broadcast_in_dim3A_1024 : vector<16xf32>
        %swap3A_1034 = arith.index_cast %add3A_1028 : i32 to index
        %swap3A_1035 = arith.constant 0 : index
        %swap3A_1036 = tpu.vector_load %arg11[%swap3A_1034, %swap3A_1035] {strides = array<i32>} : memref<128x128xf32, #tpu.memory_space<vmem>>, vector<1x16xf32>,
        %swap3A_1037 = vector.shape_cast %swap3A_1036 : vector<1x16xf32> to vector<16xf32>
        %swap3A_1038 = vector.shape_cast %mul3A_1033 : vector<16xf32> to vector<1x16xf32>
        tpu.vector_store %arg11[%swap3A_1034, %swap3A_1035], %swap3A_1038 {strides = array<i32>} : memref<128x128xf32, #tpu.memory_space<vmem>>, vector<1x16xf32>,
        %get3A_1039 = arith.index_cast %add3A_1028 : i32 to index
        %get3A_1040 = arith.constant 16 : index
        %get3A_1041 = tpu.vector_load %arg11[%get3A_1039, %get3A_1040] {strides = array<i32>} : memref<128x128xf32, #tpu.memory_space<vmem>>, vector<1x16xf32>,
        %get3A_1042 = vector.shape_cast %get3A_1041 : vector<1x16xf32> to vector<16xf32>
        %mul3A_1043 = arith.mulf %get3A_1042, %broadcast_in_dim3A_1024 : vector<16xf32>
        %swap3A_1044 = arith.index_cast %add3A_1028 : i32 to index
        %swap3A_1045 = arith.constant 16 : index
        %swap3A_1046 = tpu.vector_load %arg11[%swap3A_1044, %swap3A_1045] {strides = array<i32>} : memref<128x128xf32, #tpu.memory_space<vmem>>, vector<1x16xf32>,
        %swap3A_1047 = vector.shape_cast %swap3A_1046 : vector<1x16xf32> to vector<16xf32>
        %swap3A_1048 = vector.shape_cast %mul3A_1043 : vector<16xf32> to vector<1x16xf32>
        tpu.vector_store %arg11[%swap3A_1044, %swap3A_1045], %swap3A_1048 {strides = array<i32>} : memref<128x128xf32, #tpu.memory_space<vmem>>, vector<1x16xf32>,
        %get3A_1049 = arith.index_cast %add3A_1028 : i32 to index
        %get3A_1050 = arith.constant 32 : index
        %get3A_1051 = tpu.vector_load %arg11[%get3A_1049, %get3A_1050] {strides = array<i32>} : memref<128x128xf32, #tpu.memory_space<vmem>>, vector<1x16xf32>,
        %get3A_1052 = vector.shape_cast %get3A_1051 : vector<1x16xf32> to vector<16xf32>
        %mul3A_1053 = arith.mulf %get3A_1052, %broadcast_in_dim3A_1024 : vector<16xf32>
        %swap3A_1054 = arith.index_cast %add3A_1028 : i32 to index
        %swap3A_1055 = arith.constant 32 : index
        %swap3A_1056 = tpu.vector_load %arg11[%swap3A_1054, %swap3A_1055] {strides = array<i32>} : memref<128x128xf32, #tpu.memory_space<vmem>>, vector<1x16xf32>,
        %swap3A_1057 = vector.shape_cast %swap3A_1056 : vector<1x16xf32> to vector<16xf32>
        %swap3A_1058 = vector.shape_cast %mul3A_1053 : vector<16xf32> to vector<1x16xf32>
        tpu.vector_store %arg11[%swap3A_1054, %swap3A_1055], %swap3A_1058 {strides = array<i32>} : memref<128x128xf32, #tpu.memory_space<vmem>>, vector<1x16xf32>,
        %get3A_1059 = arith.index_cast %add3A_1028 : i32 to index
        %get3A_1060 = arith.constant 48 : index
        %get3A_1061 = tpu.vector_load %arg11[%get3A_1059, %get3A_1060] {strides = array<i32>} : memref<128x128xf32, #tpu.memory_space<vmem>>, vector<1x16xf32>,
        %get3A_1062 = vector.shape_cast %get3A_1061 : vector<1x16xf32> to vector<16xf32>
        %mul3A_1063 = arith.mulf %get3A_1062, %broadcast_in_dim3A_1024 : vector<16xf32>
        %swap3A_1064 = arith.index_cast %add3A_1028 : i32 to index
        %swap3A_1065 = arith.constant 48 : index
        %swap3A_1066 = tpu.vector_load %arg11[%swap3A_1064, %swap3A_1065] {strides = array<i32>} : memref<128x128xf32, #tpu.memory_space<vmem>>, vector<1x16xf32>,
        %swap3A_1067 = vector.shape_cast %swap3A_1066 : vector<1x16xf32> to vector<16xf32>
        %swap3A_1068 = vector.shape_cast %mul3A_1063 : vector<16xf32> to vector<1x16xf32>
        tpu.vector_store %arg11[%swap3A_1064, %swap3A_1065], %swap3A_1068 {strides = array<i32>} : memref<128x128xf32, #tpu.memory_space<vmem>>, vector<1x16xf32>,
        %get3A_1069 = arith.index_cast %add3A_1028 : i32 to index
        %get3A_1070 = arith.constant 64 : index
        %get3A_1071 = tpu.vector_load %arg11[%get3A_1069, %get3A_1070] {strides = array<i32>} : memref<128x128xf32, #tpu.memory_space<vmem>>, vector<1x16xf32>,
        %get3A_1072 = vector.shape_cast %get3A_1071 : vector<1x16xf32> to vector<16xf32>
        %mul3A_1073 = arith.mulf %get3A_1072, %broadcast_in_dim3A_1024 : vector<16xf32>
        %swap3A_1074 = arith.index_cast %add3A_1028 : i32 to index
        %swap3A_1075 = arith.constant 64 : index
        %swap3A_1076 = tpu.vector_load %arg11[%swap3A_1074, %swap3A_1075] {strides = array<i32>} : memref<128x128xf32, #tpu.memory_space<vmem>>, vector<1x16xf32>,
        %swap3A_1077 = vector.shape_cast %swap3A_1076 : vector<1x16xf32> to vector<16xf32>
        %swap3A_1078 = vector.shape_cast %mul3A_1073 : vector<16xf32> to vector<1x16xf32>
        tpu.vector_store %arg11[%swap3A_1074, %swap3A_1075], %swap3A_1078 {strides = array<i32>} : memref<128x128xf32, #tpu.memory_space<vmem>>, vector<1x16xf32>,
        %get3A_1079 = arith.index_cast %add3A_1028 : i32 to index
        %get3A_1080 = arith.constant 80 : index
        %get3A_1081 = tpu.vector_load %arg11[%get3A_1079, %get3A_1080] {strides = array<i32>} : memref<128x128xf32, #tpu.memory_space<vmem>>, vector<1x16xf32>,
        %get3A_1082 = vector.shape_cast %get3A_1081 : vector<1x16xf32> to vector<16xf32>
        %mul3A_1083 = arith.mulf %get3A_1082, %broadcast_in_dim3A_1024 : vector<16xf32>
        %swap3A_1084 = arith.index_cast %add3A_1028 : i32 to index
        %swap3A_1085 = arith.constant 80 : index
        %swap3A_1086 = tpu.vector_load %arg11[%swap3A_1084, %swap3A_1085] {strides = array<i32>} : memref<128x128xf32, #tpu.memory_space<vmem>>, vector<1x16xf32>,
        %swap3A_1087 = vector.shape_cast %swap3A_1086 : vector<1x16xf32> to vector<16xf32>
        %swap3A_1088 = vector.shape_cast %mul3A_1083 : vector<16xf32> to vector<1x16xf32>
        tpu.vector_store %arg11[%swap3A_1084, %swap3A_1085], %swap3A_1088 {strides = array<i32>} : memref<128x128xf32, #tpu.memory_space<vmem>>, vector<1x16xf32>,
        %get3A_1089 = arith.index_cast %add3A_1028 : i32 to index
        %get3A_1090 = arith.constant 96 : index
        %get3A_1091 = tpu.vector_load %arg11[%get3A_1089, %get3A_1090] {strides = array<i32>} : memref<128x128xf32, #tpu.memory_space<vmem>>, vector<1x16xf32>,
        %get3A_1092 = vector.shape_cast %get3A_1091 : vector<1x16xf32> to vector<16xf32>
        %mul3A_1093 = arith.mulf %get3A_1092, %broadcast_in_dim3A_1024 : vector<16xf32>
        %swap3A_1094 = arith.index_cast %add3A_1028 : i32 to index
        %swap3A_1095 = arith.constant 96 : index
        %swap3A_1096 = tpu.vector_load %arg11[%swap3A_1094, %swap3A_1095] {strides = array<i32>} : memref<128x128xf32, #tpu.memory_space<vmem>>, vector<1x16xf32>,
        %swap3A_1097 = vector.shape_cast %swap3A_1096 : vector<1x16xf32> to vector<16xf32>
        %swap3A_1098 = vector.shape_cast %mul3A_1093 : vector<16xf32> to vector<1x16xf32>
        tpu.vector_store %arg11[%swap3A_1094, %swap3A_1095], %swap3A_1098 {strides = array<i32>} : memref<128x128xf32, #tpu.memory_space<vmem>>, vector<1x16xf32>,
        %get3A_1099 = arith.index_cast %add3A_1028 : i32 to index
        %get3A_1100 = arith.constant 112 : index
        %get3A_1101 = tpu.vector_load %arg11[%get3A_1099, %get3A_1100] {strides = array<i32>} : memref<128x128xf32, #tpu.memory_space<vmem>>, vector<1x16xf32>,
        %get3A_1102 = vector.shape_cast %get3A_1101 : vector<1x16xf32> to vector<16xf32>
        %mul3A_1103 = arith.mulf %get3A_1102, %broadcast_in_dim3A_1024 : vector<16xf32>
        %swap3A_1104 = arith.index_cast %add3A_1028 : i32 to index
        %swap3A_1105 = arith.constant 112 : index
        %swap3A_1106 = tpu.vector_load %arg11[%swap3A_1104, %swap3A_1105] {strides = array<i32>} : memref<128x128xf32, #tpu.memory_space<vmem>>, vector<1x16xf32>,
        %swap3A_1107 = vector.shape_cast %swap3A_1106 : vector<1x16xf32> to vector<16xf32>
        %swap3A_1108 = vector.shape_cast %mul3A_1103 : vector<16xf32> to vector<1x16xf32>
        tpu.vector_store %arg11[%swap3A_1104, %swap3A_1105], %swap3A_1108 {strides = array<i32>} : memref<128x128xf32, #tpu.memory_space<vmem>>, vector<1x16xf32>,
        %slice3A_1109 = vector.extract_strided_slice %get3A_67 {offsets = [12], sizes = [1], strides = [1]} : vector<16xf32> to vector<1xf32>
        %squeeze3A_1110 = vector.extract %slice3A_1109[0] : f32 from vector<1xf32>
        %broadcast_in_dim3A_1111 = vector.broadcast %squeeze3A_1110 : f32 to vector<16xf32>
        %mul3A_1112 = arith.constant 16 : i32
        %mul3A_1113 = arith.muli %add3A_62, %mul3A_1112 : i32
        %add3A_1114 = arith.constant 12 : i32
        %add3A_1115 = arith.addi %mul3A_1113, %add3A_1114 : i32
        %get3A_1116 = arith.index_cast %add3A_1115 : i32 to index
        %get3A_1117 = arith.constant 0 : index
        %get3A_1118 = tpu.vector_load %arg11[%get3A_1116, %get3A_1117] {strides = array<i32>} : memref<128x128xf32, #tpu.memory_space<vmem>>, vector<1x16xf32>,
        %get3A_1119 = vector.shape_cast %get3A_1118 : vector<1x16xf32> to vector<16xf32>
        %mul3A_1120 = arith.mulf %get3A_1119, %broadcast_in_dim3A_1111 : vector<16xf32>
        %swap3A_1121 = arith.index_cast %add3A_1115 : i32 to index
        %swap3A_1122 = arith.constant 0 : index
        %swap3A_1123 = tpu.vector_load %arg11[%swap3A_1121, %swap3A_1122] {strides = array<i32>} : memref<128x128xf32, #tpu.memory_space<vmem>>, vector<1x16xf32>,
        %swap3A_1124 = vector.shape_cast %swap3A_1123 : vector<1x16xf32> to vector<16xf32>
        %swap3A_1125 = vector.shape_cast %mul3A_1120 : vector<16xf32> to vector<1x16xf32>
        tpu.vector_store %arg11[%swap3A_1121, %swap3A_1122], %swap3A_1125 {strides = array<i32>} : memref<128x128xf32, #tpu.memory_space<vmem>>, vector<1x16xf32>,
        %get3A_1126 = arith.index_cast %add3A_1115 : i32 to index
        %get3A_1127 = arith.constant 16 : index
        %get3A_1128 = tpu.vector_load %arg11[%get3A_1126, %get3A_1127] {strides = array<i32>} : memref<128x128xf32, #tpu.memory_space<vmem>>, vector<1x16xf32>,
        %get3A_1129 = vector.shape_cast %get3A_1128 : vector<1x16xf32> to vector<16xf32>
        %mul3A_1130 = arith.mulf %get3A_1129, %broadcast_in_dim3A_1111 : vector<16xf32>
        %swap3A_1131 = arith.index_cast %add3A_1115 : i32 to index
        %swap3A_1132 = arith.constant 16 : index
        %swap3A_1133 = tpu.vector_load %arg11[%swap3A_1131, %swap3A_1132] {strides = array<i32>} : memref<128x128xf32, #tpu.memory_space<vmem>>, vector<1x16xf32>,
        %swap3A_1134 = vector.shape_cast %swap3A_1133 : vector<1x16xf32> to vector<16xf32>
        %swap3A_1135 = vector.shape_cast %mul3A_1130 : vector<16xf32> to vector<1x16xf32>
        tpu.vector_store %arg11[%swap3A_1131, %swap3A_1132], %swap3A_1135 {strides = array<i32>} : memref<128x128xf32, #tpu.memory_space<vmem>>, vector<1x16xf32>,
        %get3A_1136 = arith.index_cast %add3A_1115 : i32 to index
        %get3A_1137 = arith.constant 32 : index
        %get3A_1138 = tpu.vector_load %arg11[%get3A_1136, %get3A_1137] {strides = array<i32>} : memref<128x128xf32, #tpu.memory_space<vmem>>, vector<1x16xf32>,
        %get3A_1139 = vector.shape_cast %get3A_1138 : vector<1x16xf32> to vector<16xf32>
        %mul3A_1140 = arith.mulf %get3A_1139, %broadcast_in_dim3A_1111 : vector<16xf32>
        %swap3A_1141 = arith.index_cast %add3A_1115 : i32 to index
        %swap3A_1142 = arith.constant 32 : index
        %swap3A_1143 = tpu.vector_load %arg11[%swap3A_1141, %swap3A_1142] {strides = array<i32>} : memref<128x128xf32, #tpu.memory_space<vmem>>, vector<1x16xf32>,
        %swap3A_1144 = vector.shape_cast %swap3A_1143 : vector<1x16xf32> to vector<16xf32>
        %swap3A_1145 = vector.shape_cast %mul3A_1140 : vector<16xf32> to vector<1x16xf32>
        tpu.vector_store %arg11[%swap3A_1141, %swap3A_1142], %swap3A_1145 {strides = array<i32>} : memref<128x128xf32, #tpu.memory_space<vmem>>, vector<1x16xf32>,
        %get3A_1146 = arith.index_cast %add3A_1115 : i32 to index
        %get3A_1147 = arith.constant 48 : index
        %get3A_1148 = tpu.vector_load %arg11[%get3A_1146, %get3A_1147] {strides = array<i32>} : memref<128x128xf32, #tpu.memory_space<vmem>>, vector<1x16xf32>,
        %get3A_1149 = vector.shape_cast %get3A_1148 : vector<1x16xf32> to vector<16xf32>
        %mul3A_1150 = arith.mulf %get3A_1149, %broadcast_in_dim3A_1111 : vector<16xf32>
        %swap3A_1151 = arith.index_cast %add3A_1115 : i32 to index
        %swap3A_1152 = arith.constant 48 : index
        %swap3A_1153 = tpu.vector_load %arg11[%swap3A_1151, %swap3A_1152] {strides = array<i32>} : memref<128x128xf32, #tpu.memory_space<vmem>>, vector<1x16xf32>,
        %swap3A_1154 = vector.shape_cast %swap3A_1153 : vector<1x16xf32> to vector<16xf32>
        %swap3A_1155 = vector.shape_cast %mul3A_1150 : vector<16xf32> to vector<1x16xf32>
        tpu.vector_store %arg11[%swap3A_1151, %swap3A_1152], %swap3A_1155 {strides = array<i32>} : memref<128x128xf32, #tpu.memory_space<vmem>>, vector<1x16xf32>,
        %get3A_1156 = arith.index_cast %add3A_1115 : i32 to index
        %get3A_1157 = arith.constant 64 : index
        %get3A_1158 = tpu.vector_load %arg11[%get3A_1156, %get3A_1157] {strides = array<i32>} : memref<128x128xf32, #tpu.memory_space<vmem>>, vector<1x16xf32>,
        %get3A_1159 = vector.shape_cast %get3A_1158 : vector<1x16xf32> to vector<16xf32>
        %mul3A_1160 = arith.mulf %get3A_1159, %broadcast_in_dim3A_1111 : vector<16xf32>
        %swap3A_1161 = arith.index_cast %add3A_1115 : i32 to index
        %swap3A_1162 = arith.constant 64 : index
        %swap3A_1163 = tpu.vector_load %arg11[%swap3A_1161, %swap3A_1162] {strides = array<i32>} : memref<128x128xf32, #tpu.memory_space<vmem>>, vector<1x16xf32>,
        %swap3A_1164 = vector.shape_cast %swap3A_1163 : vector<1x16xf32> to vector<16xf32>
        %swap3A_1165 = vector.shape_cast %mul3A_1160 : vector<16xf32> to vector<1x16xf32>
        tpu.vector_store %arg11[%swap3A_1161, %swap3A_1162], %swap3A_1165 {strides = array<i32>} : memref<128x128xf32, #tpu.memory_space<vmem>>, vector<1x16xf32>,
        %get3A_1166 = arith.index_cast %add3A_1115 : i32 to index
        %get3A_1167 = arith.constant 80 : index
        %get3A_1168 = tpu.vector_load %arg11[%get3A_1166, %get3A_1167] {strides = array<i32>} : memref<128x128xf32, #tpu.memory_space<vmem>>, vector<1x16xf32>,
        %get3A_1169 = vector.shape_cast %get3A_1168 : vector<1x16xf32> to vector<16xf32>
        %mul3A_1170 = arith.mulf %get3A_1169, %broadcast_in_dim3A_1111 : vector<16xf32>
        %swap3A_1171 = arith.index_cast %add3A_1115 : i32 to index
        %swap3A_1172 = arith.constant 80 : index
        %swap3A_1173 = tpu.vector_load %arg11[%swap3A_1171, %swap3A_1172] {strides = array<i32>} : memref<128x128xf32, #tpu.memory_space<vmem>>, vector<1x16xf32>,
        %swap3A_1174 = vector.shape_cast %swap3A_1173 : vector<1x16xf32> to vector<16xf32>
        %swap3A_1175 = vector.shape_cast %mul3A_1170 : vector<16xf32> to vector<1x16xf32>
        tpu.vector_store %arg11[%swap3A_1171, %swap3A_1172], %swap3A_1175 {strides = array<i32>} : memref<128x128xf32, #tpu.memory_space<vmem>>, vector<1x16xf32>,
        %get3A_1176 = arith.index_cast %add3A_1115 : i32 to index
        %get3A_1177 = arith.constant 96 : index
        %get3A_1178 = tpu.vector_load %arg11[%get3A_1176, %get3A_1177] {strides = array<i32>} : memref<128x128xf32, #tpu.memory_space<vmem>>, vector<1x16xf32>,
        %get3A_1179 = vector.shape_cast %get3A_1178 : vector<1x16xf32> to vector<16xf32>
        %mul3A_1180 = arith.mulf %get3A_1179, %broadcast_in_dim3A_1111 : vector<16xf32>
        %swap3A_1181 = arith.index_cast %add3A_1115 : i32 to index
        %swap3A_1182 = arith.constant 96 : index
        %swap3A_1183 = tpu.vector_load %arg11[%swap3A_1181, %swap3A_1182] {strides = array<i32>} : memref<128x128xf32, #tpu.memory_space<vmem>>, vector<1x16xf32>,
        %swap3A_1184 = vector.shape_cast %swap3A_1183 : vector<1x16xf32> to vector<16xf32>
        %swap3A_1185 = vector.shape_cast %mul3A_1180 : vector<16xf32> to vector<1x16xf32>
        tpu.vector_store %arg11[%swap3A_1181, %swap3A_1182], %swap3A_1185 {strides = array<i32>} : memref<128x128xf32, #tpu.memory_space<vmem>>, vector<1x16xf32>,
        %get3A_1186 = arith.index_cast %add3A_1115 : i32 to index
        %get3A_1187 = arith.constant 112 : index
        %get3A_1188 = tpu.vector_load %arg11[%get3A_1186, %get3A_1187] {strides = array<i32>} : memref<128x128xf32, #tpu.memory_space<vmem>>, vector<1x16xf32>,
        %get3A_1189 = vector.shape_cast %get3A_1188 : vector<1x16xf32> to vector<16xf32>
        %mul3A_1190 = arith.mulf %get3A_1189, %broadcast_in_dim3A_1111 : vector<16xf32>
        %swap3A_1191 = arith.index_cast %add3A_1115 : i32 to index
        %swap3A_1192 = arith.constant 112 : index
        %swap3A_1193 = tpu.vector_load %arg11[%swap3A_1191, %swap3A_1192] {strides = array<i32>} : memref<128x128xf32, #tpu.memory_space<vmem>>, vector<1x16xf32>,
        %swap3A_1194 = vector.shape_cast %swap3A_1193 : vector<1x16xf32> to vector<16xf32>
        %swap3A_1195 = vector.shape_cast %mul3A_1190 : vector<16xf32> to vector<1x16xf32>
        tpu.vector_store %arg11[%swap3A_1191, %swap3A_1192], %swap3A_1195 {strides = array<i32>} : memref<128x128xf32, #tpu.memory_space<vmem>>, vector<1x16xf32>,
        %slice3A_1196 = vector.extract_strided_slice %get3A_67 {offsets = [13], sizes = [1], strides = [1]} : vector<16xf32> to vector<1xf32>
        %squeeze3A_1197 = vector.extract %slice3A_1196[0] : f32 from vector<1xf32>
        %broadcast_in_dim3A_1198 = vector.broadcast %squeeze3A_1197 : f32 to vector<16xf32>
        %mul3A_1199 = arith.constant 16 : i32
        %mul3A_1200 = arith.muli %add3A_62, %mul3A_1199 : i32
        %add3A_1201 = arith.constant 13 : i32
        %add3A_1202 = arith.addi %mul3A_1200, %add3A_1201 : i32
        %get3A_1203 = arith.index_cast %add3A_1202 : i32 to index
        %get3A_1204 = arith.constant 0 : index
        %get3A_1205 = tpu.vector_load %arg11[%get3A_1203, %get3A_1204] {strides = array<i32>} : memref<128x128xf32, #tpu.memory_space<vmem>>, vector<1x16xf32>,
        %get3A_1206 = vector.shape_cast %get3A_1205 : vector<1x16xf32> to vector<16xf32>
        %mul3A_1207 = arith.mulf %get3A_1206, %broadcast_in_dim3A_1198 : vector<16xf32>
        %swap3A_1208 = arith.index_cast %add3A_1202 : i32 to index
        %swap3A_1209 = arith.constant 0 : index
        %swap3A_1210 = tpu.vector_load %arg11[%swap3A_1208, %swap3A_1209] {strides = array<i32>} : memref<128x128xf32, #tpu.memory_space<vmem>>, vector<1x16xf32>,
        %swap3A_1211 = vector.shape_cast %swap3A_1210 : vector<1x16xf32> to vector<16xf32>
        %swap3A_1212 = vector.shape_cast %mul3A_1207 : vector<16xf32> to vector<1x16xf32>
        tpu.vector_store %arg11[%swap3A_1208, %swap3A_1209], %swap3A_1212 {strides = array<i32>} : memref<128x128xf32, #tpu.memory_space<vmem>>, vector<1x16xf32>,
        %get3A_1213 = arith.index_cast %add3A_1202 : i32 to index
        %get3A_1214 = arith.constant 16 : index
        %get3A_1215 = tpu.vector_load %arg11[%get3A_1213, %get3A_1214] {strides = array<i32>} : memref<128x128xf32, #tpu.memory_space<vmem>>, vector<1x16xf32>,
        %get3A_1216 = vector.shape_cast %get3A_1215 : vector<1x16xf32> to vector<16xf32>
        %mul3A_1217 = arith.mulf %get3A_1216, %broadcast_in_dim3A_1198 : vector<16xf32>
        %swap3A_1218 = arith.index_cast %add3A_1202 : i32 to index
        %swap3A_1219 = arith.constant 16 : index
        %swap3A_1220 = tpu.vector_load %arg11[%swap3A_1218, %swap3A_1219] {strides = array<i32>} : memref<128x128xf32, #tpu.memory_space<vmem>>, vector<1x16xf32>,
        %swap3A_1221 = vector.shape_cast %swap3A_1220 : vector<1x16xf32> to vector<16xf32>
        %swap3A_1222 = vector.shape_cast %mul3A_1217 : vector<16xf32> to vector<1x16xf32>
        tpu.vector_store %arg11[%swap3A_1218, %swap3A_1219], %swap3A_1222 {strides = array<i32>} : memref<128x128xf32, #tpu.memory_space<vmem>>, vector<1x16xf32>,
        %get3A_1223 = arith.index_cast %add3A_1202 : i32 to index
        %get3A_1224 = arith.constant 32 : index
        %get3A_1225 = tpu.vector_load %arg11[%get3A_1223, %get3A_1224] {strides = array<i32>} : memref<128x128xf32, #tpu.memory_space<vmem>>, vector<1x16xf32>,
        %get3A_1226 = vector.shape_cast %get3A_1225 : vector<1x16xf32> to vector<16xf32>
        %mul3A_1227 = arith.mulf %get3A_1226, %broadcast_in_dim3A_1198 : vector<16xf32>
        %swap3A_1228 = arith.index_cast %add3A_1202 : i32 to index
        %swap3A_1229 = arith.constant 32 : index
        %swap3A_1230 = tpu.vector_load %arg11[%swap3A_1228, %swap3A_1229] {strides = array<i32>} : memref<128x128xf32, #tpu.memory_space<vmem>>, vector<1x16xf32>,
        %swap3A_1231 = vector.shape_cast %swap3A_1230 : vector<1x16xf32> to vector<16xf32>
        %swap3A_1232 = vector.shape_cast %mul3A_1227 : vector<16xf32> to vector<1x16xf32>
        tpu.vector_store %arg11[%swap3A_1228, %swap3A_1229], %swap3A_1232 {strides = array<i32>} : memref<128x128xf32, #tpu.memory_space<vmem>>, vector<1x16xf32>,
        %get3A_1233 = arith.index_cast %add3A_1202 : i32 to index
        %get3A_1234 = arith.constant 48 : index
        %get3A_1235 = tpu.vector_load %arg11[%get3A_1233, %get3A_1234] {strides = array<i32>} : memref<128x128xf32, #tpu.memory_space<vmem>>, vector<1x16xf32>,
        %get3A_1236 = vector.shape_cast %get3A_1235 : vector<1x16xf32> to vector<16xf32>
        %mul3A_1237 = arith.mulf %get3A_1236, %broadcast_in_dim3A_1198 : vector<16xf32>
        %swap3A_1238 = arith.index_cast %add3A_1202 : i32 to index
        %swap3A_1239 = arith.constant 48 : index
        %swap3A_1240 = tpu.vector_load %arg11[%swap3A_1238, %swap3A_1239] {strides = array<i32>} : memref<128x128xf32, #tpu.memory_space<vmem>>, vector<1x16xf32>,
        %swap3A_1241 = vector.shape_cast %swap3A_1240 : vector<1x16xf32> to vector<16xf32>
        %swap3A_1242 = vector.shape_cast %mul3A_1237 : vector<16xf32> to vector<1x16xf32>
        tpu.vector_store %arg11[%swap3A_1238, %swap3A_1239], %swap3A_1242 {strides = array<i32>} : memref<128x128xf32, #tpu.memory_space<vmem>>, vector<1x16xf32>,
        %get3A_1243 = arith.index_cast %add3A_1202 : i32 to index
        %get3A_1244 = arith.constant 64 : index
        %get3A_1245 = tpu.vector_load %arg11[%get3A_1243, %get3A_1244] {strides = array<i32>} : memref<128x128xf32, #tpu.memory_space<vmem>>, vector<1x16xf32>,
        %get3A_1246 = vector.shape_cast %get3A_1245 : vector<1x16xf32> to vector<16xf32>
        %mul3A_1247 = arith.mulf %get3A_1246, %broadcast_in_dim3A_1198 : vector<16xf32>
        %swap3A_1248 = arith.index_cast %add3A_1202 : i32 to index
        %swap3A_1249 = arith.constant 64 : index
        %swap3A_1250 = tpu.vector_load %arg11[%swap3A_1248, %swap3A_1249] {strides = array<i32>} : memref<128x128xf32, #tpu.memory_space<vmem>>, vector<1x16xf32>,
        %swap3A_1251 = vector.shape_cast %swap3A_1250 : vector<1x16xf32> to vector<16xf32>
        %swap3A_1252 = vector.shape_cast %mul3A_1247 : vector<16xf32> to vector<1x16xf32>
        tpu.vector_store %arg11[%swap3A_1248, %swap3A_1249], %swap3A_1252 {strides = array<i32>} : memref<128x128xf32, #tpu.memory_space<vmem>>, vector<1x16xf32>,
        %get3A_1253 = arith.index_cast %add3A_1202 : i32 to index
        %get3A_1254 = arith.constant 80 : index
        %get3A_1255 = tpu.vector_load %arg11[%get3A_1253, %get3A_1254] {strides = array<i32>} : memref<128x128xf32, #tpu.memory_space<vmem>>, vector<1x16xf32>,
        %get3A_1256 = vector.shape_cast %get3A_1255 : vector<1x16xf32> to vector<16xf32>
        %mul3A_1257 = arith.mulf %get3A_1256, %broadcast_in_dim3A_1198 : vector<16xf32>
        %swap3A_1258 = arith.index_cast %add3A_1202 : i32 to index
        %swap3A_1259 = arith.constant 80 : index
        %swap3A_1260 = tpu.vector_load %arg11[%swap3A_1258, %swap3A_1259] {strides = array<i32>} : memref<128x128xf32, #tpu.memory_space<vmem>>, vector<1x16xf32>,
        %swap3A_1261 = vector.shape_cast %swap3A_1260 : vector<1x16xf32> to vector<16xf32>
        %swap3A_1262 = vector.shape_cast %mul3A_1257 : vector<16xf32> to vector<1x16xf32>
        tpu.vector_store %arg11[%swap3A_1258, %swap3A_1259], %swap3A_1262 {strides = array<i32>} : memref<128x128xf32, #tpu.memory_space<vmem>>, vector<1x16xf32>,
        %get3A_1263 = arith.index_cast %add3A_1202 : i32 to index
        %get3A_1264 = arith.constant 96 : index
        %get3A_1265 = tpu.vector_load %arg11[%get3A_1263, %get3A_1264] {strides = array<i32>} : memref<128x128xf32, #tpu.memory_space<vmem>>, vector<1x16xf32>,
        %get3A_1266 = vector.shape_cast %get3A_1265 : vector<1x16xf32> to vector<16xf32>
        %mul3A_1267 = arith.mulf %get3A_1266, %broadcast_in_dim3A_1198 : vector<16xf32>
        %swap3A_1268 = arith.index_cast %add3A_1202 : i32 to index
        %swap3A_1269 = arith.constant 96 : index
        %swap3A_1270 = tpu.vector_load %arg11[%swap3A_1268, %swap3A_1269] {strides = array<i32>} : memref<128x128xf32, #tpu.memory_space<vmem>>, vector<1x16xf32>,
        %swap3A_1271 = vector.shape_cast %swap3A_1270 : vector<1x16xf32> to vector<16xf32>
        %swap3A_1272 = vector.shape_cast %mul3A_1267 : vector<16xf32> to vector<1x16xf32>
        tpu.vector_store %arg11[%swap3A_1268, %swap3A_1269], %swap3A_1272 {strides = array<i32>} : memref<128x128xf32, #tpu.memory_space<vmem>>, vector<1x16xf32>,
        %get3A_1273 = arith.index_cast %add3A_1202 : i32 to index
        %get3A_1274 = arith.constant 112 : index
        %get3A_1275 = tpu.vector_load %arg11[%get3A_1273, %get3A_1274] {strides = array<i32>} : memref<128x128xf32, #tpu.memory_space<vmem>>, vector<1x16xf32>,
        %get3A_1276 = vector.shape_cast %get3A_1275 : vector<1x16xf32> to vector<16xf32>
        %mul3A_1277 = arith.mulf %get3A_1276, %broadcast_in_dim3A_1198 : vector<16xf32>
        %swap3A_1278 = arith.index_cast %add3A_1202 : i32 to index
        %swap3A_1279 = arith.constant 112 : index
        %swap3A_1280 = tpu.vector_load %arg11[%swap3A_1278, %swap3A_1279] {strides = array<i32>} : memref<128x128xf32, #tpu.memory_space<vmem>>, vector<1x16xf32>,
        %swap3A_1281 = vector.shape_cast %swap3A_1280 : vector<1x16xf32> to vector<16xf32>
        %swap3A_1282 = vector.shape_cast %mul3A_1277 : vector<16xf32> to vector<1x16xf32>
        tpu.vector_store %arg11[%swap3A_1278, %swap3A_1279], %swap3A_1282 {strides = array<i32>} : memref<128x128xf32, #tpu.memory_space<vmem>>, vector<1x16xf32>,
        %slice3A_1283 = vector.extract_strided_slice %get3A_67 {offsets = [14], sizes = [1], strides = [1]} : vector<16xf32> to vector<1xf32>
        %squeeze3A_1284 = vector.extract %slice3A_1283[0] : f32 from vector<1xf32>
        %broadcast_in_dim3A_1285 = vector.broadcast %squeeze3A_1284 : f32 to vector<16xf32>
        %mul3A_1286 = arith.constant 16 : i32
        %mul3A_1287 = arith.muli %add3A_62, %mul3A_1286 : i32
        %add3A_1288 = arith.constant 14 : i32
        %add3A_1289 = arith.addi %mul3A_1287, %add3A_1288 : i32
        %get3A_1290 = arith.index_cast %add3A_1289 : i32 to index
        %get3A_1291 = arith.constant 0 : index
        %get3A_1292 = tpu.vector_load %arg11[%get3A_1290, %get3A_1291] {strides = array<i32>} : memref<128x128xf32, #tpu.memory_space<vmem>>, vector<1x16xf32>,
        %get3A_1293 = vector.shape_cast %get3A_1292 : vector<1x16xf32> to vector<16xf32>
        %mul3A_1294 = arith.mulf %get3A_1293, %broadcast_in_dim3A_1285 : vector<16xf32>
        %swap3A_1295 = arith.index_cast %add3A_1289 : i32 to index
        %swap3A_1296 = arith.constant 0 : index
        %swap3A_1297 = tpu.vector_load %arg11[%swap3A_1295, %swap3A_1296] {strides = array<i32>} : memref<128x128xf32, #tpu.memory_space<vmem>>, vector<1x16xf32>,
        %swap3A_1298 = vector.shape_cast %swap3A_1297 : vector<1x16xf32> to vector<16xf32>
        %swap3A_1299 = vector.shape_cast %mul3A_1294 : vector<16xf32> to vector<1x16xf32>
        tpu.vector_store %arg11[%swap3A_1295, %swap3A_1296], %swap3A_1299 {strides = array<i32>} : memref<128x128xf32, #tpu.memory_space<vmem>>, vector<1x16xf32>,
        %get3A_1300 = arith.index_cast %add3A_1289 : i32 to index
        %get3A_1301 = arith.constant 16 : index
        %get3A_1302 = tpu.vector_load %arg11[%get3A_1300, %get3A_1301] {strides = array<i32>} : memref<128x128xf32, #tpu.memory_space<vmem>>, vector<1x16xf32>,
        %get3A_1303 = vector.shape_cast %get3A_1302 : vector<1x16xf32> to vector<16xf32>
        %mul3A_1304 = arith.mulf %get3A_1303, %broadcast_in_dim3A_1285 : vector<16xf32>
        %swap3A_1305 = arith.index_cast %add3A_1289 : i32 to index
        %swap3A_1306 = arith.constant 16 : index
        %swap3A_1307 = tpu.vector_load %arg11[%swap3A_1305, %swap3A_1306] {strides = array<i32>} : memref<128x128xf32, #tpu.memory_space<vmem>>, vector<1x16xf32>,
        %swap3A_1308 = vector.shape_cast %swap3A_1307 : vector<1x16xf32> to vector<16xf32>
        %swap3A_1309 = vector.shape_cast %mul3A_1304 : vector<16xf32> to vector<1x16xf32>
        tpu.vector_store %arg11[%swap3A_1305, %swap3A_1306], %swap3A_1309 {strides = array<i32>} : memref<128x128xf32, #tpu.memory_space<vmem>>, vector<1x16xf32>,
        %get3A_1310 = arith.index_cast %add3A_1289 : i32 to index
        %get3A_1311 = arith.constant 32 : index
        %get3A_1312 = tpu.vector_load %arg11[%get3A_1310, %get3A_1311] {strides = array<i32>} : memref<128x128xf32, #tpu.memory_space<vmem>>, vector<1x16xf32>,
        %get3A_1313 = vector.shape_cast %get3A_1312 : vector<1x16xf32> to vector<16xf32>
        %mul3A_1314 = arith.mulf %get3A_1313, %broadcast_in_dim3A_1285 : vector<16xf32>
        %swap3A_1315 = arith.index_cast %add3A_1289 : i32 to index
        %swap3A_1316 = arith.constant 32 : index
        %swap3A_1317 = tpu.vector_load %arg11[%swap3A_1315, %swap3A_1316] {strides = array<i32>} : memref<128x128xf32, #tpu.memory_space<vmem>>, vector<1x16xf32>,
        %swap3A_1318 = vector.shape_cast %swap3A_1317 : vector<1x16xf32> to vector<16xf32>
        %swap3A_1319 = vector.shape_cast %mul3A_1314 : vector<16xf32> to vector<1x16xf32>
        tpu.vector_store %arg11[%swap3A_1315, %swap3A_1316], %swap3A_1319 {strides = array<i32>} : memref<128x128xf32, #tpu.memory_space<vmem>>, vector<1x16xf32>,
        %get3A_1320 = arith.index_cast %add3A_1289 : i32 to index
        %get3A_1321 = arith.constant 48 : index
        %get3A_1322 = tpu.vector_load %arg11[%get3A_1320, %get3A_1321] {strides = array<i32>} : memref<128x128xf32, #tpu.memory_space<vmem>>, vector<1x16xf32>,
        %get3A_1323 = vector.shape_cast %get3A_1322 : vector<1x16xf32> to vector<16xf32>
        %mul3A_1324 = arith.mulf %get3A_1323, %broadcast_in_dim3A_1285 : vector<16xf32>
        %swap3A_1325 = arith.index_cast %add3A_1289 : i32 to index
        %swap3A_1326 = arith.constant 48 : index
        %swap3A_1327 = tpu.vector_load %arg11[%swap3A_1325, %swap3A_1326] {strides = array<i32>} : memref<128x128xf32, #tpu.memory_space<vmem>>, vector<1x16xf32>,
        %swap3A_1328 = vector.shape_cast %swap3A_1327 : vector<1x16xf32> to vector<16xf32>
        %swap3A_1329 = vector.shape_cast %mul3A_1324 : vector<16xf32> to vector<1x16xf32>
        tpu.vector_store %arg11[%swap3A_1325, %swap3A_1326], %swap3A_1329 {strides = array<i32>} : memref<128x128xf32, #tpu.memory_space<vmem>>, vector<1x16xf32>,
        %get3A_1330 = arith.index_cast %add3A_1289 : i32 to index
        %get3A_1331 = arith.constant 64 : index
        %get3A_1332 = tpu.vector_load %arg11[%get3A_1330, %get3A_1331] {strides = array<i32>} : memref<128x128xf32, #tpu.memory_space<vmem>>, vector<1x16xf32>,
        %get3A_1333 = vector.shape_cast %get3A_1332 : vector<1x16xf32> to vector<16xf32>
        %mul3A_1334 = arith.mulf %get3A_1333, %broadcast_in_dim3A_1285 : vector<16xf32>
        %swap3A_1335 = arith.index_cast %add3A_1289 : i32 to index
        %swap3A_1336 = arith.constant 64 : index
        %swap3A_1337 = tpu.vector_load %arg11[%swap3A_1335, %swap3A_1336] {strides = array<i32>} : memref<128x128xf32, #tpu.memory_space<vmem>>, vector<1x16xf32>,
        %swap3A_1338 = vector.shape_cast %swap3A_1337 : vector<1x16xf32> to vector<16xf32>
        %swap3A_1339 = vector.shape_cast %mul3A_1334 : vector<16xf32> to vector<1x16xf32>
        tpu.vector_store %arg11[%swap3A_1335, %swap3A_1336], %swap3A_1339 {strides = array<i32>} : memref<128x128xf32, #tpu.memory_space<vmem>>, vector<1x16xf32>,
        %get3A_1340 = arith.index_cast %add3A_1289 : i32 to index
        %get3A_1341 = arith.constant 80 : index
        %get3A_1342 = tpu.vector_load %arg11[%get3A_1340, %get3A_1341] {strides = array<i32>} : memref<128x128xf32, #tpu.memory_space<vmem>>, vector<1x16xf32>,
        %get3A_1343 = vector.shape_cast %get3A_1342 : vector<1x16xf32> to vector<16xf32>
        %mul3A_1344 = arith.mulf %get3A_1343, %broadcast_in_dim3A_1285 : vector<16xf32>
        %swap3A_1345 = arith.index_cast %add3A_1289 : i32 to index
        %swap3A_1346 = arith.constant 80 : index
        %swap3A_1347 = tpu.vector_load %arg11[%swap3A_1345, %swap3A_1346] {strides = array<i32>} : memref<128x128xf32, #tpu.memory_space<vmem>>, vector<1x16xf32>,
        %swap3A_1348 = vector.shape_cast %swap3A_1347 : vector<1x16xf32> to vector<16xf32>
        %swap3A_1349 = vector.shape_cast %mul3A_1344 : vector<16xf32> to vector<1x16xf32>
        tpu.vector_store %arg11[%swap3A_1345, %swap3A_1346], %swap3A_1349 {strides = array<i32>} : memref<128x128xf32, #tpu.memory_space<vmem>>, vector<1x16xf32>,
        %get3A_1350 = arith.index_cast %add3A_1289 : i32 to index
        %get3A_1351 = arith.constant 96 : index
        %get3A_1352 = tpu.vector_load %arg11[%get3A_1350, %get3A_1351] {strides = array<i32>} : memref<128x128xf32, #tpu.memory_space<vmem>>, vector<1x16xf32>,
        %get3A_1353 = vector.shape_cast %get3A_1352 : vector<1x16xf32> to vector<16xf32>
        %mul3A_1354 = arith.mulf %get3A_1353, %broadcast_in_dim3A_1285 : vector<16xf32>
        %swap3A_1355 = arith.index_cast %add3A_1289 : i32 to index
        %swap3A_1356 = arith.constant 96 : index
        %swap3A_1357 = tpu.vector_load %arg11[%swap3A_1355, %swap3A_1356] {strides = array<i32>} : memref<128x128xf32, #tpu.memory_space<vmem>>, vector<1x16xf32>,
        %swap3A_1358 = vector.shape_cast %swap3A_1357 : vector<1x16xf32> to vector<16xf32>
        %swap3A_1359 = vector.shape_cast %mul3A_1354 : vector<16xf32> to vector<1x16xf32>
        tpu.vector_store %arg11[%swap3A_1355, %swap3A_1356], %swap3A_1359 {strides = array<i32>} : memref<128x128xf32, #tpu.memory_space<vmem>>, vector<1x16xf32>,
        %get3A_1360 = arith.index_cast %add3A_1289 : i32 to index
        %get3A_1361 = arith.constant 112 : index
        %get3A_1362 = tpu.vector_load %arg11[%get3A_1360, %get3A_1361] {strides = array<i32>} : memref<128x128xf32, #tpu.memory_space<vmem>>, vector<1x16xf32>,
        %get3A_1363 = vector.shape_cast %get3A_1362 : vector<1x16xf32> to vector<16xf32>
        %mul3A_1364 = arith.mulf %get3A_1363, %broadcast_in_dim3A_1285 : vector<16xf32>
        %swap3A_1365 = arith.index_cast %add3A_1289 : i32 to index
        %swap3A_1366 = arith.constant 112 : index
        %swap3A_1367 = tpu.vector_load %arg11[%swap3A_1365, %swap3A_1366] {strides = array<i32>} : memref<128x128xf32, #tpu.memory_space<vmem>>, vector<1x16xf32>,
        %swap3A_1368 = vector.shape_cast %swap3A_1367 : vector<1x16xf32> to vector<16xf32>
        %swap3A_1369 = vector.shape_cast %mul3A_1364 : vector<16xf32> to vector<1x16xf32>
        tpu.vector_store %arg11[%swap3A_1365, %swap3A_1366], %swap3A_1369 {strides = array<i32>} : memref<128x128xf32, #tpu.memory_space<vmem>>, vector<1x16xf32>,
        %slice3A_1370 = vector.extract_strided_slice %get3A_67 {offsets = [15], sizes = [1], strides = [1]} : vector<16xf32> to vector<1xf32>
        %squeeze3A_1371 = vector.extract %slice3A_1370[0] : f32 from vector<1xf32>
        %broadcast_in_dim3A_1372 = vector.broadcast %squeeze3A_1371 : f32 to vector<16xf32>
        %mul3A_1373 = arith.constant 16 : i32
        %mul3A_1374 = arith.muli %add3A_62, %mul3A_1373 : i32
        %add3A_1375 = arith.constant 15 : i32
        %add3A_1376 = arith.addi %mul3A_1374, %add3A_1375 : i32
        %get3A_1377 = arith.index_cast %add3A_1376 : i32 to index
        %get3A_1378 = arith.constant 0 : index
        %get3A_1379 = tpu.vector_load %arg11[%get3A_1377, %get3A_1378] {strides = array<i32>} : memref<128x128xf32, #tpu.memory_space<vmem>>, vector<1x16xf32>,
        %get3A_1380 = vector.shape_cast %get3A_1379 : vector<1x16xf32> to vector<16xf32>
        %mul3A_1381 = arith.mulf %get3A_1380, %broadcast_in_dim3A_1372 : vector<16xf32>
        %swap3A_1382 = arith.index_cast %add3A_1376 : i32 to index
        %swap3A_1383 = arith.constant 0 : index
        %swap3A_1384 = tpu.vector_load %arg11[%swap3A_1382, %swap3A_1383] {strides = array<i32>} : memref<128x128xf32, #tpu.memory_space<vmem>>, vector<1x16xf32>,
        %swap3A_1385 = vector.shape_cast %swap3A_1384 : vector<1x16xf32> to vector<16xf32>
        %swap3A_1386 = vector.shape_cast %mul3A_1381 : vector<16xf32> to vector<1x16xf32>
        tpu.vector_store %arg11[%swap3A_1382, %swap3A_1383], %swap3A_1386 {strides = array<i32>} : memref<128x128xf32, #tpu.memory_space<vmem>>, vector<1x16xf32>,
        %get3A_1387 = arith.index_cast %add3A_1376 : i32 to index
        %get3A_1388 = arith.constant 16 : index
        %get3A_1389 = tpu.vector_load %arg11[%get3A_1387, %get3A_1388] {strides = array<i32>} : memref<128x128xf32, #tpu.memory_space<vmem>>, vector<1x16xf32>,
        %get3A_1390 = vector.shape_cast %get3A_1389 : vector<1x16xf32> to vector<16xf32>
        %mul3A_1391 = arith.mulf %get3A_1390, %broadcast_in_dim3A_1372 : vector<16xf32>
        %swap3A_1392 = arith.index_cast %add3A_1376 : i32 to index
        %swap3A_1393 = arith.constant 16 : index
        %swap3A_1394 = tpu.vector_load %arg11[%swap3A_1392, %swap3A_1393] {strides = array<i32>} : memref<128x128xf32, #tpu.memory_space<vmem>>, vector<1x16xf32>,
        %swap3A_1395 = vector.shape_cast %swap3A_1394 : vector<1x16xf32> to vector<16xf32>
        %swap3A_1396 = vector.shape_cast %mul3A_1391 : vector<16xf32> to vector<1x16xf32>
        tpu.vector_store %arg11[%swap3A_1392, %swap3A_1393], %swap3A_1396 {strides = array<i32>} : memref<128x128xf32, #tpu.memory_space<vmem>>, vector<1x16xf32>,
        %get3A_1397 = arith.index_cast %add3A_1376 : i32 to index
        %get3A_1398 = arith.constant 32 : index
        %get3A_1399 = tpu.vector_load %arg11[%get3A_1397, %get3A_1398] {strides = array<i32>} : memref<128x128xf32, #tpu.memory_space<vmem>>, vector<1x16xf32>,
        %get3A_1400 = vector.shape_cast %get3A_1399 : vector<1x16xf32> to vector<16xf32>
        %mul3A_1401 = arith.mulf %get3A_1400, %broadcast_in_dim3A_1372 : vector<16xf32>
        %swap3A_1402 = arith.index_cast %add3A_1376 : i32 to index
        %swap3A_1403 = arith.constant 32 : index
        %swap3A_1404 = tpu.vector_load %arg11[%swap3A_1402, %swap3A_1403] {strides = array<i32>} : memref<128x128xf32, #tpu.memory_space<vmem>>, vector<1x16xf32>,
        %swap3A_1405 = vector.shape_cast %swap3A_1404 : vector<1x16xf32> to vector<16xf32>
        %swap3A_1406 = vector.shape_cast %mul3A_1401 : vector<16xf32> to vector<1x16xf32>
        tpu.vector_store %arg11[%swap3A_1402, %swap3A_1403], %swap3A_1406 {strides = array<i32>} : memref<128x128xf32, #tpu.memory_space<vmem>>, vector<1x16xf32>,
        %get3A_1407 = arith.index_cast %add3A_1376 : i32 to index
        %get3A_1408 = arith.constant 48 : index
        %get3A_1409 = tpu.vector_load %arg11[%get3A_1407, %get3A_1408] {strides = array<i32>} : memref<128x128xf32, #tpu.memory_space<vmem>>, vector<1x16xf32>,
        %get3A_1410 = vector.shape_cast %get3A_1409 : vector<1x16xf32> to vector<16xf32>
        %mul3A_1411 = arith.mulf %get3A_1410, %broadcast_in_dim3A_1372 : vector<16xf32>
        %swap3A_1412 = arith.index_cast %add3A_1376 : i32 to index
        %swap3A_1413 = arith.constant 48 : index
        %swap3A_1414 = tpu.vector_load %arg11[%swap3A_1412, %swap3A_1413] {strides = array<i32>} : memref<128x128xf32, #tpu.memory_space<vmem>>, vector<1x16xf32>,
        %swap3A_1415 = vector.shape_cast %swap3A_1414 : vector<1x16xf32> to vector<16xf32>
        %swap3A_1416 = vector.shape_cast %mul3A_1411 : vector<16xf32> to vector<1x16xf32>
        tpu.vector_store %arg11[%swap3A_1412, %swap3A_1413], %swap3A_1416 {strides = array<i32>} : memref<128x128xf32, #tpu.memory_space<vmem>>, vector<1x16xf32>,
        %get3A_1417 = arith.index_cast %add3A_1376 : i32 to index
        %get3A_1418 = arith.constant 64 : index
        %get3A_1419 = tpu.vector_load %arg11[%get3A_1417, %get3A_1418] {strides = array<i32>} : memref<128x128xf32, #tpu.memory_space<vmem>>, vector<1x16xf32>,
        %get3A_1420 = vector.shape_cast %get3A_1419 : vector<1x16xf32> to vector<16xf32>
        %mul3A_1421 = arith.mulf %get3A_1420, %broadcast_in_dim3A_1372 : vector<16xf32>
        %swap3A_1422 = arith.index_cast %add3A_1376 : i32 to index
        %swap3A_1423 = arith.constant 64 : index
        %swap3A_1424 = tpu.vector_load %arg11[%swap3A_1422, %swap3A_1423] {strides = array<i32>} : memref<128x128xf32, #tpu.memory_space<vmem>>, vector<1x16xf32>,
        %swap3A_1425 = vector.shape_cast %swap3A_1424 : vector<1x16xf32> to vector<16xf32>
        %swap3A_1426 = vector.shape_cast %mul3A_1421 : vector<16xf32> to vector<1x16xf32>
        tpu.vector_store %arg11[%swap3A_1422, %swap3A_1423], %swap3A_1426 {strides = array<i32>} : memref<128x128xf32, #tpu.memory_space<vmem>>, vector<1x16xf32>,
        %get3A_1427 = arith.index_cast %add3A_1376 : i32 to index
        %get3A_1428 = arith.constant 80 : index
        %get3A_1429 = tpu.vector_load %arg11[%get3A_1427, %get3A_1428] {strides = array<i32>} : memref<128x128xf32, #tpu.memory_space<vmem>>, vector<1x16xf32>,
        %get3A_1430 = vector.shape_cast %get3A_1429 : vector<1x16xf32> to vector<16xf32>
        %mul3A_1431 = arith.mulf %get3A_1430, %broadcast_in_dim3A_1372 : vector<16xf32>
        %swap3A_1432 = arith.index_cast %add3A_1376 : i32 to index
        %swap3A_1433 = arith.constant 80 : index
        %swap3A_1434 = tpu.vector_load %arg11[%swap3A_1432, %swap3A_1433] {strides = array<i32>} : memref<128x128xf32, #tpu.memory_space<vmem>>, vector<1x16xf32>,
        %swap3A_1435 = vector.shape_cast %swap3A_1434 : vector<1x16xf32> to vector<16xf32>
        %swap3A_1436 = vector.shape_cast %mul3A_1431 : vector<16xf32> to vector<1x16xf32>
        tpu.vector_store %arg11[%swap3A_1432, %swap3A_1433], %swap3A_1436 {strides = array<i32>} : memref<128x128xf32, #tpu.memory_space<vmem>>, vector<1x16xf32>,
        %get3A_1437 = arith.index_cast %add3A_1376 : i32 to index
        %get3A_1438 = arith.constant 96 : index
        %get3A_1439 = tpu.vector_load %arg11[%get3A_1437, %get3A_1438] {strides = array<i32>} : memref<128x128xf32, #tpu.memory_space<vmem>>, vector<1x16xf32>,
        %get3A_1440 = vector.shape_cast %get3A_1439 : vector<1x16xf32> to vector<16xf32>
        %mul3A_1441 = arith.mulf %get3A_1440, %broadcast_in_dim3A_1372 : vector<16xf32>
        %swap3A_1442 = arith.index_cast %add3A_1376 : i32 to index
        %swap3A_1443 = arith.constant 96 : index
        %swap3A_1444 = tpu.vector_load %arg11[%swap3A_1442, %swap3A_1443] {strides = array<i32>} : memref<128x128xf32, #tpu.memory_space<vmem>>, vector<1x16xf32>,
        %swap3A_1445 = vector.shape_cast %swap3A_1444 : vector<1x16xf32> to vector<16xf32>
        %swap3A_1446 = vector.shape_cast %mul3A_1441 : vector<16xf32> to vector<1x16xf32>
        tpu.vector_store %arg11[%swap3A_1442, %swap3A_1443], %swap3A_1446 {strides = array<i32>} : memref<128x128xf32, #tpu.memory_space<vmem>>, vector<1x16xf32>,
        %get3A_1447 = arith.index_cast %add3A_1376 : i32 to index
        %get3A_1448 = arith.constant 112 : index
        %get3A_1449 = tpu.vector_load %arg11[%get3A_1447, %get3A_1448] {strides = array<i32>} : memref<128x128xf32, #tpu.memory_space<vmem>>, vector<1x16xf32>,
        %get3A_1450 = vector.shape_cast %get3A_1449 : vector<1x16xf32> to vector<16xf32>
        %mul3A_1451 = arith.mulf %get3A_1450, %broadcast_in_dim3A_1372 : vector<16xf32>
        %swap3A_1452 = arith.index_cast %add3A_1376 : i32 to index
        %swap3A_1453 = arith.constant 112 : index
        %swap3A_1454 = tpu.vector_load %arg11[%swap3A_1452, %swap3A_1453] {strides = array<i32>} : memref<128x128xf32, #tpu.memory_space<vmem>>, vector<1x16xf32>,
        %swap3A_1455 = vector.shape_cast %swap3A_1454 : vector<1x16xf32> to vector<16xf32>
        %swap3A_1456 = vector.shape_cast %mul3A_1451 : vector<16xf32> to vector<1x16xf32>
        tpu.vector_store %arg11[%swap3A_1452, %swap3A_1453], %swap3A_1456 {strides = array<i32>} : memref<128x128xf32, #tpu.memory_space<vmem>>, vector<1x16xf32>,
      }
      %scan3A_57 = arith.constant 8 : i32
      "tpu.region"() ({
        %run_scoped3A_58 = tpu.sem_alloc : memref<!tpu.dma_semaphore, #tpu.memory_space<semaphore_mem>>
        %dma_start3A = arith.constant 0 : i32
        %dma_start3A_59 = tpu.memref_slice %arg9[%add3A_52, %dma_start3A] : memref<79x128xi32, #tpu.memory_space<vmem>> -> memref<1x128xi32, #tpu.memory_space<vmem>>
        %dma_start3A_60 = tpu.memref_squeeze %dma_start3A_59 : memref<1x128xi32, #tpu.memory_space<vmem>> -> memref<128xi32, #tpu.memory_space<vmem>>
        %dma_start3A_61 = arith.constant 0 : i32
        %dma_start3A_62 = arith.constant 0 : i32
        %dma_start3A_63 = tpu.memref_slice %arg14[%dma_start3A_61, %dma_start3A_62] : memref<10112x128xf32, #tpu.memory_space<vmem_shared>> -> memref<10112x128xf32, #tpu.memory_space<vmem_shared>>
        tpu.enqueue_indirect_dma source(%arg11 : memref<128x128xf32, #tpu.memory_space<vmem>>) target(%dma_start3A_63 : memref<10112x128xf32, #tpu.memory_space<vmem_shared>>) offsets(%dma_start3A_60 : memref<128xi32, #tpu.memory_space<vmem>>) semaphore(%run_scoped3A_58 : memref<!tpu.dma_semaphore, #tpu.memory_space<semaphore_mem>>) {add = true}
        %dma_wait3A = arith.constant 0 : i32
        %dma_wait3A_64 = tpu.memref_slice %arg9[%add3A_52, %dma_wait3A] : memref<79x128xi32, #tpu.memory_space<vmem>> -> memref<1x128xi32, #tpu.memory_space<vmem>>
        %dma_wait3A_65 = tpu.memref_squeeze %dma_wait3A_64 : memref<1x128xi32, #tpu.memory_space<vmem>> -> memref<128xi32, #tpu.memory_space<vmem>>
        %dma_wait3A_66 = arith.constant 0 : i32
        %dma_wait3A_67 = arith.constant 0 : i32
        %dma_wait3A_68 = tpu.memref_slice %arg14[%dma_wait3A_66, %dma_wait3A_67] : memref<10112x128xf32, #tpu.memory_space<vmem_shared>> -> memref<10112x128xf32, #tpu.memory_space<vmem_shared>>
        tpu.wait_indirect_dma semaphore(%run_scoped3A_58 : memref<!tpu.dma_semaphore, #tpu.memory_space<semaphore_mem>>) src(%arg11 : memref<128x128xf32, #tpu.memory_space<vmem>>) dst(%dma_wait3A_68 : memref<10112x128xf32, #tpu.memory_space<vmem_shared>>)
        tpu.yield
      }) : () -> ()
      "tpu.region"() ({
        %run_scoped3A_58 = tpu.sem_alloc : memref<!tpu.dma_semaphore, #tpu.memory_space<semaphore_mem>>
        %dma_start3A = arith.constant 0 : i32
        %dma_start3A_59 = tpu.memref_slice %arg9[%add3A_52, %dma_start3A] : memref<79x128xi32, #tpu.memory_space<vmem>> -> memref<1x128xi32, #tpu.memory_space<vmem>>
        %dma_start3A_60 = tpu.memref_squeeze %dma_start3A_59 : memref<1x128xi32, #tpu.memory_space<vmem>> -> memref<128xi32, #tpu.memory_space<vmem>>
        %dma_start3A_61 = arith.constant 0 : i32
        %dma_start3A_62 = tpu.memref_slice %arg15[%dma_start3A_61] : memref<10112xf32, #tpu.memory_space<vmem_shared>> -> memref<10112xf32, #tpu.memory_space<vmem_shared>>
        tpu.enqueue_indirect_dma source(%arg12 : memref<128xf32, #tpu.memory_space<vmem>>) target(%dma_start3A_62 : memref<10112xf32, #tpu.memory_space<vmem_shared>>) offsets(%dma_start3A_60 : memref<128xi32, #tpu.memory_space<vmem>>) semaphore(%run_scoped3A_58 : memref<!tpu.dma_semaphore, #tpu.memory_space<semaphore_mem>>) {add = true}
        %dma_wait3A = arith.constant 0 : i32
        %dma_wait3A_63 = tpu.memref_slice %arg9[%add3A_52, %dma_wait3A] : memref<79x128xi32, #tpu.memory_space<vmem>> -> memref<1x128xi32, #tpu.memory_space<vmem>>
        %dma_wait3A_64 = tpu.memref_squeeze %dma_wait3A_63 : memref<1x128xi32, #tpu.memory_space<vmem>> -> memref<128xi32, #tpu.memory_space<vmem>>
        %dma_wait3A_65 = arith.constant 0 : i32
        %dma_wait3A_66 = tpu.memref_slice %arg15[%dma_wait3A_65] : memref<10112xf32, #tpu.memory_space<vmem_shared>> -> memref<10112xf32, #tpu.memory_space<vmem_shared>>
        tpu.wait_indirect_dma semaphore(%run_scoped3A_58 : memref<!tpu.dma_semaphore, #tpu.memory_space<semaphore_mem>>) src(%arg12 : memref<128xf32, #tpu.memory_space<vmem>>) dst(%dma_wait3A_66 : memref<10112xf32, #tpu.memory_space<vmem_shared>>)
        tpu.yield
      }) : () -> ()
    }
    %scan3A_43 = arith.constant 79 : i32
    %barrier3A_44 = arith.constant 0 : index
    tpu.barrier barrier_id(%barrier3A_44)
    "tpu.region"() ({
      %run_scoped3A_48 = tpu.sem_alloc : memref<!tpu.dma_semaphore, #tpu.memory_space<semaphore_mem>>
      %dma_start3A = arith.constant 0 : i32
      %dma_start3A_49 = tpu.memref_slice %arg6[%arg0, %mul3A_14, %dma_start3A] : memref<2x10112x128xf32, #tpu.memory_space<hbm>> -> memref<1x632x128xf32, #tpu.memory_space<hbm>>
      %dma_start3A_50 = tpu.memref_squeeze %dma_start3A_49 : memref<1x632x128xf32, #tpu.memory_space<hbm>> -> memref<632x128xf32, #tpu.memory_space<hbm>>
      %dma_start3A_51 = arith.constant 0 : i32
      %dma_start3A_52 = tpu.memref_slice %arg14[%mul3A_14, %dma_start3A_51] : memref<10112x128xf32, #tpu.memory_space<vmem_shared>> -> memref<632x128xf32, #tpu.memory_space<vmem_shared>>
      tpu.enqueue_dma source(%dma_start3A_52 : memref<632x128xf32, #tpu.memory_space<vmem_shared>>) target(%dma_start3A_50 : memref<632x128xf32, #tpu.memory_space<hbm>>) target_semaphore(%run_scoped3A_48 : memref<!tpu.dma_semaphore, #tpu.memory_space<semaphore_mem>>)
      %dma_wait3A = arith.constant 0 : i32
      %dma_wait3A_53 = tpu.memref_slice %arg6[%arg0, %mul3A_14, %dma_wait3A] : memref<2x10112x128xf32, #tpu.memory_space<hbm>> -> memref<1x632x128xf32, #tpu.memory_space<hbm>>
      %dma_wait3A_54 = tpu.memref_squeeze %dma_wait3A_53 : memref<1x632x128xf32, #tpu.memory_space<hbm>> -> memref<632x128xf32, #tpu.memory_space<hbm>>
      %dma_wait3A_55 = arith.constant 0 : i32
      %dma_wait3A_56 = tpu.memref_slice %arg14[%mul3A_14, %dma_wait3A_55] : memref<10112x128xf32, #tpu.memory_space<vmem_shared>> -> memref<632x128xf32, #tpu.memory_space<vmem_shared>>
      tpu.wait_dma2 semaphore(%run_scoped3A_48 : memref<!tpu.dma_semaphore, #tpu.memory_space<semaphore_mem>>) src(%dma_wait3A_56 : memref<632x128xf32, #tpu.memory_space<vmem_shared>>) dst(%dma_wait3A_54 : memref<632x128xf32, #tpu.memory_space<hbm>>)
      tpu.yield
    }) : () -> ()
    "tpu.region"() ({
      %run_scoped3A_48 = tpu.sem_alloc : memref<!tpu.dma_semaphore, #tpu.memory_space<semaphore_mem>>
      %dma_start3A = tpu.memref_slice %arg15[%mul3A_14] : memref<10112xf32, #tpu.memory_space<vmem_shared>> -> memref<632xf32, #tpu.memory_space<vmem_shared>>
      %dma_start3A_49 = tpu.memref_slice %arg15[%mul3A_14] : memref<10112xf32, #tpu.memory_space<vmem_shared>> -> memref<632xf32, #tpu.memory_space<vmem_shared>>
      tpu.enqueue_dma source(%dma_start3A_49 : memref<632xf32, #tpu.memory_space<vmem_shared>>) target(%arg13 : memref<632xf32, #tpu.memory_space<vmem>>) target_semaphore(%run_scoped3A_48 : memref<!tpu.dma_semaphore, #tpu.memory_space<semaphore_mem>>)
      %dma_wait3A = tpu.memref_slice %arg15[%mul3A_14] : memref<10112xf32, #tpu.memory_space<vmem_shared>> -> memref<632xf32, #tpu.memory_space<vmem_shared>>
      %dma_wait3A_50 = tpu.memref_slice %arg15[%mul3A_14] : memref<10112xf32, #tpu.memory_space<vmem_shared>> -> memref<632xf32, #tpu.memory_space<vmem_shared>>
      tpu.wait_dma2 semaphore(%run_scoped3A_48 : memref<!tpu.dma_semaphore, #tpu.memory_space<semaphore_mem>>) src(%dma_wait3A_50 : memref<632xf32, #tpu.memory_space<vmem_shared>>) dst(%arg13 : memref<632xf32, #tpu.memory_space<vmem>>)
      tpu.yield
    }) : () -> ()
    %mul3A_45 = arith.constant 10112 : i32
    %mul3A_46 = arith.muli %arg0, %mul3A_45 : i32
    %add3A_47 = arith.addi %mul3A_46, %mul3A_14 : i32
    "tpu.region"() ({
      %run_scoped3A_48 = tpu.sem_alloc : memref<!tpu.dma_semaphore, #tpu.memory_space<semaphore_mem>>
      %dma_start3A = tpu.memref_slice %arg7[%add3A_47] : memref<20224xf32, #tpu.memory_space<hbm>> -> memref<632xf32, #tpu.memory_space<hbm>>
      %dma_start3A_49 = tpu.memref_slice %arg7[%add3A_47] : memref<20224xf32, #tpu.memory_space<hbm>> -> memref<632xf32, #tpu.memory_space<hbm>>
      tpu.enqueue_dma source(%arg13 : memref<632xf32, #tpu.memory_space<vmem>>) target(%dma_start3A_49 : memref<632xf32, #tpu.memory_space<hbm>>) target_semaphore(%run_scoped3A_48 : memref<!tpu.dma_semaphore, #tpu.memory_space<semaphore_mem>>)
      %dma_wait3A = tpu.memref_slice %arg7[%add3A_47] : memref<20224xf32, #tpu.memory_space<hbm>> -> memref<632xf32, #tpu.memory_space<hbm>>
      %dma_wait3A_50 = tpu.memref_slice %arg7[%add3A_47] : memref<20224xf32, #tpu.memory_space<hbm>> -> memref<632xf32, #tpu.memory_space<hbm>>
      tpu.wait_dma2 semaphore(%run_scoped3A_48 : memref<!tpu.dma_semaphore, #tpu.memory_space<semaphore_mem>>) src(%arg13 : memref<632xf32, #tpu.memory_space<vmem>>) dst(%dma_wait3A_50 : memref<632xf32, #tpu.memory_space<hbm>>)
      tpu.yield
    }) : () -> ()
    return
  }
}

module attributes {stable_mosaic.version = 14 : i64} {
  func.func @body(%arg0: i32, %arg1: memref<2000x128xf32, #tpu.memory_space<vmem>>, %arg2: memref<2000x128xf32, #tpu.memory_space<vmem>>, %arg3: memref<2000x128xf32, #tpu.memory_space<vmem>>, %arg4: memref<2000x1xf32, #tpu.memory_space<vmem>>, %arg5: memref<2000x1xf32, #tpu.memory_space<vmem>>, %arg6: memref<128x128xf32, #tpu.memory_space<vmem>>, %arg7: memref<128x128xf32, #tpu.memory_space<vmem>>, %arg8: memref<2000x128xf32, #tpu.memory_space<vmem>>) attributes {dimension_semantics = [#tpu.dimension_semantics<arbitrary>], iteration_bounds = array<i64: 5>, scalar_prefetch = 0 : i64, scratch_operands = 0 : i64, tpu.core_type = #tpu.core_type<tc>, window_params = [{transform_indices = @transform_0, window_bounds = array<i64: 2000, 128>}, {transform_indices = @transform_1, window_bounds = array<i64: 2000, 128>}, {transform_indices = @transform_2, window_bounds = array<i64: 2000, 128>}, {transform_indices = @transform_3, window_bounds = array<i64: 2000, 1>}, {transform_indices = @transform_4, window_bounds = array<i64: 2000, 1>}, {pipeline_mode = #tpu.pipeline_mode<synchronous>, transform_indices = @transform_5, window_bounds = array<i64: 128, 128>}, {pipeline_mode = #tpu.pipeline_mode<synchronous>, transform_indices = @transform_6, window_bounds = array<i64: 128, 128>}, {transform_indices = @transform_7, window_bounds = array<i64: 2000, 128>}]} {
    %get3A = arith.constant 0 : index
    %get3A_0 = arith.constant 0 : index
    %get3A_1 = vector.load %arg2[%get3A, %get3A_0] : memref<2000x128xf32, #tpu.memory_space<vmem>>, vector<2000x128xf32>
    %get3A_2 = arith.constant 0 : index
    %get3A_3 = arith.constant 0 : index
    %get3A_4 = vector.load %arg3[%get3A_2, %get3A_3] : memref<2000x128xf32, #tpu.memory_space<vmem>>, vector<2000x128xf32>
    %add3A = arith.addf %get3A_1, %get3A_4 : vector<2000x128xf32>
    %get3A_5 = arith.constant 0 : index
    %get3A_6 = arith.constant 0 : index
    %get3A_7 = vector.load %arg4[%get3A_5, %get3A_6] : memref<2000x1xf32, #tpu.memory_space<vmem>>, vector<2000x1xf32>
    %get3A_8 = arith.constant 0 : index
    %get3A_9 = arith.constant 0 : index
    %get3A_10 = vector.load %arg5[%get3A_8, %get3A_9] : memref<2000x1xf32, #tpu.memory_space<vmem>>, vector<2000x1xf32>
    %add3A_11 = arith.addf %get3A_7, %get3A_10 : vector<2000x1xf32>
    %max3A = arith.constant 1.000000e+00 : f32
    %max3A_12 = vector.broadcast %max3A : f32 to vector<2000x1xf32>
    %max3A_13 = arith.maximumf %add3A_11, %max3A_12 : vector<2000x1xf32>
    %get3A_14 = arith.constant 0 : index
    %get3A_15 = arith.constant 0 : index
    %get3A_16 = vector.load %arg6[%get3A_14, %get3A_15] : memref<128x128xf32, #tpu.memory_space<vmem>>, vector<128x128xf32>
    %dot_general3A = arith.constant dense<0.000000e+00> : vector<2000x128xf32>
    %dot_general3A_17 = tpu.matmul %add3A, %get3A_16, %dot_general3A {dimension_numbers = #tpu.dot_dimension_numbers<[1], [0], [0], [1], [0, 0, 1, 1], [], []>, transpose_lhs_hint = false} : vector<2000x128xf32>, vector<128x128xf32>, vector<2000x128xf32> -> vector<2000x128xf32>
    %get3A_18 = arith.constant 0 : index
    %get3A_19 = arith.constant 0 : index
    %get3A_20 = vector.load %arg1[%get3A_18, %get3A_19] : memref<2000x128xf32, #tpu.memory_space<vmem>>, vector<2000x128xf32>
    %get3A_21 = arith.constant 0 : index
    %get3A_22 = arith.constant 0 : index
    %get3A_23 = vector.load %arg7[%get3A_21, %get3A_22] : memref<128x128xf32, #tpu.memory_space<vmem>>, vector<128x128xf32>
    %dot_general3A_24 = arith.constant dense<0.000000e+00> : vector<2000x128xf32>
    %dot_general3A_25 = tpu.matmul %get3A_20, %get3A_23, %dot_general3A_24 {dimension_numbers = #tpu.dot_dimension_numbers<[1], [0], [0], [1], [0, 0, 1, 1], [], []>, transpose_lhs_hint = false} : vector<2000x128xf32>, vector<128x128xf32>, vector<2000x128xf32> -> vector<2000x128xf32>
    %div3A = vector.broadcast %max3A_13 : vector<2000x1xf32> to vector<2000x128xf32>
    %div3A_26 = arith.divf %dot_general3A_17, %div3A : vector<2000x128xf32>
    %add3A_27 = arith.addf %dot_general3A_25, %div3A_26 : vector<2000x128xf32>
    %swap3A = arith.constant 0 : index
    %swap3A_28 = arith.constant 0 : index
    %swap3A_29 = vector.load %arg8[%swap3A, %swap3A_28] : memref<2000x128xf32, #tpu.memory_space<vmem>>, vector<2000x128xf32>
    tpu.vector_store %arg8[%swap3A, %swap3A_28], %add3A_27 {strides = array<i32>} : memref<2000x128xf32, #tpu.memory_space<vmem>>, vector<2000x128xf32>,
    return
  }
  func.func @transform_0(%arg0: i32) -> (i32, i32) {
    %c0_i32 = arith.constant 0 : i32
    %c0_i32_0 = arith.constant 0 : i32
    return %arg0, %c0_i32 : i32, i32
  }
  func.func @transform_1(%arg0: i32) -> (i32, i32) {
    %c0_i32 = arith.constant 0 : i32
    %c0_i32_0 = arith.constant 0 : i32
    return %arg0, %c0_i32 : i32, i32
  }
  func.func @transform_2(%arg0: i32) -> (i32, i32) {
    %c0_i32 = arith.constant 0 : i32
    %c0_i32_0 = arith.constant 0 : i32
    return %arg0, %c0_i32 : i32, i32
  }
  func.func @transform_3(%arg0: i32) -> (i32, i32) {
    %c0_i32 = arith.constant 0 : i32
    %c0_i32_0 = arith.constant 0 : i32
    return %arg0, %c0_i32 : i32, i32
  }
  func.func @transform_4(%arg0: i32) -> (i32, i32) {
    %c0_i32 = arith.constant 0 : i32
    %c0_i32_0 = arith.constant 0 : i32
    return %arg0, %c0_i32 : i32, i32
  }
  func.func @transform_5(%arg0: i32) -> (i32, i32) {
    %c0_i32 = arith.constant 0 : i32
    %c0_i32_0 = arith.constant 0 : i32
    %c0_i32_1 = arith.constant 0 : i32
    return %c0_i32, %c0_i32_0 : i32, i32
  }
  func.func @transform_6(%arg0: i32) -> (i32, i32) {
    %c0_i32 = arith.constant 0 : i32
    %c0_i32_0 = arith.constant 0 : i32
    %c0_i32_1 = arith.constant 0 : i32
    return %c0_i32, %c0_i32_0 : i32, i32
  }
  func.func @transform_7(%arg0: i32) -> (i32, i32) {
    %c0_i32 = arith.constant 0 : i32
    %c0_i32_0 = arith.constant 0 : i32
    return %arg0, %c0_i32 : i32, i32
  }
}

</mosaic_0001>

<sc_bundles>
// kernel: kernel.4.cloned.1.call-start
scs
__scs_entry_jumppad:
0x0: {  	(pc) =	sbr.rel $0x88, $3  }
0x1: {  	(tag) =	ssettag $0x0;
	lr =	simm.s32 $0x1  }
0x2: {  	[smem:$0x3F9C] =	sst lr;
	_ =	strace $0xD0000000  }
0x3: {  	_ = 	snop  }
0x4: {  	_ = 	snop  }
0x5: {  	_ = 	snop  }
0x6: {  	_ = 	snop  }
0x7: {  	_ = 	snop  }
__scs_overlays_trampoline_lowered:
0x8: {  	[smem:$0x3FAB] =	sst s0  }
0x9: {  	[smem:$0x3FAC] =	sst s1  }
0xa: {  	[smem:$0x3FAD] =	sst s2  }
0xb: {  	[smem:$0x3FAE] =	sst s3  }
0xc: {  	[smem:$0x3FAF] =	sst s4  }
0xd: {  	[smem:$0x3FB0] =	sst s5  }
0xe: {  	[smem:$0x3FB1] =	sst s6  }
0xf: {  	[smem:$0x3FB2] =	sst s7  }
0x10: {  	[smem:$0x3FB3] =	sst s8  }
0x11: {  	[smem:$0x3FB4] =	sst s9;
	s0 =	simm.s32 @!p0 $0x0  }
0x12: {  	s1 =	sld [smem:$0x3F9A];
	s0 =	simm.s32 @p0 $0x1  }
0x13: {  	[smem:$0x3FB5] =	sst s0;
	s0 =	simm.s32 @!p1 $0x0  }
0x14: {  	s2 =	sld [smem:$0x3F99];
	s0 =	simm.s32 @p1 $0x1  }
0x15: {  	[smem:$0x3FB6] =	sst s0;
	s0 =	simm.s32 @!p2 $0x0  }
0x16: {  	s3 =	sld [smem:$0x3FDB];
	s0 =	simm.s32 @p2 $0x1  }
0x17: {  	s4 =	simm.s32 $0x1BF5;
	[smem:$0x3FB8] =	sst s0  }
0x18: {  	s0 =	sld [smem:$0x3F9B];
	_ =	swait.ge [sflag:s4], $0x0  }
0x19: {  	s7 =	sld [smem:$0x3F9C]  }
0x1a: {  	s8 =	sadd.s32 $0xFFFFE003, lr  }
0x1b: {  	s9 =	sadd.s32 $0xFFFFFEF7, lr;
	s5 =	simm.s32 $0xFFFFFFFF;
	p2 =	slt.u32 s8, $0xFFFFF086  }
0x1c: {  	p1 =	slt.u32 s9, $0xF7A;
	s5 =	simm.s32 @!p2 $0x0  }
0x1d: {  	s5 =	simm.s32 @p1 $0x1;
	p0 =	seq.s32 s7, s2  }
0x1e: {  	s7 =	smul.u32 @!p0 $0xF7A, s2;
	p2 =	seq.s32 @!p0 s5, $0x0  }
0x1f: {  	s9 =	smul.u32 $0xF7A, s1;
	s8 =	simm.s32 @!p0 $0x1BF5;
	p2 =	por !p2, p0  }
0x20: {  	[sflag:s8] =	ssyncset.s32 @!p0 $0xFFFFF086;
	s6 =	sadd.s32 @!p0 s3, s7;
	s7 =	simm.s32 @!p0 $0x108  }
0x21: {  	s3 =	sadd.s32 s3, s9;
	s6 =	sadd.s32 @!p0 $0x88, s6;
	s7 =	simm.s32 @p2 $0x1082  }
0x22: {  	[simem:s7], [sflag:s8] =	dma.local @!p0 [hbm:s6], $0xF7A  }
0x23: {  	s9 =	sor.u32 $0xD0000000, s2;
	s6 =	simm.s32 $0x108;
	_ =	swait.ge @!p0 [sflag:s8], $0x0  }
0x24: {  	s3 =	sadd.s32 $0x88, s3;
	s6 =	simm.s32 @!p1 $0x1082;
	[sflag:s4] =	ssyncset.s32 $0xFFFFF086  }
0x25: {  	[simem:s6], [sflag:s4] =	dma.local [hbm:s3], $0xF7A  }
0x26: {  	[smem:$0x3F9C] =	sst s1;
	(tag) =	ssettag s2;
	_ =	strace s9  }
0x27: {  	s1 =	sld [smem:$0x3FAC]  }
0x28: {  	s2 =	sld [smem:$0x3FAD]  }
0x29: {  	s4 =	sld [smem:$0x3FAF]  }
0x2a: {  	p0 =	seq.s32 s5, $0x0;
	s5 =	sld [smem:$0x3FB0]  }
0x2b: {  	s6 =	sld [smem:$0x3FB1]  }
0x2c: {  	s7 =	sld [smem:$0x3FB2]  }
0x2d: {  	s3 =	simm.s32 $0x108;
	s8 =	sld [smem:$0x3FB3]  }
0x2e: {  	s3 =	simm.s32 @!p0 $0x1082;
	s9 =	sld [smem:$0x3FB4]  }
0x2f: {  	lr =	sadd.s32 s0, s3;
	s0 =	sld [smem:$0x3FAB]  }
0x30: {  	s3 =	sld [smem:$0x3FAE]  }
0x31: {  	[smem:$0x3FB7] =	sst s10  }
0x32: {  	s10 =	sld [smem:$0x3FB5];
	_ =	sdelay $0x3  }
0x33: {  	p0 =	seq.s32 s10, $0x1;
	s10 =	sld [smem:$0x3FB7];
	_ =	sdelay $0x3  }
0x34: {  	[smem:$0x3FB7] =	sst s10  }
0x35: {  	s10 =	sld [smem:$0x3FB6];
	_ =	sdelay $0x3  }
0x36: {  	p1 =	seq.s32 s10, $0x1;
	s10 =	sld [smem:$0x3FB7];
	_ =	sdelay $0x3  }
0x37: {  	[smem:$0x3FB7] =	sst s10  }
0x38: {  	s10 =	sld [smem:$0x3FB8]  }
0x39: {  	_ = 	snop;
	(pc) =	sbr.ind lr, $3  }
0x3a: {  	_ = 	snop  }
0x3b: {  	_ = 	snop  }
0x3c: {  	p2 =	seq.s32 s10, $0x1;
	s10 =	sld [smem:$0x3FB7]  }
0x3d: {  	_ =	shalt  }
0x3e: {  	_ =	shalt  }
0x3f: {  	_ =	shalt  }
0x40: {  	_ =	shalt  }
0x41: {  	_ =	shalt  }
0x42: {  	_ =	shalt  }
0x43: {  	_ =	shalt  }
0x44: {  	_ =	shalt  }
0x45: {  	_ =	shalt  }
0x46: {  	_ =	shalt  }
0x47: {  	_ =	shalt  }
0x48: {  	_ =	shalt  }
0x49: {  	_ =	shalt  }
0x4a: {  	_ =	shalt  }
0x4b: {  	_ =	shalt  }
0x4c: {  	_ =	shalt  }
0x4d: {  	_ =	shalt  }
0x4e: {  	_ =	shalt  }
0x4f: {  	_ =	shalt  }
0x50: {  	_ =	shalt  }
0x51: {  	_ =	shalt  }
0x52: {  	_ =	shalt  }
0x53: {  	_ =	shalt  }
0x54: {  	_ =	shalt  }
0x55: {  	_ =	shalt  }
0x56: {  	_ =	shalt  }
0x57: {  	_ =	shalt  }
0x58: {  	_ =	shalt  }
0x59: {  	_ =	shalt  }
0x5a: {  	_ =	shalt  }
0x5b: {  	_ =	shalt  }
0x5c: {  	_ =	shalt  }
0x5d: {  	_ =	shalt  }
0x5e: {  	_ =	shalt  }
0x5f: {  	_ =	shalt  }
0x60: {  	_ =	shalt  }
0x61: {  	_ =	shalt  }
0x62: {  	_ =	shalt  }
0x63: {  	_ =	shalt  }
0x64: {  	_ =	shalt  }
0x65: {  	_ =	shalt  }
0x66: {  	_ =	shalt  }
0x67: {  	_ =	shalt  }
0x68: {  	_ =	shalt  }
0x69: {  	_ =	shalt  }
0x6a: {  	_ =	shalt  }
0x6b: {  	_ =	shalt  }
0x6c: {  	_ =	shalt  }
0x6d: {  	_ =	shalt  }
0x6e: {  	_ =	shalt  }
0x6f: {  	_ =	shalt  }
0x70: {  	_ =	shalt  }
0x71: {  	_ =	shalt  }
0x72: {  	_ =	shalt  }
0x73: {  	_ =	shalt  }
0x74: {  	_ =	shalt  }
0x75: {  	_ =	shalt  }
0x76: {  	_ =	shalt  }
0x77: {  	_ =	shalt  }
0x78: {  	_ =	shalt  }
0x79: {  	_ =	shalt  }
0x7a: {  	_ =	shalt  }
0x7b: {  	_ =	shalt  }
0x7c: {  	_ =	shalt  }
0x7d: {  	_ =	shalt  }
0x7e: {  	_ =	shalt  }
0x7f: {  	_ =	shalt  }
0x80: {  	_ =	shalt  }
0x81: {  	_ =	shalt  }
0x82: {  	_ =	shalt  }
0x83: {  	_ =	shalt  }
0x84: {  	_ =	shalt  }
0x85: {  	_ =	shalt  }
0x86: {  	_ =	shalt  }
0x87: {  	_ =	shalt  }
.Lfunc_end0:
.L_simem_size_0:
called_computation_lowered:
.L_overlay_start_0:
0x88: {  	s2 =	sld [smem:$0x3FD9]  }
0x89: {  	s3 =	sld [smem:$0x3FFE];
	_ =	sdelay $0x1  }
0x8a: {  	s1 =	srdreg.scid  }
0x8b: {  	s0 =	sand.u32 $0x1, s1  }
0x8c: {  	s17 =	sshll.u32 s0, $0xA;
	s2 =	sadd.s32 s3, s2  }
0x8d: {  	s2 =	sadd.s32 s2, s17  }
0x8e: {  	[smem:$0x3FC3] =	sst s2  }
0x8f: {  	_ = 	snop  }
0x90: {  	s2 =	sld [smem:$0x3FC9]  }
0x91: {  	s18 =	sld [smem:$0x3FD0];
	(tm) =	ssettm $0x1  }
0x92: {  	s4 =	sld [smem:$0x3FFB];
	_ =	sdelay $0x3  }
0x93: {  	_ =	strace s4  }
0x94: {  	s4 =	sld [smem:$0x3FFC];
	_ =	sdelay $0x3  }
0x95: {  	_ =	strace s4  }
0x96: {  	s4 =	sld [smem:$0x3FFD];
	_ =	sdelay $0x3  }
0x97: {  	_ =	strace s4  }
0x98: {  	_ =	strace $0x8FFFFFFF  }
0x99: {  	s19 =	sld [smem:$0x3FDB];
	_ =	sdelay $0x1  }
0x9a: {  	s5 =	simm.s32 $_scs_section_size  }
0x9b: {  	s6 =	simm.s32 $_size__tile_overlayer_lowered;
	s7 =	simm.s32 $_tile_overlayer_lowered  }
0x9c: {  	s22 =	simm.s32 $0x1BFF;
	s21 =	sshll.u32 s7, $0x1;
	s4 =	sadd.s32 s5, s19  }
0x9d: {  	s8 =	simm.s32 $0x0;
	s20 =	sshll.u32 s6, $0x1;
	s6 =	sadd.s32 s21, s4  }
0x9e: {  	[timem:s8], [sflag:s22] =	dma.local [hbm:s6], s20  }
0x9f: {  	_ =	swait.ge [sflag:s22], s20  }
0xa0: {  	s5 =	ssub.s32 $0x0, s20;
	[sflag:s22] =	ssyncset.done $0x0  }
0xa1: {  	[sflag:s22] =	ssyncadd.s32 s5;
	_ =	sdelay $0x1  }
0xa2: {  	s23 =	simm.s32 $0x1B8B  }
0xa3: {  	_ =	swait.ge [sflag:s23], $0x1  }
0xa4: {  	[sflag:s23] =	ssyncset.done $0x0  }
0xa5: {  	s25 =	simm.s32 $0x1B8E;
	s24 =	sld [smem:$0x3FFE];
	[sflag:s23] =	ssyncadd.s32 $0xFFFFFFFF  }
0xa6: {  	s26 =	simm.s32 $execute0_lowered;
	[smem:$0x3FD2] =	sst s25  }
0xa7: {  	s6 =	sshll.u32 s26, $0x1;
	_ =	strace $0x80000046;
	[dreg:$0x1] =	wrdreg $0xFFFFFFFF  }
0xa8: {  	s28 =	simm.s32 $_size_execute0_lowered;
	s4 =	sadd.s32 s4, s6;
	[dreg:$0x0] =	wrdreg $0x0  }
0xa9: {  	s6 =	sshll.u32 s28, $0x1;
	[dreg:$0x2] =	wrdreg s4  }
0xaa: {  	[dreg:$0x3] =	wrdreg s6  }
0xab: {  	[dreg:$0x4] =	wrdreg $0xC0  }
0xac: {  	_ =	task [dreg:s8], $0x5FFFF  }
0xad: {  	[dreg:$0x1] =	wrdreg $0xFFFFFFFF  }
0xae: {  	[dreg:$0x0] =	wrdreg $0x60  }
0xaf: {  	[dreg:$0x2] =	wrdreg s2  }
0xb0: {  	[dreg:$0x3] =	wrdreg s18  }
0xb1: {  	[dreg:$0x4] =	wrdreg s24  }
0xb2: {  	[dreg:$0x5] =	wrdreg $0xBB000  }
0xb3: {  	[dreg:$0x6] =	wrdreg $0x1F7000  }
0xb4: {  	[dreg:$0x7] =	wrdreg $0x9  }
0xb5: {  	_ =	task.clear_ibuf [dreg:s8], $0x8FFFF;
	_ =	strace $0x90000046  }
0xb6: {  	s29 =	simm.s32 $0x9;
	_ =	strace $0x80000048  }
0xb7: {  	_ =	swait.ge [sflag:s29], $0x1  }
0xb8: {  	[sflag:s29] =	ssyncadd.s32 $0xFFFFFFFF  }
0xb9: {  	_ =	strace $0x90000048  }
0xba: {  	_ =	sfence  }
0xbb: {  	s30 =	sld [smem:$0x0];
	_ =	sdelay $0x2  }
0xbc: {  	s31 =	sshll.u32 s1, $0xD;
	s1 =	sshrl.u32 s1, $0x2  }
0xbd: {  	s3 =	sand.u32 $0x4000, s31;
	s1 =	sadd.s32 s1, s30  }
0xbe: {  	s0 =	sor.u32 s3, s0;
	s1 =	sshll.u32 s1, $0x11  }
0xbf: {  	s0 =	sor.u32 s1, s0  }
0xc0: {  	s0 =	sadd.s32 $0x8F2B, s0  }
0xc1: {  	[sflag:s0] =	ssyncadd.remote.s32 $0x1  }
0xc2: {  	_ =	sfence.sel $0xFFFF  }
0xc3: {  	[dreg:$0x0] =	wrdreg $0xFFFFFFFF;
	(pc) =	sbr.abs _section_cstart, $3  }
0xc4: {  	[dreg:$0x1] =	wrdreg $0xFFFFFFFF  }
0xc5: {  	_ =	task.clear_ibuf [dreg:s8], $0x2FFFF;
	_ =	strace $0x9FFFFFFF  }
0xc6: {  	(tm) =	ssettm $0x7FFFFFFF  }
0xc7: {  	_ =	shalt  }
tec
execute0_lowered:
.L_overlay_start_1:
0x0: {  	(tag) =	ssettag $0x1  }
0x1: {  	s1 =	rddreg [dreg:$0x0]  }
0x2: {  	s0 =	srdreg.scid;
	s5 =	rddreg [dreg:$0x1]  }
0x3: {  	s6 =	rddreg [dreg:$0x2];
	s2 =	sand.u32 $0x1, s0  }
0x4: {  	s0 =	stileid.u32;
	s7 =	smul.u32 $0x13C000, s2  }
0x5: {  	s4 =	rddreg [dreg:$0x4];
	s9 =	simm.s32 $0x0;
	s8 =	smul.u32 $0x13C00, s0  }
0x6: {  	s28 =	simm.s32 $0xB800;
	s29 =	simm.s32 $0xB880;
	s11 =	smul.u32 $0x278, s0  }
0x7: {  	s30 =	simm.s32 $0x0;
	s3 =	sshll.u32 s2, $0x4;
	s19 =	smul.u32 $0x2780, s2  }
0x8: {  	s21 =	smul.u32 $0x4F000, s0;
	s2 =	ssub.s32 $0x2, s2;
	s3 =	sor.u32 s0, s3  }
0x9: {  	[smem:$0x7FF] =	sst s9;
	s23 =	sshrl.u32 s2, $0x1;
	s16 =	smul.u32 $0x500, s3  }
0xa: {  	s3 =	rddreg [dreg:$0x3];
	_ =	strace $0x80000047;
	s7 =	sadd.s32 s8, s7  }
0xb: {  	s20 =	sadd.s32 s11, s19;
	s24 =	sshrl.u32 s21, $0x2;
	s2 =	ssub.s32 s2, s23  }
0xc: {  	s25 =	sadd.s32 $0x80, s11;
	s12 =	sadd.s32 $0x100, s11;
	s13 =	sadd.s32 $0x180, s11  }
0xd: {  	s15 =	sadd.s32 $0x200, s11;
	s23 =	simm.s32 $0x1;
	s7 =	sshrl.u32 s7, $0x3  }
0xe: {  	s22 =	sshrl.u32 s20, $0x3;
	s26 =	sshll.u32 s25, $0x7;
	s9 =	sadd.s32 s25, s4  }
0xf: {  	s10 =	sshll.u32 s12, $0x7;
	s31 =	sshll.u32 s13, $0x7;
	s14 =	sshll.u32 s15, $0x7  }
0x10: {  	s13 =	sadd.s32 s13, s4;
	s15 =	sadd.s32 s15, s4;
	s21 =	smax.u32 s2, $0x1  }
0x11: {  	s25 =	simm.s32 $0x5000;
	s18 =	sadd.s32 s16, s6;
	s19 =	sadd.s32 s7, s6  }
0x12: {  	s20 =	sadd.s32 s22, s6;
	s6 =	sadd.s32 s24, s3;
	s7 =	sadd.s32 s11, s4  }
0x13: {  	s8 =	sadd.s32 s26, s3;
	s10 =	sadd.s32 s10, s3;
	s11 =	sadd.s32 s12, s4  }
0x14: {  	s12 =	sadd.s32 s31, s3;
	s14 =	sadd.s32 s14, s3;
	s16 =	sadd.s32 s5, s16  }
0x15: {  	s22 =	simm.s32 $0x7800;
	s26 =	simm.s32 $0x80;
	s17 =	sadd.s32 $0xB400, s18  }
0x16: {  	v0 =	vimm.f32 $0.0e+00;
	v1 =	vimm.f32 $1.000000000e+00;
	s18 =	sadd.s32 $0x1400, s18;
	s19 =	sadd.s32 $0x15400, s19;
	s20 =	sadd.s32 $0x64400, s20  }
.LBB2_1:
0x17: {  	s2 =	simm.s32 $0x0;
	s5 =	simm.s32 $0x200  }
.LBB2_2:
0x18: {  	p0 =	sne.s32 s5, $0xFE00;
	[tilespmem:s2+$0x7870] =	vst v0  }
0x19: {  	[tilespmem:s2+$0x7800] =	vst v0  }
0x1a: {  	[tilespmem:s2+$0x7810] =	vst v0  }
.Ltmp0:
0x1b: {  	[tilespmem:s2+$0x7820] =	vst v0;
	(pc) =	sbr.rel @p0 .LBB2_2-.Ltmp0, $4  }
0x1c: {  	[tilespmem:s2+$0x7830] =	vst v0  }
0x1d: {  	[tilespmem:s2+$0x7840] =	vst v0  }
0x1e: {  	[tilespmem:s2+$0x7850] =	vst v0  }
0x1f: {  	[tilespmem:s2+$0x7860] =	vst v0;
	s2 =	sshra.s32 s5, $0x2;
	s5 =	sadd.s32 $0x200, s5  }
0x20: {  	[tilespmem:s2+$0x7870] =	vst v0  }
0x21: {  	[tilespmem:s2+$0x7800] =	vst v0  }
0x22: {  	[tilespmem:s2+$0x7810] =	vst v0  }
0x23: {  	[tilespmem:s2+$0x7820] =	vst v0  }
0x24: {  	[tilespmem:s2+$0x7830] =	vst v0  }
0x25: {  	[tilespmem:s2+$0x7840] =	vst v0  }
0x26: {  	[tilespmem:s2+$0x7850] =	vst v0  }
0x27: {  	[tilespmem:s2+$0x7860] =	vst v0  }
0x28: {  	[tilespmem:$0xB800] =	vst v1  }
0x29: {  	[tilespmem:$0xB810] =	vst v1  }
0x2a: {  	[tilespmem:$0xB820] =	vst v1  }
0x2b: {  	[tilespmem:$0xB830] =	vst v1  }
0x2c: {  	[tilespmem:$0xB840] =	vst v1  }
0x2d: {  	[tilespmem:$0xB850] =	vst v1  }
0x2e: {  	[tilespmem:$0xB860] =	vst v1  }
0x2f: {  	[tilespmem:$0xB870] =	vst v1  }
0x30: {  	[spmem:s6] =	stream.linear.scatter [tilespmem:s22], [sflag:$0x1], $0x4000, $0x38;
	[tilespmem:$0x1F978] =	vst v63  }
0x31: {  	_ =	swait.ge [sflag:s23], $0x4000  }
0x32: {  	[sflag:s23] =	ssyncset.done $0x0  }
0x33: {  	[sflag:s23] =	ssyncadd.s32 $0xFFFFC000  }
0x34: {  	[spmem:s7] =	stream.linear.scatter [tilespmem:s22], [sflag:$0x1], $0x80, $0x38;
	[tilespmem:$0x1F978] =	vst v63  }
0x35: {  	_ =	swait.ge [sflag:s23], $0x80  }
0x36: {  	[sflag:s23] =	ssyncset.done $0x0  }
0x37: {  	[sflag:s23] =	ssyncadd.s32 $0xFFFFFF80  }
0x38: {  	[spmem:s8] =	stream.linear.scatter [tilespmem:s22], [sflag:$0x1], $0x4000, $0x38;
	[tilespmem:$0x1F978] =	vst v63  }
0x39: {  	_ =	swait.ge [sflag:s23], $0x4000  }
0x3a: {  	[sflag:s23] =	ssyncset.done $0x0  }
0x3b: {  	[sflag:s23] =	ssyncadd.s32 $0xFFFFC000  }
0x3c: {  	[spmem:s9] =	stream.linear.scatter [tilespmem:s22], [sflag:$0x1], $0x80, $0x38;
	[tilespmem:$0x1F978] =	vst v63  }
0x3d: {  	_ =	swait.ge [sflag:s23], $0x80  }
0x3e: {  	[sflag:s23] =	ssyncset.done $0x0  }
0x3f: {  	[sflag:s23] =	ssyncadd.s32 $0xFFFFFF80  }
0x40: {  	[spmem:s10] =	stream.linear.scatter [tilespmem:s22], [sflag:$0x1], $0x4000, $0x38;
	[tilespmem:$0x1F978] =	vst v63  }
0x41: {  	_ =	swait.ge [sflag:s23], $0x4000  }
0x42: {  	[sflag:s23] =	ssyncset.done $0x0  }
0x43: {  	[sflag:s23] =	ssyncadd.s32 $0xFFFFC000  }
0x44: {  	[spmem:s11] =	stream.linear.scatter [tilespmem:s22], [sflag:$0x1], $0x80, $0x38;
	[tilespmem:$0x1F978] =	vst v63  }
0x45: {  	_ =	swait.ge [sflag:s23], $0x80  }
0x46: {  	[sflag:s23] =	ssyncset.done $0x0  }
0x47: {  	[sflag:s23] =	ssyncadd.s32 $0xFFFFFF80  }
0x48: {  	[spmem:s12] =	stream.linear.scatter [tilespmem:s22], [sflag:$0x1], $0x4000, $0x38;
	[tilespmem:$0x1F978] =	vst v63  }
0x49: {  	_ =	swait.ge [sflag:s23], $0x4000  }
0x4a: {  	[sflag:s23] =	ssyncset.done $0x0  }
0x4b: {  	[sflag:s23] =	ssyncadd.s32 $0xFFFFC000  }
0x4c: {  	[spmem:s13] =	stream.linear.scatter [tilespmem:s22], [sflag:$0x1], $0x80, $0x38;
	[tilespmem:$0x1F978] =	vst v63  }
0x4d: {  	_ =	swait.ge [sflag:s23], $0x80  }
0x4e: {  	[sflag:s23] =	ssyncset.done $0x0  }
0x4f: {  	[sflag:s23] =	ssyncadd.s32 $0xFFFFFF80  }
0x50: {  	[spmem:s14] =	stream.linear.scatter [tilespmem:s22], [sflag:$0x1], $0x3C00, $0x38;
	[tilespmem:$0x1F978] =	vst v63  }
0x51: {  	_ =	swait.ge [sflag:s23], $0x3C00  }
0x52: {  	[sflag:s23] =	ssyncset.done $0x0  }
0x53: {  	[sflag:s23] =	ssyncadd.s32 $0xFFFFC400  }
0x54: {  	[spmem:s15] =	stream.linear.scatter [tilespmem:s22], [sflag:$0x1], $0x78, $0x38;
	[tilespmem:$0x1F978] =	vst v63  }
0x55: {  	_ =	swait.ge [sflag:s23], $0x78  }
0x56: {  	[sflag:s23] =	ssyncset.done $0x0  }
0x57: {  	[sflag:s23] =	ssyncadd.s32 $0xFFFFFF88  }
0x58: {  	s31 =	simm.s32 $0x0;
	[bflag:$0x0] =	sbarrier.arrive $0xFFFF  }
0x59: {  	[tilespmem:s31], [sflag:$0x1] =	stream.linear.gather [hbm4b:s16+s31], $0x2780, $0x38;
	[tilespmem:$0x1F978] =	vst v63  }
0x5a: {  	_ =	swait.ge [sflag:s23], $0x2780  }
0x5b: {  	[sflag:s23] =	ssyncset.done $0x0  }
0x5c: {  	s24 =	simm.s32 $0x2800;
	[sflag:s23] =	ssyncadd.s32 $0xFFFFD880  }
0x5d: {  	[tilespmem:s24], [sflag:$0x1] =	stream.linear.gather [hbm4b:s17+s31], $0x2780, $0x38;
	[tilespmem:$0x1F978] =	vst v63  }
0x5e: {  	_ =	swait.ge [sflag:s23], $0x2780  }
0x5f: {  	[sflag:s23] =	ssyncset.done $0x0  }
0x60: {  	[sflag:s23] =	ssyncadd.s32 $0xFFFFD880  }
0x61: {  	[tilespmem:s25], [sflag:$0x1] =	stream.linear.gather [hbm4b:s18+s31], $0x2780, $0x38;
	[tilespmem:$0x1F978] =	vst v63  }
0x62: {  	_ =	swait.ge [sflag:s23], $0x2780  }
0x63: {  	[sflag:s23] =	ssyncset.done $0x0  }
0x64: {  	[sflag:s23] =	ssyncadd.s32 $0xFFFFD880  }
.LBB2_4:
0x65: {  	s2 =	sshll.u32 s31, $0x7  }
0x66: {  	[tilespmem:s22], [sflag:$0x1] =	stream.indirect.gather [hbm4b:s1+s26], $0x80, s2, s26, $0xb8;
	[tilespmem:$0x1F978] =	vst v63  }
0x67: {  	s5 =	sadd.s32 $0x5000, s2  }
0x68: {  	_ =	swait.ge [sflag:s23], $0x4000;
	v2 =	vmov s5  }
0x69: {  	[sflag:s23] =	ssyncset.done $0x0  }
0x6a: {  	s5 =	simm.s32 $0x0;
	[sflag:s23] =	ssyncadd.s32 $0xFFFFC000  }
.LBB2_5:
0x6b: {  	s24 =	sshll.u32 s5, $0x4  }
0x6c: {  	s24 =	sand.u32 $0x3FFFFFF0, s24  }
0x6d: {  	v3 =	vld.idx.msk [tilespmem:v2+s24+$0x0 ss:$0x1], $0xffff;
	s24 =	sshll.u32 s5, $0xB  }
0x6e: {  	s24 =	sand.u32 $0x3FFFF800, s24  }
0x6f: {  	v4 =	vld [tilespmem:s24+$0x7800]  }
0x70: {  	v5 =	vld [tilespmem:s24+$0x7810]  }
0x71: {  	v6 =	vld [tilespmem:s24+$0x7820]  }
0x72: {  	v8 =	vld [tilespmem:s24+$0x7830];
	v7 =	vbroadcast v3, $0x0  }
0x73: {  	v9 =	vld [tilespmem:s24+$0x7840]  }
0x74: {  	v10 =	vld [tilespmem:s24+$0x7850];
	v4 =	vmul.f32 v7, v4  }
0x75: {  	v11 =	vld [tilespmem:s24+$0x7860];
	v5 =	vmul.f32 v5, v7  }
0x76: {  	v55 =	vld [tilespmem:s24+$0x7870];
	v54 =	vmul.f32 v6, v7;
	[tilespmem:s24+$0x7800] =	vst v4  }
0x77: {  	v57 =	vld [tilespmem:s24+$0x7880];
	v56 =	vmul.f32 v8, v7;
	[tilespmem:s24+$0x7810] =	vst v5  }
0x78: {  	v59 =	vld [tilespmem:s24+$0x7890];
	v58 =	vmul.f32 v9, v7;
	[tilespmem:s24+$0x7820] =	vst v54  }
0x79: {  	v61 =	vld [tilespmem:s24+$0x78A0];
	v60 =	vmul.f32 v10, v7;
	[tilespmem:s24+$0x7830] =	vst v56  }
0x7a: {  	v12 =	vld [tilespmem:s24+$0x78B0];
	v63 =	vbroadcast v3, $0x1;
	v62 =	vmul.f32 v11, v7;
	[tilespmem:s24+$0x7840] =	vst v58  }
0x7b: {  	v14 =	vld [tilespmem:s24+$0x78C0];
	v13 =	vmul.f32 v55, v7;
	[tilespmem:s24+$0x7850] =	vst v60  }
0x7c: {  	v16 =	vld [tilespmem:s24+$0x78D0];
	v15 =	vmul.f32 v57, v63;
	[tilespmem:s24+$0x7860] =	vst v62  }
0x7d: {  	v18 =	vld [tilespmem:s24+$0x78E0];
	v17 =	vmul.f32 v59, v63;
	[tilespmem:s24+$0x7870] =	vst v13  }
0x7e: {  	v20 =	vld [tilespmem:s24+$0x78F0];
	v19 =	vmul.f32 v61, v63;
	[tilespmem:s24+$0x7880] =	vst v15  }
0x7f: {  	v22 =	vld [tilespmem:s24+$0x7900];
	v21 =	vmul.f32 v12, v63;
	[tilespmem:s24+$0x7890] =	vst v17  }
0x80: {  	v24 =	vld [tilespmem:s24+$0x7910];
	v23 =	vmul.f32 v14, v63;
	[tilespmem:s24+$0x78A0] =	vst v19  }
0x81: {  	v26 =	vld [tilespmem:s24+$0x7920];
	v25 =	vmul.f32 v16, v63;
	[tilespmem:s24+$0x78B0] =	vst v21  }
0x82: {  	v29 =	vld [tilespmem:s24+$0x7930];
	v28 =	vbroadcast v3, $0x2;
	v27 =	vmul.f32 v18, v63;
	[tilespmem:s24+$0x78C0] =	vst v23  }
0x83: {  	v31 =	vld [tilespmem:s24+$0x7940];
	v30 =	vmul.f32 v20, v63;
	[tilespmem:s24+$0x78D0] =	vst v25  }
0x84: {  	v33 =	vld [tilespmem:s24+$0x7950];
	v32 =	vmul.f32 v22, v28;
	[tilespmem:s24+$0x78E0] =	vst v27  }
0x85: {  	v35 =	vld [tilespmem:s24+$0x7960];
	v34 =	vmul.f32 v24, v28;
	[tilespmem:s24+$0x78F0] =	vst v30  }
0x86: {  	v37 =	vld [tilespmem:s24+$0x7970];
	v36 =	vmul.f32 v26, v28;
	[tilespmem:s24+$0x7900] =	vst v32  }
0x87: {  	v39 =	vld [tilespmem:s24+$0x7980];
	v38 =	vmul.f32 v29, v28;
	[tilespmem:s24+$0x7910] =	vst v34  }
0x88: {  	v41 =	vld [tilespmem:s24+$0x7990];
	v40 =	vmul.f32 v31, v28;
	[tilespmem:s24+$0x7920] =	vst v36  }
0x89: {  	v43 =	vld [tilespmem:s24+$0x79A0];
	v42 =	vmul.f32 v33, v28;
	[tilespmem:s24+$0x7930] =	vst v38  }
0x8a: {  	v46 =	vld [tilespmem:s24+$0x79B0];
	v45 =	vbroadcast v3, $0x3;
	v44 =	vmul.f32 v35, v28;
	[tilespmem:s24+$0x7940] =	vst v40  }
0x8b: {  	v48 =	vld [tilespmem:s24+$0x79C0];
	v47 =	vmul.f32 v37, v28;
	[tilespmem:s24+$0x7950] =	vst v42  }
0x8c: {  	v50 =	vld [tilespmem:s24+$0x79D0];
	v49 =	vmul.f32 v39, v45;
	[tilespmem:s24+$0x7960] =	vst v44  }
0x8d: {  	v52 =	vld [tilespmem:s24+$0x79E0];
	v51 =	vmul.f32 v41, v45;
	[tilespmem:s24+$0x7970] =	vst v47  }
0x8e: {  	v53 =	vmul.f32 v43, v45;
	v63 =	vld [tilespmem:s24+$0x7A30];
	[tilespmem:s24+$0x7980] =	vst v49  }
0x8f: {  	v55 =	vmul.f32 v46, v45;
	v14 =	vld [tilespmem:s24+$0x7A40];
	[tilespmem:s24+$0x7990] =	vst v51  }
0x90: {  	v57 =	vmul.f32 v48, v45;
	v16 =	vld [tilespmem:s24+$0x7A50];
	[tilespmem:s24+$0x79A0] =	vst v53  }
0x91: {  	v59 =	vmul.f32 v50, v45;
	v18 =	vld [tilespmem:s24+$0x7A60];
	[tilespmem:s24+$0x79B0] =	vst v55;
	v62 =	vbroadcast v3, $0x4  }
0x92: {  	v61 =	vmul.f32 v52, v45;
	v20 =	vld [tilespmem:s24+$0x7A70];
	[tilespmem:s24+$0x79C0] =	vst v57  }
0x93: {  	v22 =	vld [tilespmem:s24+$0x7A80];
	[tilespmem:s24+$0x79D0] =	vst v59;
	v21 =	vmul.f32 v63, v62  }
0x94: {  	v24 =	vld [tilespmem:s24+$0x7A90];
	[tilespmem:s24+$0x79E0] =	vst v61;
	v23 =	vmul.f32 v14, v62  }
0x95: {  	v26 =	vld [tilespmem:s24+$0x7AA0];
	v25 =	vmul.f32 v16, v62;
	[tilespmem:s24+$0x7A30] =	vst v21  }
0x96: {  	v28 =	vbroadcast v3, $0x5;
	v29 =	vld [tilespmem:s24+$0x7AB0];
	v27 =	vmul.f32 v18, v62;
	[tilespmem:s24+$0x7A40] =	vst v23  }
0x97: {  	v31 =	vld [tilespmem:s24+$0x7AC0];
	v30 =	vmul.f32 v20, v62;
	[tilespmem:s24+$0x7A50] =	vst v25  }
0x98: {  	v33 =	vld [tilespmem:s24+$0x7AD0];
	v32 =	vmul.f32 v22, v28;
	[tilespmem:s24+$0x7A60] =	vst v27  }
0x99: {  	v35 =	vld [tilespmem:s24+$0x7AE0];
	v34 =	vmul.f32 v24, v28;
	[tilespmem:s24+$0x7A70] =	vst v30  }
0x9a: {  	v37 =	vld [tilespmem:s24+$0x7AF0];
	v36 =	vmul.f32 v26, v28;
	[tilespmem:s24+$0x7A80] =	vst v32  }
0x9b: {  	v54 =	vld [tilespmem:s24+$0x79F0];
	v38 =	vmul.f32 v29, v28;
	[tilespmem:s24+$0x7A90] =	vst v34  }
0x9c: {  	v56 =	vld [tilespmem:s24+$0x7A00];
	v40 =	vmul.f32 v31, v28;
	[tilespmem:s24+$0x7AA0] =	vst v36  }
0x9d: {  	v58 =	vld [tilespmem:s24+$0x7A10];
	v42 =	vmul.f32 v33, v28;
	[tilespmem:s24+$0x7AB0] =	vst v38  }
0x9e: {  	v60 =	vld [tilespmem:s24+$0x7A20];
	v44 =	vmul.f32 v35, v28;
	[tilespmem:s24+$0x7AC0] =	vst v40  }
0x9f: {  	v39 =	vld [tilespmem:s24+$0x7B00];
	v47 =	vmul.f32 v37, v28;
	[tilespmem:s24+$0x7AD0] =	vst v42  }
0xa0: {  	v41 =	vld [tilespmem:s24+$0x7B10];
	v13 =	vmul.f32 v54, v45;
	[tilespmem:s24+$0x7AE0] =	vst v44  }
0xa1: {  	v43 =	vld [tilespmem:s24+$0x7B20];
	v15 =	vmul.f32 v56, v62;
	[tilespmem:s24+$0x7AF0] =	vst v47  }
0xa2: {  	v46 =	vld [tilespmem:s24+$0x7B30];
	v17 =	vmul.f32 v58, v62;
	v45 =	vbroadcast v3, $0x6;
	[tilespmem:s24+$0x79F0] =	vst v13  }
0xa3: {  	v48 =	vld [tilespmem:s24+$0x7B40];
	v19 =	vmul.f32 v60, v62;
	[tilespmem:s24+$0x7A00] =	vst v15  }
0xa4: {  	v50 =	vld [tilespmem:s24+$0x7B50];
	[tilespmem:s24+$0x7A10] =	vst v17;
	v49 =	vmul.f32 v39, v45  }
0xa5: {  	v52 =	vld [tilespmem:s24+$0x7B60];
	[tilespmem:s24+$0x7A20] =	vst v19;
	v51 =	vmul.f32 v41, v45  }
0xa6: {  	v63 =	vld [tilespmem:s24+$0x7BB0];
	v53 =	vmul.f32 v43, v45;
	[tilespmem:s24+$0x7B00] =	vst v49  }
0xa7: {  	v14 =	vld [tilespmem:s24+$0x7BC0];
	v55 =	vmul.f32 v46, v45;
	[tilespmem:s24+$0x7B10] =	vst v51  }
0xa8: {  	v16 =	vld [tilespmem:s24+$0x7BD0];
	v57 =	vmul.f32 v48, v45;
	[tilespmem:s24+$0x7B20] =	vst v53  }
0xa9: {  	v18 =	vld [tilespmem:s24+$0x7BE0];
	v62 =	vbroadcast v3, $0x7;
	v59 =	vmul.f32 v50, v45;
	[tilespmem:s24+$0x7B30] =	vst v55  }
0xaa: {  	v20 =	vld [tilespmem:s24+$0x7BF0];
	v61 =	vmul.f32 v52, v45;
	[tilespmem:s24+$0x7B40] =	vst v57  }
0xab: {  	v22 =	vld [tilespmem:s24+$0x7C00];
	v21 =	vmul.f32 v63, v62;
	[tilespmem:s24+$0x7B50] =	vst v59  }
0xac: {  	v24 =	vld [tilespmem:s24+$0x7C10];
	v23 =	vmul.f32 v14, v62;
	[tilespmem:s24+$0x7B60] =	vst v61  }
0xad: {  	v26 =	vld [tilespmem:s24+$0x7C20];
	v25 =	vmul.f32 v16, v62;
	[tilespmem:s24+$0x7BB0] =	vst v21  }
0xae: {  	v28 =	vbroadcast v3, $0x8;
	v29 =	vld [tilespmem:s24+$0x7C30];
	v27 =	vmul.f32 v18, v62;
	[tilespmem:s24+$0x7BC0] =	vst v23  }
0xaf: {  	v31 =	vld [tilespmem:s24+$0x7C40];
	v30 =	vmul.f32 v20, v62;
	[tilespmem:s24+$0x7BD0] =	vst v25  }
0xb0: {  	v33 =	vld [tilespmem:s24+$0x7C50];
	v32 =	vmul.f32 v22, v28;
	[tilespmem:s24+$0x7BE0] =	vst v27  }
0xb1: {  	v35 =	vld [tilespmem:s24+$0x7C60];
	v34 =	vmul.f32 v24, v28;
	[tilespmem:s24+$0x7BF0] =	vst v30  }
0xb2: {  	v37 =	vld [tilespmem:s24+$0x7C70];
	v36 =	vmul.f32 v26, v28;
	[tilespmem:s24+$0x7C00] =	vst v32  }
0xb3: {  	v54 =	vld [tilespmem:s24+$0x7B70];
	v38 =	vmul.f32 v29, v28;
	[tilespmem:s24+$0x7C10] =	vst v34  }
0xb4: {  	v56 =	vld [tilespmem:s24+$0x7B80];
	v40 =	vmul.f32 v31, v28;
	[tilespmem:s24+$0x7C20] =	vst v36  }
0xb5: {  	v58 =	vld [tilespmem:s24+$0x7B90];
	v42 =	vmul.f32 v33, v28;
	[tilespmem:s24+$0x7C30] =	vst v38  }
0xb6: {  	v60 =	vld [tilespmem:s24+$0x7BA0];
	v44 =	vmul.f32 v35, v28;
	[tilespmem:s24+$0x7C40] =	vst v40  }
0xb7: {  	v39 =	vld [tilespmem:s24+$0x7C80];
	v47 =	vmul.f32 v37, v28;
	[tilespmem:s24+$0x7C50] =	vst v42  }
0xb8: {  	v41 =	vld [tilespmem:s24+$0x7C90];
	v13 =	vmul.f32 v54, v45;
	[tilespmem:s24+$0x7C60] =	vst v44  }
0xb9: {  	v43 =	vld [tilespmem:s24+$0x7CA0];
	v15 =	vmul.f32 v56, v62;
	[tilespmem:s24+$0x7C70] =	vst v47  }
0xba: {  	v46 =	vld [tilespmem:s24+$0x7CB0];
	v17 =	vmul.f32 v58, v62;
	v45 =	vbroadcast v3, $0x9;
	[tilespmem:s24+$0x7B70] =	vst v13  }
0xbb: {  	v48 =	vld [tilespmem:s24+$0x7CC0];
	v19 =	vmul.f32 v60, v62;
	[tilespmem:s24+$0x7B80] =	vst v15  }
0xbc: {  	v50 =	vld [tilespmem:s24+$0x7CD0];
	[tilespmem:s24+$0x7B90] =	vst v17;
	v49 =	vmul.f32 v39, v45  }
0xbd: {  	v52 =	vld [tilespmem:s24+$0x7CE0];
	[tilespmem:s24+$0x7BA0] =	vst v19;
	v51 =	vmul.f32 v41, v45  }
0xbe: {  	v63 =	vld [tilespmem:s24+$0x7D30];
	v53 =	vmul.f32 v43, v45;
	[tilespmem:s24+$0x7C80] =	vst v49  }
0xbf: {  	v29 =	vld [tilespmem:s24+$0x7DA0];
	v55 =	vmul.f32 v46, v45;
	[tilespmem:s24+$0x7C90] =	vst v51  }
0xc0: {  	v54 =	vld [tilespmem:s24+$0x7CF0];
	v57 =	vmul.f32 v48, v45;
	[tilespmem:s24+$0x7CA0] =	vst v53  }
0xc1: {  	v56 =	vld [tilespmem:s24+$0x7D00];
	v62 =	vbroadcast v3, $0xA;
	v59 =	vmul.f32 v50, v45;
	[tilespmem:s24+$0x7CB0] =	vst v55  }
0xc2: {  	v31 =	vbroadcast v3, $0xB;
	v58 =	vld [tilespmem:s24+$0x7D10];
	v61 =	vmul.f32 v52, v45;
	[tilespmem:s24+$0x7CC0] =	vst v57  }
0xc3: {  	v60 =	vld [tilespmem:s24+$0x7D20];
	v24 =	vmul.f32 v63, v62;
	[tilespmem:s24+$0x7CD0] =	vst v59  }
0xc4: {  	v21 =	vld [tilespmem:s24+$0x7D60];
	v39 =	vmul.f32 v29, v31;
	[tilespmem:s24+$0x7CE0] =	vst v61  }
0xc5: {  	v23 =	vld [tilespmem:s24+$0x7D70];
	v16 =	vmul.f32 v54, v45;
	[tilespmem:s24+$0x7D30] =	vst v24  }
0xc6: {  	v25 =	vld [tilespmem:s24+$0x7D80];
	v18 =	vmul.f32 v56, v62;
	[tilespmem:s24+$0x7DA0] =	vst v39  }
0xc7: {  	v27 =	vld [tilespmem:s24+$0x7D90];
	v20 =	vmul.f32 v58, v62;
	[tilespmem:s24+$0x7CF0] =	vst v16  }
0xc8: {  	v32 =	vld [tilespmem:s24+$0x7DB0];
	v22 =	vmul.f32 v60, v62;
	[tilespmem:s24+$0x7D00] =	vst v18  }
0xc9: {  	v34 =	vld [tilespmem:s24+$0x7DC0];
	v30 =	vmul.f32 v21, v62;
	[tilespmem:s24+$0x7D10] =	vst v20  }
0xca: {  	v36 =	vld [tilespmem:s24+$0x7DD0];
	v33 =	vmul.f32 v23, v62;
	[tilespmem:s24+$0x7D20] =	vst v22  }
0xcb: {  	v38 =	vld [tilespmem:s24+$0x7DE0];
	v35 =	vmul.f32 v25, v31;
	[tilespmem:s24+$0x7D60] =	vst v30  }
0xcc: {  	v40 =	vld [tilespmem:s24+$0x7DF0];
	v37 =	vmul.f32 v27, v31;
	[tilespmem:s24+$0x7D70] =	vst v33  }
0xcd: {  	v42 =	vld [tilespmem:s24+$0x7E00];
	v41 =	vmul.f32 v32, v31;
	[tilespmem:s24+$0x7D80] =	vst v35  }
0xce: {  	v44 =	vld [tilespmem:s24+$0x7E10];
	v43 =	vmul.f32 v34, v31;
	[tilespmem:s24+$0x7D90] =	vst v37  }
0xcf: {  	v17 =	vld [tilespmem:s24+$0x7D40];
	v45 =	vmul.f32 v36, v31;
	[tilespmem:s24+$0x7DB0] =	vst v41  }
0xd0: {  	v19 =	vld [tilespmem:s24+$0x7D50];
	v48 =	vbroadcast v3, $0xC;
	v47 =	vmul.f32 v38, v31;
	[tilespmem:s24+$0x7DC0] =	vst v43  }
0xd1: {  	v46 =	vld [tilespmem:s24+$0x7E20];
	v50 =	vmul.f32 v40, v31;
	[tilespmem:s24+$0x7DD0] =	vst v45  }
0xd2: {  	v49 =	vld [tilespmem:s24+$0x7E30];
	v52 =	vmul.f32 v42, v48;
	[tilespmem:s24+$0x7DE0] =	vst v47  }
0xd3: {  	v51 =	vld [tilespmem:s24+$0x7E40];
	v54 =	vmul.f32 v44, v48;
	[tilespmem:s24+$0x7DF0] =	vst v50  }
0xd4: {  	v53 =	vld [tilespmem:s24+$0x7E50];
	v26 =	vmul.f32 v17, v62;
	[tilespmem:s24+$0x7E00] =	vst v52  }
0xd5: {  	v55 =	vld [tilespmem:s24+$0x7E60];
	v28 =	vmul.f32 v19, v62;
	[tilespmem:s24+$0x7E10] =	vst v54  }
0xd6: {  	v57 =	vld [tilespmem:s24+$0x7E70];
	v56 =	vmul.f32 v46, v48;
	[tilespmem:s24+$0x7D40] =	vst v26  }
0xd7: {  	v59 =	vld [tilespmem:s24+$0x7E80];
	[tilespmem:s24+$0x7D50] =	vst v28;
	v58 =	vmul.f32 v49, v48  }
0xd8: {  	v61 =	vld [tilespmem:s24+$0x7E90];
	[tilespmem:s24+$0x7E20] =	vst v56;
	v60 =	vmul.f32 v51, v48  }
0xd9: {  	v63 =	vld [tilespmem:s24+$0x7EA0];
	v62 =	vmul.f32 v53, v48;
	[tilespmem:s24+$0x7E30] =	vst v58  }
0xda: {  	v24 =	vld [tilespmem:s24+$0x7EE0];
	v17 =	vbroadcast v3, $0xD;
	v16 =	vmul.f32 v55, v48;
	[tilespmem:s24+$0x7E40] =	vst v60  }
0xdb: {  	v32 =	vld [tilespmem:s24+$0x7F20];
	v19 =	vmul.f32 v57, v48;
	[tilespmem:s24+$0x7E50] =	vst v62  }
0xdc: {  	v39 =	vld [tilespmem:s24+$0x7F50];
	v21 =	vmul.f32 v59, v17;
	[tilespmem:s24+$0x7E60] =	vst v16  }
0xdd: {  	v18 =	vld [tilespmem:s24+$0x7EB0];
	v23 =	vmul.f32 v61, v17;
	[tilespmem:s24+$0x7E70] =	vst v19  }
0xde: {  	v34 =	vbroadcast v3, $0xE;
	v20 =	vld [tilespmem:s24+$0x7EC0];
	v25 =	vmul.f32 v63, v17;
	[tilespmem:s24+$0x7E80] =	vst v21  }
0xdf: {  	v22 =	vld [tilespmem:s24+$0x7ED0];
	v33 =	vmul.f32 v24, v17;
	[tilespmem:s24+$0x7E90] =	vst v23  }
0xe0: {  	v30 =	vld [tilespmem:s24+$0x7F10];
	v42 =	vmul.f32 v32, v34;
	[tilespmem:s24+$0x7EA0] =	vst v25  }
0xe1: {  	v35 =	vld [tilespmem:s24+$0x7F30];
	v48 =	vmul.f32 v39, v34;
	[tilespmem:s24+$0x7EE0] =	vst v33  }
0xe2: {  	v37 =	vld [tilespmem:s24+$0x7F40];
	v27 =	vmul.f32 v18, v17;
	[tilespmem:s24+$0x7F20] =	vst v42  }
0xe3: {  	v41 =	vld [tilespmem:s24+$0x7F60];
	v29 =	vmul.f32 v20, v17;
	[tilespmem:s24+$0x7F50] =	vst v48  }
0xe4: {  	v43 =	vld [tilespmem:s24+$0x7F70];
	v31 =	vmul.f32 v22, v17;
	[tilespmem:s24+$0x7EB0] =	vst v27  }
0xe5: {  	v45 =	vld [tilespmem:s24+$0x7F80];
	v40 =	vmul.f32 v30, v34;
	[tilespmem:s24+$0x7EC0] =	vst v29  }
0xe6: {  	v47 =	vld [tilespmem:s24+$0x7F90];
	v44 =	vmul.f32 v35, v34;
	[tilespmem:s24+$0x7ED0] =	vst v31  }
0xe7: {  	v26 =	vld [tilespmem:s24+$0x7EF0];
	v46 =	vmul.f32 v37, v34;
	[tilespmem:s24+$0x7F10] =	vst v40  }
0xe8: {  	v3 =	vbroadcast v3, $0xF;
	v28 =	vld [tilespmem:s24+$0x7F00];
	v50 =	vmul.f32 v41, v34;
	[tilespmem:s24+$0x7F30] =	vst v44  }
0xe9: {  	v49 =	vld [tilespmem:s24+$0x7FA0];
	v52 =	vmul.f32 v43, v34;
	[tilespmem:s24+$0x7F40] =	vst v46  }
0xea: {  	v51 =	vld [tilespmem:s24+$0x7FB0];
	v54 =	vmul.f32 v45, v3;
	[tilespmem:s24+$0x7F60] =	vst v50  }
0xeb: {  	v53 =	vld [tilespmem:s24+$0x7FC0];
	v56 =	vmul.f32 v47, v3;
	[tilespmem:s24+$0x7F70] =	vst v52  }
0xec: {  	v55 =	vld [tilespmem:s24+$0x7FD0];
	v36 =	vmul.f32 v26, v17;
	[tilespmem:s24+$0x7F80] =	vst v54  }
0xed: {  	v57 =	vld [tilespmem:s24+$0x7FE0];
	v38 =	vmul.f32 v28, v34;
	[tilespmem:s24+$0x7F90] =	vst v56  }
0xee: {  	v59 =	vld [tilespmem:s24+$0x7FF0];
	v58 =	vmul.f32 v49, v3;
	[tilespmem:s24+$0x7EF0] =	vst v36  }
0xef: {  	v60 =	vmul.f32 v51, v3;
	[tilespmem:s24+$0x7F00] =	vst v38  }
0xf0: {  	p0 =	sne.s32 s5, $0x7;
	v61 =	vmul.f32 v53, v3;
	[tilespmem:s24+$0x7FA0] =	vst v58  }
.Ltmp1:
0xf1: {  	v62 =	vmul.f32 v55, v3;
	[tilespmem:s24+$0x7FB0] =	vst v60;
	(pc) =	sbr.rel @p0 .LBB2_5-.Ltmp1, $4  }
0xf2: {  	v63 =	vmul.f32 v57, v3;
	[tilespmem:s24+$0x7FC0] =	vst v61  }
0xf3: {  	v3 =	vmul.f32 v59, v3;
	[tilespmem:s24+$0x7FD0] =	vst v62  }
0xf4: {  	[tilespmem:s24+$0x7FE0] =	vst v63  }
0xf5: {  	s5 =	sadd.s32 $0x1, s5;
	[tilespmem:s24+$0x7FF0] =	vst v3  }
0xf6: {  	s2 =	sadd.s32 $0x2800, s2  }
0xf7: {  	[spmem:s3] =	stream.indirect.scatter.add.f32 [tilespmem:s22], [sflag:$0x1], $0x80, s2, s26, $0xb8;
	[tilespmem:$0x1F978] =	vst v63  }
0xf8: {  	s31 =	sadd.s32 $0x1, s31;
	_ =	swait.ge [sflag:s23], $0x4000  }
0xf9: {  	p0 =	sne.s32 s31, $0x4F;
	[sflag:s23] =	ssyncset.done $0x0  }
.Ltmp2:
0xfa: {  	[sflag:s23] =	ssyncadd.s32 $0xFFFFC000;
	(pc) =	sbr.rel @p0 .LBB2_4-.Ltmp2, $4  }
0xfb: {  	[spmem:s4] =	stream.indirect.scatter.add.f32 [tilespmem:s28], [sflag:$0x1], $0x1, s2, s26, $0xb8;
	[tilespmem:$0x1F978] =	vst v63  }
0xfc: {  	_ =	swait.ge [sflag:s23], $0x80  }
0xfd: {  	[sflag:s23] =	ssyncset.done $0x0  }
0xfe: {  	[sflag:s23] =	ssyncadd.s32 $0xFFFFFF80  }
0xff: {  	s2 =	sshll.u32 s0, $0x6  }
0x100: {  	[bflag:$0x0] =	sbarrier.arrive $0xFFFF;
	s5 =	sshrl.u32 s6, $0x3;
	s2 =	sor.u32 $0x1C01, s2  }
0x101: {  	[hbm:s19], [sflag:s2] =	dma.local [spmem:s5], $0x2780  }
0x102: {  	_ =	swait.ge [sflag:s23], $0x2780  }
0x103: {  	[sflag:s23] =	ssyncset.done $0x0  }
0x104: {  	[sflag:s23] =	ssyncadd.s32 $0xFFFFD880  }
0x105: {  	[tilespmem:s29], [sflag:$0x1] =	stream.linear.gather [spmem:s7], $0x278, $0x38;
	[tilespmem:$0x1F978] =	vst v63  }
0x106: {  	s30 =	sadd.s32 $0x1, s30;
	_ =	swait.ge [sflag:s23], $0x278  }
0x107: {  	p0 =	sne.s32 s30, s21;
	[sflag:s23] =	ssyncset.done $0x0  }
.Ltmp3:
0x108: {  	s31 =	simm.s32 $0x0;
	[sflag:s23] =	ssyncadd.s32 $0xFFFFFD88;
	(pc) =	sbr.rel @p0 .LBB2_1-.Ltmp3, $4  }
0x109: {  	[hbm4b:s20+s31] =	stream.linear.scatter [tilespmem:s29], [sflag:$0x1], $0x278, $0x38;
	[tilespmem:$0x1F978] =	vst v63  }
0x10a: {  	_ =	swait.ge [sflag:s23], $0x278  }
0x10b: {  	[sflag:s23] =	ssyncset.done $0x0  }
0x10c: {  	[sflag:s23] =	ssyncadd.s32 $0xFFFFFD88  }
0x10d: {  	_ =	sfence.sel $0x180000  }
0x10e: {  	[bflag:$0x0] =	sbarrier.arrive $0xFFFF  }
0x10f: {  	_ =	strace $0x90000047  }
0x110: {  	[bflag:$0x2] =	sbarrier.arrive $0xFFFF  }
0x111: {  	p0 =	sne.s32 s0, $0x0;
	s0 =	rddreg [dreg:$0x5]  }
0x112: {  	s0 =	sadd.s32 @!p0 $0x100000, s0  }
0x113: {  	[sflag:s0] =	ssyncadd.tile.s32 @!p0 $0x1;
	_ =	shalt  }
.Lfunc_end2:
_tile_overlayer_lowered:
.L_overlay_start_2:
0x114: {  	(tag) =	ssettag $0x2  }
0x115: {  	s0 =	rddreg [dreg:$0x0];
	s2 =	stileid.u32  }
0x116: {  	s1 =	rddreg [dreg:$0x1];
	p0 =	sne.s32 s2, $0x0  }
0x117: {  	s3 =	rddreg [dreg:$0x2];
	[bflag:$0x3] =	sbarrier.arrive $0xFFFF;
	s2 =	simm.s32 @!p0 $0x1C01  }
0x118: {  	[timem:s3], [sflag:s2] =	dma.local @!p0 [hbm:s0], s1  }
0x119: {  	s0 =	simm.s32 @!p0 $0x1  }
0x11a: {  	_ =	swait.ge @!p0 [sflag:s0], s1  }
0x11b: {  	s1 =	ssub.s32 @!p0 $0x0, s1;
	[sflag:s0] =	ssyncset.done @!p0 $0x0  }
0x11c: {  	[sflag:s0] =	ssyncadd.s32 @!p0 s1  }
0x11d: {  	[bflag:$0x3] =	sbarrier.arrive $0xFFFF  }
0x11e: {  	_ =	shalt  }

</sc_bundles>
